<compile_context>
chip_gen: v7x
topology: tpu7x:2x2x1
jax: 0.10.2.dev20260603
libtpu: 0.0.44.dev20260713+nightly
codegen_flags: <defaults>
</compile_context>

<pallas_src>
import functools

import jax
import jax.numpy as jnp
from jax import lax
from jax.experimental import pallas as pl
from jax.experimental.pallas import tpu as pltpu
from jax.experimental.pallas import tpu_sc as plsc

NUM_C = 19
K = 1024
NCODE = 2 * K
NLANE = 16
B, H, W = 4, 512, 512
P = B * H * W
BH = 64
CROW = 32
CROW_SHIFT = 5
NW = 32
NHALF = 2
PH = P // NHALF
ROWS_C = PH // 256
RC_SHIFT = 11
SHROW = NUM_C * ROWS_C // NW
NCHW = SHROW // CROW



def _codes_body(x_ref, t_ref, o_ref):
    x = x_ref[0]
    m = jnp.max(x, axis=0, keepdims=True)
    ex = jnp.exp(x - m)
    s = jnp.sum(ex, axis=0, keepdims=True)
    p = ex / s
    lab = t_ref[...]
    cls = lax.broadcasted_iota(jnp.int32, (NUM_C, BH, W), 0)
    fg = cls == lab
    fgi = fg.astype(jnp.int32)
    e = jnp.abs(fg.astype(jnp.float32) - p)
    b_ = jnp.minimum((e * float(K)).astype(jnp.int32), K - 1)
    lane_id = lax.broadcasted_iota(jnp.int32, (NUM_C, BH, W), 2) & (NLANE - 1)
    addr = ((b_ << 4) | (fgi << 14)) | lane_id
    packed = addr[:, :BH // 2, :] | (addr[:, BH // 2:, :] << 16)
    o_ref[...] = packed.reshape(NUM_C, BH * W // 256, 128)


def _compute_codes(x, t32, half):
    bo = half * (B // NHALF)
    return pl.pallas_call(
        _codes_body,
        grid=(B // NHALF, H // BH),
        in_specs=[
            pl.BlockSpec((1, NUM_C, BH, W), lambda b, h, bo=bo: (b + bo, 0, h, 0)),
            pl.BlockSpec((1, BH, W), lambda b, h, bo=bo: (b + bo, h, 0)),
        ],
        out_specs=pl.BlockSpec((NUM_C, BH * W // 256, 128),
                               lambda b, h: (0, b * (H // BH) + h, 0)),
        out_shape=jax.ShapeDtypeStruct((NUM_C, ROWS_C, 128), jnp.int32),
    )(x, t32)



def _sc_hist_body(codes, out, buf, hist, sem0, sem1):
    cid = lax.axis_index("c")
    sid = lax.axis_index("s")
    w = sid * 2 + cid
    start_row = w * SHROW
    c0 = start_row >> RC_SHIFT
    n1 = jnp.minimum(((c0 + 1) * ROWS_C - start_row) >> CROW_SHIFT, NCHW)

    zero16 = jnp.zeros((NLANE,), jnp.float32)

    def _zero_hist():
        @plsc.parallel_loop(0, NCODE, unroll=8)
        def _zero(i):
            hist[pl.ds(i * NLANE, NLANE)] = zero16

    def _chunk_src(j):
        g = start_row + j * CROW
        lrow = pl.multiple_of(g & (ROWS_C - 1), CROW)
        return codes.at[g >> RC_SHIFT, pl.ds(lrow, CROW)]

    ones16 = jnp.ones((NLANE,), jnp.float32)
    sems = (sem0, sem1)

    pltpu.async_copy(_chunk_src(0), buf.at[0], sem0)
    pltpu.async_copy(_chunk_src(1), buf.at[1], sem1)
    _zero_hist()

    def process(jj, carry):
        for b in range(2):
            j = jj * 2 + b
            pltpu.make_async_copy(_chunk_src(j), buf.at[b], sems[b]).wait()

            @plsc.parallel_loop(0, CROW, unroll=2)
            def _inner(r, b=b):
                for u in range(8):
                    pk = buf[b, r, pl.ds(u * NLANE, NLANE)]
                    plsc.addupdate_scatter(hist, [pk & 0xFFFF], ones16)
                    plsc.addupdate_scatter(
                        hist, [lax.shift_right_logical(pk, 16)], ones16)

            @pl.when(j + 2 < NCHW)
            def _nxt(j=j, b=b):
                pltpu.async_copy(_chunk_src(j + 2), buf.at[b], sems[b])

            @pl.when(j + 1 == n1)
            def _flush0():
                pltpu.sync_copy(hist, out.at[2 * w])
                _zero_hist()
        return carry

    lax.fori_loop(0, NCHW // 2, process, 0)
    pltpu.sync_copy(hist, out.at[2 * w + 1])


@functools.lru_cache(maxsize=1)
def _sc_hist_kernel():
    mesh = plsc.VectorSubcoreMesh(core_axis_name="c", subcore_axis_name="s")
    return pl.kernel(
        _sc_hist_body,
        out_type=jax.ShapeDtypeStruct((2 * NW, NCODE * NLANE), jnp.float32),
        mesh=mesh,
        compiler_params=pltpu.CompilerParams(needs_layout_passes=False),
        scratch_types=[
            pltpu.VMEM((2, CROW, 128), jnp.int32),
            pltpu.VMEM((NCODE * NLANE,), jnp.float32),
            pltpu.SemaphoreType.DMA,
            pltpu.SemaphoreType.DMA,
        ],
    )



def _loss_body(*refs):
    *h_refs, o_ref = refs
    h = h_refs[0][...]
    for r in h_refs[1:]:
        h = h + r[...]
    kk = lax.broadcasted_iota(jnp.int32, (NUM_C, 2 * NW), 1)
    cc = lax.broadcasted_iota(jnp.int32, (NUM_C, 2 * NW), 0)
    cls_k = (((kk >> 1) * SHROW) >> RC_SHIFT) + (kk & 1)
    sel = (cls_k == cc).astype(jnp.float32)
    hc = jnp.dot(sel, h, preferred_element_type=jnp.float32)
    m = jnp.sum(hc.reshape(NUM_C, NCODE, NLANE), axis=2)
    cnt0 = m[:, :K]
    cnt1 = m[:, K:]
    ii = lax.broadcasted_iota(jnp.int32, (K, K), 0)
    jj = lax.broadcasted_iota(jnp.int32, (K, K), 1)
    tri = (ii >= jj).astype(jnp.float32)
    s1 = jnp.dot(cnt1, tri, preferred_element_type=jnp.float32)
    s0 = jnp.dot(cnt0, tri, preferred_element_type=jnp.float32)
    gts = s1[:, :1]
    jac = 1.0 - (gts - s1) / jnp.maximum(gts + s0, 1.0)
    jnx = jnp.concatenate([jac[:, 1:], jnp.zeros((NUM_C, 1), jnp.float32)], axis=1)
    centers = (lax.broadcasted_iota(jnp.int32, (1, K), 1).astype(jnp.float32)
               + 0.5) * (1.0 / K)
    lc = jnp.sum(centers * (jac - jnx), axis=1, keepdims=True)
    pres = (gts > 0.0).astype(jnp.float32)
    loss = jnp.sum(lc * pres) / jnp.maximum(jnp.sum(pres), 1.0)
    o_ref[0, 0] = loss


def _finish_loss(hists):
    return pl.pallas_call(
        _loss_body,
        out_specs=pl.BlockSpec(memory_space=pltpu.SMEM),
        out_shape=jax.ShapeDtypeStruct((1, 1), jnp.float32),
    )(*hists)


def kernel(input, target):
    t32 = target.astype(jnp.int32)
    sc = _sc_hist_kernel()
    hists = []
    for q in range(NHALF):
        codes_q = _compute_codes(input, t32, q)
        hists.append(sc(codes_q))
    loss = _finish_loss(hists)
    return loss.reshape(())

# --- scband reference (transcript-rebuilt; emitter-appended) ---
"""Pipeline reference for scband-lovasz-loss-softmax-48120813584431 (READ-ONLY COPY).

The authoritative reference and input builder live on the scoring server;
editing this copy changes nothing except your own understanding.
"""

import jax, jax.numpy as jnp
import numpy as np

NUM_CLASSES = 19


def lovasz_grad(gt_sorted):
    gts = jnp.sum(gt_sorted)
    intersection = gts - jnp.cumsum(gt_sorted)
    union = gts + jnp.cumsum(1.0 - gt_sorted)
    jaccard = 1.0 - intersection / union
    jaccard = jnp.concatenate([jaccard[:1], jaccard[1:] - jaccard[:-1]])
    return jaccard


def lovasz_softmax(probas, labels):
    # probas: [B, C, H, W] softmax probabilities; labels: [B, H, W] int
    B, C, H, W = probas.shape
    probas_flat = jnp.transpose(probas, (0, 2, 3, 1)).reshape(-1, C)  # [P, C]
    labels_flat = labels.reshape(-1)  # [P]
    losses = []
    presents = []
    for c in range(C):
        fg = (labels_flat == c).astype(jnp.float32)
        errors = jnp.abs(fg - probas_flat[:, c])
        perm = jnp.argsort(-errors)  # descending sort permutation
        errors_sorted = errors[perm]
        fg_sorted = fg[perm]
        grad = jax.lax.stop_gradient(lovasz_grad(fg_sorted))
        loss_c = jnp.dot(errors_sorted, grad)
        present = (jnp.sum(fg) > 0).astype(jnp.float32)
        losses.append(loss_c)
        presents.append(present)
    losses = jnp.stack(losses)
    presents = jnp.stack(presents)
    # classes='present': average only over classes present in the batch
    denom = jnp.maximum(jnp.sum(presents), 1.0)
    return jnp.sum(losses * presents) / denom


def setup_inputs(seed: int = 0) -> dict:
    key = jax.random.key(seed)
    k1, k2 = jax.random.split(key)
    inp = jax.random.normal(k1, (4, NUM_CLASSES, 512, 512), dtype=jnp.float32)
    target = jax.random.randint(k2, (4, 512, 512), 0, NUM_CLASSES).astype(jnp.int64)
    return {"input": inp, "target": target}


def reference(input, target):
    out = jax.nn.softmax(input, axis=1)
    loss = lovasz_softmax(out, target)
    return loss

if __name__ == "__main__":
    import jax
    _d = setup_inputs()
    print(jax.jit(kernel)(*tuple(_d.values())))

</pallas_src>

<mosaic_0001>
#map = affine_map<(d0, d1) -> (0, 0, 0)>
#map1 = affine_map<(d0, d1) -> (0, 0)>
module attributes {stable_mosaic.version = 14 : i64} {
  func.func @_sc_hist_body(%arg0: i32, %arg1: i32, %arg2: memref<19x2048x128xi32, #tpu.memory_space<hbm>>, %arg3: memref<64x32768xf32, #tpu.memory_space<hbm>>, %arg4: memref<2x32x128xi32, #tpu.memory_space<vmem>>, %arg5: memref<32768xf32, #tpu.memory_space<vmem>>, %arg6: memref<!tpu.dma_semaphore, #tpu.memory_space<semaphore_mem>>, %arg7: memref<!tpu.dma_semaphore, #tpu.memory_space<semaphore_mem>>) attributes {dimension_semantics = [#tpu.dimension_semantics<core_parallel>, #tpu.dimension_semantics<subcore_parallel>], iteration_bounds = array<i64: 2, 16>, scalar_prefetch = 0 : i64, scratch_operands = 4 : i64, tpu.core_type = #tpu.core_type<sc_vector_subcore>, window_params = [{transform_indices = #map}, {transform_indices = #map1}]} {
    %mul3A = arith.constant 2 : i32
    %mul3A_0 = arith.muli %arg1, %mul3A : i32
    %add3A = arith.addi %mul3A_0, %arg0 : i32
    %mul3A_1 = arith.constant 1216 : i32
    %mul3A_2 = arith.muli %add3A, %mul3A_1 : i32
    %shift_right_arithmetic3A = arith.constant 11 : i32
    %shift_right_arithmetic3A_3 = arith.shrsi %mul3A_2, %shift_right_arithmetic3A : i32
    %add3A_4 = arith.constant 1 : i32
    %add3A_5 = arith.addi %shift_right_arithmetic3A_3, %add3A_4 : i32
    %mul3A_6 = arith.constant 2048 : i32
    %mul3A_7 = arith.muli %add3A_5, %mul3A_6 : i32
    %sub3A = arith.subi %mul3A_7, %mul3A_2 : i32
    %shift_right_arithmetic3A_8 = arith.constant 5 : i32
    %shift_right_arithmetic3A_9 = arith.shrsi %sub3A, %shift_right_arithmetic3A_8 : i32
    %min3A = arith.constant 38 : i32
    %min3A_10 = arith.minsi %shift_right_arithmetic3A_9, %min3A : i32
    %broadcast_in_dim3A = arith.constant 0.000000e+00 : f32
    %broadcast_in_dim3A_11 = vector.broadcast %broadcast_in_dim3A : f32 to vector<16xf32>
    %broadcast_in_dim3A_12 = arith.constant 1.000000e+00 : f32
    %broadcast_in_dim3A_13 = vector.broadcast %broadcast_in_dim3A_12 : f32 to vector<16xf32>
    %add3A_14 = arith.constant 0 : i32
    %add3A_15 = arith.addi %mul3A_2, %add3A_14 : i32
    %and3A = arith.constant 2047 : i32
    %and3A_16 = arith.andi %add3A_15, %and3A : i32
    %multiple_of3A = tpu.assume_multiple %and3A_16, 32 : i32
    %shift_right_arithmetic3A_17 = arith.constant 11 : i32
    %shift_right_arithmetic3A_18 = arith.shrsi %add3A_15, %shift_right_arithmetic3A_17 : i32
    %dma_start3A = arith.constant 0 : i32
    %dma_start3A_19 = arith.constant 0 : i32
    %dma_start3A_20 = arith.constant 0 : i32
    %dma_start3A_21 = tpu.memref_slice %arg4[%dma_start3A, %dma_start3A_19, %dma_start3A_20] : memref<2x32x128xi32, #tpu.memory_space<vmem>> -> memref<1x32x128xi32, #tpu.memory_space<vmem>>
    %dma_start3A_22 = tpu.memref_squeeze %dma_start3A_21 : memref<1x32x128xi32, #tpu.memory_space<vmem>> -> memref<32x128xi32, #tpu.memory_space<vmem>>
    %dma_start3A_23 = arith.constant 0 : i32
    %dma_start3A_24 = tpu.memref_slice %arg2[%shift_right_arithmetic3A_18, %multiple_of3A, %dma_start3A_23] : memref<19x2048x128xi32, #tpu.memory_space<hbm>> -> memref<1x32x128xi32, #tpu.memory_space<hbm>>
    %dma_start3A_25 = tpu.memref_squeeze %dma_start3A_24 : memref<1x32x128xi32, #tpu.memory_space<hbm>> -> memref<32x128xi32, #tpu.memory_space<hbm>>
    %dma_start3A_26 = arith.constant 0 : i32
    %dma_start3A_27 = arith.constant 0 : i32
    %dma_start3A_28 = tpu.memref_slice %arg4[%dma_start3A, %dma_start3A_26, %dma_start3A_27] : memref<2x32x128xi32, #tpu.memory_space<vmem>> -> memref<1x32x128xi32, #tpu.memory_space<vmem>>
    %dma_start3A_29 = tpu.memref_squeeze %dma_start3A_28 : memref<1x32x128xi32, #tpu.memory_space<vmem>> -> memref<32x128xi32, #tpu.memory_space<vmem>>
    %dma_start3A_30 = arith.constant 0 : i32
    %dma_start3A_31 = tpu.memref_slice %arg2[%shift_right_arithmetic3A_18, %multiple_of3A, %dma_start3A_30] : memref<19x2048x128xi32, #tpu.memory_space<hbm>> -> memref<1x32x128xi32, #tpu.memory_space<hbm>>
    %dma_start3A_32 = tpu.memref_squeeze %dma_start3A_31 : memref<1x32x128xi32, #tpu.memory_space<hbm>> -> memref<32x128xi32, #tpu.memory_space<hbm>>
    tpu.enqueue_dma source(%dma_start3A_32 : memref<32x128xi32, #tpu.memory_space<hbm>>) target(%dma_start3A_29 : memref<32x128xi32, #tpu.memory_space<vmem>>) target_semaphore(%arg6 : memref<!tpu.dma_semaphore, #tpu.memory_space<semaphore_mem>>)
    %add3A_33 = arith.constant 32 : i32
    %add3A_34 = arith.addi %mul3A_2, %add3A_33 : i32
    %and3A_35 = arith.constant 2047 : i32
    %and3A_36 = arith.andi %add3A_34, %and3A_35 : i32
    %multiple_of3A_37 = tpu.assume_multiple %and3A_36, 32 : i32
    %shift_right_arithmetic3A_38 = arith.constant 11 : i32
    %shift_right_arithmetic3A_39 = arith.shrsi %add3A_34, %shift_right_arithmetic3A_38 : i32
    %dma_start3A_40 = arith.constant 1 : i32
    %dma_start3A_41 = arith.constant 0 : i32
    %dma_start3A_42 = arith.constant 0 : i32
    %dma_start3A_43 = tpu.memref_slice %arg4[%dma_start3A_40, %dma_start3A_41, %dma_start3A_42] : memref<2x32x128xi32, #tpu.memory_space<vmem>> -> memref<1x32x128xi32, #tpu.memory_space<vmem>>
    %dma_start3A_44 = tpu.memref_squeeze %dma_start3A_43 : memref<1x32x128xi32, #tpu.memory_space<vmem>> -> memref<32x128xi32, #tpu.memory_space<vmem>>
    %dma_start3A_45 = arith.constant 0 : i32
    %dma_start3A_46 = tpu.memref_slice %arg2[%shift_right_arithmetic3A_39, %multiple_of3A_37, %dma_start3A_45] : memref<19x2048x128xi32, #tpu.memory_space<hbm>> -> memref<1x32x128xi32, #tpu.memory_space<hbm>>
    %dma_start3A_47 = tpu.memref_squeeze %dma_start3A_46 : memref<1x32x128xi32, #tpu.memory_space<hbm>> -> memref<32x128xi32, #tpu.memory_space<hbm>>
    %dma_start3A_48 = arith.constant 0 : i32
    %dma_start3A_49 = arith.constant 0 : i32
    %dma_start3A_50 = tpu.memref_slice %arg4[%dma_start3A_40, %dma_start3A_48, %dma_start3A_49] : memref<2x32x128xi32, #tpu.memory_space<vmem>> -> memref<1x32x128xi32, #tpu.memory_space<vmem>>
    %dma_start3A_51 = tpu.memref_squeeze %dma_start3A_50 : memref<1x32x128xi32, #tpu.memory_space<vmem>> -> memref<32x128xi32, #tpu.memory_space<vmem>>
    %dma_start3A_52 = arith.constant 0 : i32
    %dma_start3A_53 = tpu.memref_slice %arg2[%shift_right_arithmetic3A_39, %multiple_of3A_37, %dma_start3A_52] : memref<19x2048x128xi32, #tpu.memory_space<hbm>> -> memref<1x32x128xi32, #tpu.memory_space<hbm>>
    %dma_start3A_54 = tpu.memref_squeeze %dma_start3A_53 : memref<1x32x128xi32, #tpu.memory_space<hbm>> -> memref<32x128xi32, #tpu.memory_space<hbm>>
    tpu.enqueue_dma source(%dma_start3A_54 : memref<32x128xi32, #tpu.memory_space<hbm>>) target(%dma_start3A_51 : memref<32x128xi32, #tpu.memory_space<vmem>>) target_semaphore(%arg7 : memref<!tpu.dma_semaphore, #tpu.memory_space<semaphore_mem>>)
    %parallel_loop3A = arith.constant 0 : i32
    %parallel_loop3A_55 = arith.constant 2048 : i32
    %parallel_loop3A_56 = arith.constant 1 : i32
    scf.for %parallel_loop3A_66 = %parallel_loop3A to %parallel_loop3A_55 step %parallel_loop3A_56  : i32 {
      %parallel_loop3A_67 = arith.constant 16 : i32
      %parallel_loop3A_68 = arith.muli %parallel_loop3A_66, %parallel_loop3A_67 : i32
      %parallel_loop3A_69 = arith.index_cast %parallel_loop3A_68 : i32 to index
      %parallel_loop3A_70 = tpu.vector_load %arg5[%parallel_loop3A_69] {strides = array<i32>} : memref<32768xf32, #tpu.memory_space<vmem>>, vector<16xf32>,
      tpu.vector_store %arg5[%parallel_loop3A_69], %broadcast_in_dim3A_11 {strides = array<i32>} : memref<32768xf32, #tpu.memory_space<vmem>>, vector<16xf32>,
    } {sc.loop_unroll_factor = 8 : i64, sc.parallel_access}
    %scan3A = arith.constant 0 : i32
    %scan3A_57 = arith.constant 0 : i32
    %scan3A_58 = arith.constant 19 : i32
    %scan3A_59 = arith.addi %scan3A_57, %scan3A_58 : i32
    %scan3A_60 = arith.constant 1 : i32
    scf.for %scan3A_66 = %scan3A_57 to %scan3A_59 step %scan3A_60  : i32 {
      %mul3A_67 = arith.constant 2 : i32
      %mul3A_68 = arith.muli %scan3A_66, %mul3A_67 : i32
      %add3A_69 = arith.constant 0 : i32
      %add3A_70 = arith.addi %mul3A_68, %add3A_69 : i32
      %mul3A_71 = arith.constant 32 : i32
      %mul3A_72 = arith.muli %add3A_70, %mul3A_71 : i32
      %add3A_73 = arith.addi %mul3A_2, %mul3A_72 : i32
      %and3A_74 = arith.constant 2047 : i32
      %and3A_75 = arith.andi %add3A_73, %and3A_74 : i32
      %multiple_of3A_76 = tpu.assume_multiple %and3A_75, 32 : i32
      %shift_right_arithmetic3A_77 = arith.constant 11 : i32
      %shift_right_arithmetic3A_78 = arith.shrsi %add3A_73, %shift_right_arithmetic3A_77 : i32
      %dma_wait3A = arith.constant 0 : i32
      %dma_wait3A_79 = arith.constant 0 : i32
      %dma_wait3A_80 = arith.constant 0 : i32
      %dma_wait3A_81 = tpu.memref_slice %arg4[%dma_wait3A, %dma_wait3A_79, %dma_wait3A_80] : memref<2x32x128xi32, #tpu.memory_space<vmem>> -> memref<1x32x128xi32, #tpu.memory_space<vmem>>
      %dma_wait3A_82 = tpu.memref_squeeze %dma_wait3A_81 : memref<1x32x128xi32, #tpu.memory_space<vmem>> -> memref<32x128xi32, #tpu.memory_space<vmem>>
      %dma_wait3A_83 = arith.constant 0 : i32
      %dma_wait3A_84 = tpu.memref_slice %arg2[%shift_right_arithmetic3A_78, %multiple_of3A_76, %dma_wait3A_83] : memref<19x2048x128xi32, #tpu.memory_space<hbm>> -> memref<1x32x128xi32, #tpu.memory_space<hbm>>
      %dma_wait3A_85 = tpu.memref_squeeze %dma_wait3A_84 : memref<1x32x128xi32, #tpu.memory_space<hbm>> -> memref<32x128xi32, #tpu.memory_space<hbm>>
      %dma_wait3A_86 = arith.constant 0 : i32
      %dma_wait3A_87 = arith.constant 0 : i32
      %dma_wait3A_88 = tpu.memref_slice %arg4[%dma_wait3A, %dma_wait3A_86, %dma_wait3A_87] : memref<2x32x128xi32, #tpu.memory_space<vmem>> -> memref<1x32x128xi32, #tpu.memory_space<vmem>>
      %dma_wait3A_89 = tpu.memref_squeeze %dma_wait3A_88 : memref<1x32x128xi32, #tpu.memory_space<vmem>> -> memref<32x128xi32, #tpu.memory_space<vmem>>
      %dma_wait3A_90 = arith.constant 0 : i32
      %dma_wait3A_91 = tpu.memref_slice %arg2[%shift_right_arithmetic3A_78, %multiple_of3A_76, %dma_wait3A_90] : memref<19x2048x128xi32, #tpu.memory_space<hbm>> -> memref<1x32x128xi32, #tpu.memory_space<hbm>>
      %dma_wait3A_92 = tpu.memref_squeeze %dma_wait3A_91 : memref<1x32x128xi32, #tpu.memory_space<hbm>> -> memref<32x128xi32, #tpu.memory_space<hbm>>
      tpu.wait_dma2 semaphore(%arg6 : memref<!tpu.dma_semaphore, #tpu.memory_space<semaphore_mem>>) src(%dma_wait3A_92 : memref<32x128xi32, #tpu.memory_space<hbm>>) dst(%dma_wait3A_89 : memref<32x128xi32, #tpu.memory_space<vmem>>)
      %parallel_loop3A_93 = arith.constant 0 : i32
      %parallel_loop3A_94 = arith.constant 32 : i32
      %parallel_loop3A_95 = arith.constant 1 : i32
      scf.for %parallel_loop3A_148 = %parallel_loop3A_93 to %parallel_loop3A_94 step %parallel_loop3A_95  : i32 {
        %parallel_loop3A_149 = arith.constant 0 : i32
        %parallel_loop3A_150 = arith.index_cast %parallel_loop3A_149 : i32 to index
        %parallel_loop3A_151 = arith.index_cast %parallel_loop3A_148 : i32 to index
        %parallel_loop3A_152 = arith.constant 0 : index
        %parallel_loop3A_153 = tpu.vector_load %arg4[%parallel_loop3A_150, %parallel_loop3A_151, %parallel_loop3A_152] {strides = array<i32>} : memref<2x32x128xi32, #tpu.memory_space<vmem>>, vector<16xi32>,
        %parallel_loop3A_154 = arith.constant 65535 : i32
        %parallel_loop3A_155 = vector.broadcast %parallel_loop3A_154 : i32 to vector<16xi32>
        %parallel_loop3A_156 = arith.andi %parallel_loop3A_153, %parallel_loop3A_155 : vector<16xi32>
        tpu.vector_store_idx %arg5[%parallel_loop3A_156], %broadcast_in_dim3A_13 {add = true} : memref<32768xf32, #tpu.memory_space<vmem>>[vector<16xi32>], vector<16xf32>,
        %parallel_loop3A_157 = arith.constant 16 : i32
        %parallel_loop3A_158 = vector.broadcast %parallel_loop3A_157 : i32 to vector<16xi32>
        %parallel_loop3A_159 = arith.shrui %parallel_loop3A_153, %parallel_loop3A_158 : vector<16xi32>
        tpu.vector_store_idx %arg5[%parallel_loop3A_159], %broadcast_in_dim3A_13 {add = true} : memref<32768xf32, #tpu.memory_space<vmem>>[vector<16xi32>], vector<16xf32>,
        %parallel_loop3A_160 = arith.constant 0 : i32
        %parallel_loop3A_161 = arith.index_cast %parallel_loop3A_160 : i32 to index
        %parallel_loop3A_162 = arith.index_cast %parallel_loop3A_148 : i32 to index
        %parallel_loop3A_163 = arith.constant 16 : index
        %parallel_loop3A_164 = tpu.vector_load %arg4[%parallel_loop3A_161, %parallel_loop3A_162, %parallel_loop3A_163] {strides = array<i32>} : memref<2x32x128xi32, #tpu.memory_space<vmem>>, vector<16xi32>,
        %parallel_loop3A_165 = arith.constant 65535 : i32
        %parallel_loop3A_166 = vector.broadcast %parallel_loop3A_165 : i32 to vector<16xi32>
        %parallel_loop3A_167 = arith.andi %parallel_loop3A_164, %parallel_loop3A_166 : vector<16xi32>
        tpu.vector_store_idx %arg5[%parallel_loop3A_167], %broadcast_in_dim3A_13 {add = true} : memref<32768xf32, #tpu.memory_space<vmem>>[vector<16xi32>], vector<16xf32>,
        %parallel_loop3A_168 = arith.constant 16 : i32
        %parallel_loop3A_169 = vector.broadcast %parallel_loop3A_168 : i32 to vector<16xi32>
        %parallel_loop3A_170 = arith.shrui %parallel_loop3A_164, %parallel_loop3A_169 : vector<16xi32>
        tpu.vector_store_idx %arg5[%parallel_loop3A_170], %broadcast_in_dim3A_13 {add = true} : memref<32768xf32, #tpu.memory_space<vmem>>[vector<16xi32>], vector<16xf32>,
        %parallel_loop3A_171 = arith.constant 0 : i32
        %parallel_loop3A_172 = arith.index_cast %parallel_loop3A_171 : i32 to index
        %parallel_loop3A_173 = arith.index_cast %parallel_loop3A_148 : i32 to index
        %parallel_loop3A_174 = arith.constant 32 : index
        %parallel_loop3A_175 = tpu.vector_load %arg4[%parallel_loop3A_172, %parallel_loop3A_173, %parallel_loop3A_174] {strides = array<i32>} : memref<2x32x128xi32, #tpu.memory_space<vmem>>, vector<16xi32>,
        %parallel_loop3A_176 = arith.constant 65535 : i32
        %parallel_loop3A_177 = vector.broadcast %parallel_loop3A_176 : i32 to vector<16xi32>
        %parallel_loop3A_178 = arith.andi %parallel_loop3A_175, %parallel_loop3A_177 : vector<16xi32>
        tpu.vector_store_idx %arg5[%parallel_loop3A_178], %broadcast_in_dim3A_13 {add = true} : memref<32768xf32, #tpu.memory_space<vmem>>[vector<16xi32>], vector<16xf32>,
        %parallel_loop3A_179 = arith.constant 16 : i32
        %parallel_loop3A_180 = vector.broadcast %parallel_loop3A_179 : i32 to vector<16xi32>
        %parallel_loop3A_181 = arith.shrui %parallel_loop3A_175, %parallel_loop3A_180 : vector<16xi32>
        tpu.vector_store_idx %arg5[%parallel_loop3A_181], %broadcast_in_dim3A_13 {add = true} : memref<32768xf32, #tpu.memory_space<vmem>>[vector<16xi32>], vector<16xf32>,
        %parallel_loop3A_182 = arith.constant 0 : i32
        %parallel_loop3A_183 = arith.index_cast %parallel_loop3A_182 : i32 to index
        %parallel_loop3A_184 = arith.index_cast %parallel_loop3A_148 : i32 to index
        %parallel_loop3A_185 = arith.constant 48 : index
        %parallel_loop3A_186 = tpu.vector_load %arg4[%parallel_loop3A_183, %parallel_loop3A_184, %parallel_loop3A_185] {strides = array<i32>} : memref<2x32x128xi32, #tpu.memory_space<vmem>>, vector<16xi32>,
        %parallel_loop3A_187 = arith.constant 65535 : i32
        %parallel_loop3A_188 = vector.broadcast %parallel_loop3A_187 : i32 to vector<16xi32>
        %parallel_loop3A_189 = arith.andi %parallel_loop3A_186, %parallel_loop3A_188 : vector<16xi32>
        tpu.vector_store_idx %arg5[%parallel_loop3A_189], %broadcast_in_dim3A_13 {add = true} : memref<32768xf32, #tpu.memory_space<vmem>>[vector<16xi32>], vector<16xf32>,
        %parallel_loop3A_190 = arith.constant 16 : i32
        %parallel_loop3A_191 = vector.broadcast %parallel_loop3A_190 : i32 to vector<16xi32>
        %parallel_loop3A_192 = arith.shrui %parallel_loop3A_186, %parallel_loop3A_191 : vector<16xi32>
        tpu.vector_store_idx %arg5[%parallel_loop3A_192], %broadcast_in_dim3A_13 {add = true} : memref<32768xf32, #tpu.memory_space<vmem>>[vector<16xi32>], vector<16xf32>,
        %parallel_loop3A_193 = arith.constant 0 : i32
        %parallel_loop3A_194 = arith.index_cast %parallel_loop3A_193 : i32 to index
        %parallel_loop3A_195 = arith.index_cast %parallel_loop3A_148 : i32 to index
        %parallel_loop3A_196 = arith.constant 64 : index
        %parallel_loop3A_197 = tpu.vector_load %arg4[%parallel_loop3A_194, %parallel_loop3A_195, %parallel_loop3A_196] {strides = array<i32>} : memref<2x32x128xi32, #tpu.memory_space<vmem>>, vector<16xi32>,
        %parallel_loop3A_198 = arith.constant 65535 : i32
        %parallel_loop3A_199 = vector.broadcast %parallel_loop3A_198 : i32 to vector<16xi32>
        %parallel_loop3A_200 = arith.andi %parallel_loop3A_197, %parallel_loop3A_199 : vector<16xi32>
        tpu.vector_store_idx %arg5[%parallel_loop3A_200], %broadcast_in_dim3A_13 {add = true} : memref<32768xf32, #tpu.memory_space<vmem>>[vector<16xi32>], vector<16xf32>,
        %parallel_loop3A_201 = arith.constant 16 : i32
        %parallel_loop3A_202 = vector.broadcast %parallel_loop3A_201 : i32 to vector<16xi32>
        %parallel_loop3A_203 = arith.shrui %parallel_loop3A_197, %parallel_loop3A_202 : vector<16xi32>
        tpu.vector_store_idx %arg5[%parallel_loop3A_203], %broadcast_in_dim3A_13 {add = true} : memref<32768xf32, #tpu.memory_space<vmem>>[vector<16xi32>], vector<16xf32>,
        %parallel_loop3A_204 = arith.constant 0 : i32
        %parallel_loop3A_205 = arith.index_cast %parallel_loop3A_204 : i32 to index
        %parallel_loop3A_206 = arith.index_cast %parallel_loop3A_148 : i32 to index
        %parallel_loop3A_207 = arith.constant 80 : index
        %parallel_loop3A_208 = tpu.vector_load %arg4[%parallel_loop3A_205, %parallel_loop3A_206, %parallel_loop3A_207] {strides = array<i32>} : memref<2x32x128xi32, #tpu.memory_space<vmem>>, vector<16xi32>,
        %parallel_loop3A_209 = arith.constant 65535 : i32
        %parallel_loop3A_210 = vector.broadcast %parallel_loop3A_209 : i32 to vector<16xi32>
        %parallel_loop3A_211 = arith.andi %parallel_loop3A_208, %parallel_loop3A_210 : vector<16xi32>
        tpu.vector_store_idx %arg5[%parallel_loop3A_211], %broadcast_in_dim3A_13 {add = true} : memref<32768xf32, #tpu.memory_space<vmem>>[vector<16xi32>], vector<16xf32>,
        %parallel_loop3A_212 = arith.constant 16 : i32
        %parallel_loop3A_213 = vector.broadcast %parallel_loop3A_212 : i32 to vector<16xi32>
        %parallel_loop3A_214 = arith.shrui %parallel_loop3A_208, %parallel_loop3A_213 : vector<16xi32>
        tpu.vector_store_idx %arg5[%parallel_loop3A_214], %broadcast_in_dim3A_13 {add = true} : memref<32768xf32, #tpu.memory_space<vmem>>[vector<16xi32>], vector<16xf32>,
        %parallel_loop3A_215 = arith.constant 0 : i32
        %parallel_loop3A_216 = arith.index_cast %parallel_loop3A_215 : i32 to index
        %parallel_loop3A_217 = arith.index_cast %parallel_loop3A_148 : i32 to index
        %parallel_loop3A_218 = arith.constant 96 : index
        %parallel_loop3A_219 = tpu.vector_load %arg4[%parallel_loop3A_216, %parallel_loop3A_217, %parallel_loop3A_218] {strides = array<i32>} : memref<2x32x128xi32, #tpu.memory_space<vmem>>, vector<16xi32>,
        %parallel_loop3A_220 = arith.constant 65535 : i32
        %parallel_loop3A_221 = vector.broadcast %parallel_loop3A_220 : i32 to vector<16xi32>
        %parallel_loop3A_222 = arith.andi %parallel_loop3A_219, %parallel_loop3A_221 : vector<16xi32>
        tpu.vector_store_idx %arg5[%parallel_loop3A_222], %broadcast_in_dim3A_13 {add = true} : memref<32768xf32, #tpu.memory_space<vmem>>[vector<16xi32>], vector<16xf32>,
        %parallel_loop3A_223 = arith.constant 16 : i32
        %parallel_loop3A_224 = vector.broadcast %parallel_loop3A_223 : i32 to vector<16xi32>
        %parallel_loop3A_225 = arith.shrui %parallel_loop3A_219, %parallel_loop3A_224 : vector<16xi32>
        tpu.vector_store_idx %arg5[%parallel_loop3A_225], %broadcast_in_dim3A_13 {add = true} : memref<32768xf32, #tpu.memory_space<vmem>>[vector<16xi32>], vector<16xf32>,
        %parallel_loop3A_226 = arith.constant 0 : i32
        %parallel_loop3A_227 = arith.index_cast %parallel_loop3A_226 : i32 to index
        %parallel_loop3A_228 = arith.index_cast %parallel_loop3A_148 : i32 to index
        %parallel_loop3A_229 = arith.constant 112 : index
        %parallel_loop3A_230 = tpu.vector_load %arg4[%parallel_loop3A_227, %parallel_loop3A_228, %parallel_loop3A_229] {strides = array<i32>} : memref<2x32x128xi32, #tpu.memory_space<vmem>>, vector<16xi32>,
        %parallel_loop3A_231 = arith.constant 65535 : i32
        %parallel_loop3A_232 = vector.broadcast %parallel_loop3A_231 : i32 to vector<16xi32>
        %parallel_loop3A_233 = arith.andi %parallel_loop3A_230, %parallel_loop3A_232 : vector<16xi32>
        tpu.vector_store_idx %arg5[%parallel_loop3A_233], %broadcast_in_dim3A_13 {add = true} : memref<32768xf32, #tpu.memory_space<vmem>>[vector<16xi32>], vector<16xf32>,
        %parallel_loop3A_234 = arith.constant 16 : i32
        %parallel_loop3A_235 = vector.broadcast %parallel_loop3A_234 : i32 to vector<16xi32>
        %parallel_loop3A_236 = arith.shrui %parallel_loop3A_230, %parallel_loop3A_235 : vector<16xi32>
        tpu.vector_store_idx %arg5[%parallel_loop3A_236], %broadcast_in_dim3A_13 {add = true} : memref<32768xf32, #tpu.memory_space<vmem>>[vector<16xi32>], vector<16xf32>,
      } {sc.loop_unroll_factor = 2 : i64, sc.parallel_access}
      %add3A_96 = arith.constant 2 : i32
      %add3A_97 = arith.addi %add3A_70, %add3A_96 : i32
      %lt3A = arith.constant 38 : i32
      %lt3A_98 = arith.cmpi slt, %add3A_97, %lt3A : i32
      %convert_element_type3A = arith.extui %lt3A_98 : i1 to i32
      %cond3A = arith.constant 0 : i32
      %cond3A_99 = arith.cmpi ne, %convert_element_type3A, %cond3A : i32
      scf.if %cond3A_99 {
        %add3A_148 = arith.constant 2 : i32
        %add3A_149 = arith.addi %add3A_70, %add3A_148 : i32
        %mul3A_150 = arith.constant 32 : i32
        %mul3A_151 = arith.muli %add3A_149, %mul3A_150 : i32
        %add3A_152 = arith.addi %mul3A_2, %mul3A_151 : i32
        %and3A_153 = arith.constant 2047 : i32
        %and3A_154 = arith.andi %add3A_152, %and3A_153 : i32
        %multiple_of3A_155 = tpu.assume_multiple %and3A_154, 32 : i32
        %shift_right_arithmetic3A_156 = arith.constant 11 : i32
        %shift_right_arithmetic3A_157 = arith.shrsi %add3A_152, %shift_right_arithmetic3A_156 : i32
        %dma_start3A_158 = arith.constant 0 : i32
        %dma_start3A_159 = arith.constant 0 : i32
        %dma_start3A_160 = arith.constant 0 : i32
        %dma_start3A_161 = tpu.memref_slice %arg4[%dma_start3A_158, %dma_start3A_159, %dma_start3A_160] : memref<2x32x128xi32, #tpu.memory_space<vmem>> -> memref<1x32x128xi32, #tpu.memory_space<vmem>>
        %dma_start3A_162 = tpu.memref_squeeze %dma_start3A_161 : memref<1x32x128xi32, #tpu.memory_space<vmem>> -> memref<32x128xi32, #tpu.memory_space<vmem>>
        %dma_start3A_163 = arith.constant 0 : i32
        %dma_start3A_164 = tpu.memref_slice %arg2[%shift_right_arithmetic3A_157, %multiple_of3A_155, %dma_start3A_163] : memref<19x2048x128xi32, #tpu.memory_space<hbm>> -> memref<1x32x128xi32, #tpu.memory_space<hbm>>
        %dma_start3A_165 = tpu.memref_squeeze %dma_start3A_164 : memref<1x32x128xi32, #tpu.memory_space<hbm>> -> memref<32x128xi32, #tpu.memory_space<hbm>>
        %dma_start3A_166 = arith.constant 0 : i32
        %dma_start3A_167 = arith.constant 0 : i32
        %dma_start3A_168 = tpu.memref_slice %arg4[%dma_start3A_158, %dma_start3A_166, %dma_start3A_167] : memref<2x32x128xi32, #tpu.memory_space<vmem>> -> memref<1x32x128xi32, #tpu.memory_space<vmem>>
        %dma_start3A_169 = tpu.memref_squeeze %dma_start3A_168 : memref<1x32x128xi32, #tpu.memory_space<vmem>> -> memref<32x128xi32, #tpu.memory_space<vmem>>
        %dma_start3A_170 = arith.constant 0 : i32
        %dma_start3A_171 = tpu.memref_slice %arg2[%shift_right_arithmetic3A_157, %multiple_of3A_155, %dma_start3A_170] : memref<19x2048x128xi32, #tpu.memory_space<hbm>> -> memref<1x32x128xi32, #tpu.memory_space<hbm>>
        %dma_start3A_172 = tpu.memref_squeeze %dma_start3A_171 : memref<1x32x128xi32, #tpu.memory_space<hbm>> -> memref<32x128xi32, #tpu.memory_space<hbm>>
        tpu.enqueue_dma source(%dma_start3A_172 : memref<32x128xi32, #tpu.memory_space<hbm>>) target(%dma_start3A_169 : memref<32x128xi32, #tpu.memory_space<vmem>>) target_semaphore(%arg6 : memref<!tpu.dma_semaphore, #tpu.memory_space<semaphore_mem>>)
      } else {
      }
      %add3A_100 = arith.constant 1 : i32
      %add3A_101 = arith.addi %add3A_70, %add3A_100 : i32
      %eq3A = arith.cmpi eq, %add3A_101, %min3A_10 : i32
      %convert_element_type3A_102 = arith.extui %eq3A : i1 to i32
      %cond3A_103 = arith.constant 0 : i32
      %cond3A_104 = arith.cmpi ne, %convert_element_type3A_102, %cond3A_103 : i32
      scf.if %cond3A_104 {
        %mul3A_148 = arith.constant 2 : i32
        %mul3A_149 = arith.muli %mul3A_148, %add3A : i32
        "tpu.region"() ({
          %run_scoped3A = tpu.sem_alloc : memref<!tpu.dma_semaphore, #tpu.memory_space<semaphore_mem>>
          %dma_start3A_153 = arith.constant 0 : i32
          %dma_start3A_154 = tpu.memref_slice %arg3[%mul3A_149, %dma_start3A_153] : memref<64x32768xf32, #tpu.memory_space<hbm>> -> memref<1x32768xf32, #tpu.memory_space<hbm>>
          %dma_start3A_155 = tpu.memref_squeeze %dma_start3A_154 : memref<1x32768xf32, #tpu.memory_space<hbm>> -> memref<32768xf32, #tpu.memory_space<hbm>>
          %dma_start3A_156 = arith.constant 0 : i32
          %dma_start3A_157 = tpu.memref_slice %arg3[%mul3A_149, %dma_start3A_156] : memref<64x32768xf32, #tpu.memory_space<hbm>> -> memref<1x32768xf32, #tpu.memory_space<hbm>>
          %dma_start3A_158 = tpu.memref_squeeze %dma_start3A_157 : memref<1x32768xf32, #tpu.memory_space<hbm>> -> memref<32768xf32, #tpu.memory_space<hbm>>
          tpu.enqueue_dma source(%arg5 : memref<32768xf32, #tpu.memory_space<vmem>>) target(%dma_start3A_158 : memref<32768xf32, #tpu.memory_space<hbm>>) target_semaphore(%run_scoped3A : memref<!tpu.dma_semaphore, #tpu.memory_space<semaphore_mem>>)
          %dma_wait3A_159 = arith.constant 0 : i32
          %dma_wait3A_160 = tpu.memref_slice %arg3[%mul3A_149, %dma_wait3A_159] : memref<64x32768xf32, #tpu.memory_space<hbm>> -> memref<1x32768xf32, #tpu.memory_space<hbm>>
          %dma_wait3A_161 = tpu.memref_squeeze %dma_wait3A_160 : memref<1x32768xf32, #tpu.memory_space<hbm>> -> memref<32768xf32, #tpu.memory_space<hbm>>
          %dma_wait3A_162 = arith.constant 0 : i32
          %dma_wait3A_163 = tpu.memref_slice %arg3[%mul3A_149, %dma_wait3A_162] : memref<64x32768xf32, #tpu.memory_space<hbm>> -> memref<1x32768xf32, #tpu.memory_space<hbm>>
          %dma_wait3A_164 = tpu.memref_squeeze %dma_wait3A_163 : memref<1x32768xf32, #tpu.memory_space<hbm>> -> memref<32768xf32, #tpu.memory_space<hbm>>
          tpu.wait_dma2 semaphore(%run_scoped3A : memref<!tpu.dma_semaphore, #tpu.memory_space<semaphore_mem>>) src(%arg5 : memref<32768xf32, #tpu.memory_space<vmem>>) dst(%dma_wait3A_164 : memref<32768xf32, #tpu.memory_space<hbm>>)
          tpu.yield
        }) : () -> ()
        %parallel_loop3A_150 = arith.constant 0 : i32
        %parallel_loop3A_151 = arith.constant 2048 : i32
        %parallel_loop3A_152 = arith.constant 1 : i32
        scf.for %parallel_loop3A_153 = %parallel_loop3A_150 to %parallel_loop3A_151 step %parallel_loop3A_152  : i32 {
          %parallel_loop3A_154 = arith.constant 16 : i32
          %parallel_loop3A_155 = arith.muli %parallel_loop3A_153, %parallel_loop3A_154 : i32
          %parallel_loop3A_156 = arith.index_cast %parallel_loop3A_155 : i32 to index
          %parallel_loop3A_157 = tpu.vector_load %arg5[%parallel_loop3A_156] {strides = array<i32>} : memref<32768xf32, #tpu.memory_space<vmem>>, vector<16xf32>,
          tpu.vector_store %arg5[%parallel_loop3A_156], %broadcast_in_dim3A_11 {strides = array<i32>} : memref<32768xf32, #tpu.memory_space<vmem>>, vector<16xf32>,
        } {sc.loop_unroll_factor = 8 : i64, sc.parallel_access}
      } else {
      }
      %mul3A_105 = arith.constant 2 : i32
      %mul3A_106 = arith.muli %scan3A_66, %mul3A_105 : i32
      %add3A_107 = arith.constant 1 : i32
      %add3A_108 = arith.addi %mul3A_106, %add3A_107 : i32
      %mul3A_109 = arith.constant 32 : i32
      %mul3A_110 = arith.muli %add3A_108, %mul3A_109 : i32
      %add3A_111 = arith.addi %mul3A_2, %mul3A_110 : i32
      %and3A_112 = arith.constant 2047 : i32
      %and3A_113 = arith.andi %add3A_111, %and3A_112 : i32
      %multiple_of3A_114 = tpu.assume_multiple %and3A_113, 32 : i32
      %shift_right_arithmetic3A_115 = arith.constant 11 : i32
      %shift_right_arithmetic3A_116 = arith.shrsi %add3A_111, %shift_right_arithmetic3A_115 : i32
      %dma_wait3A_117 = arith.constant 1 : i32
      %dma_wait3A_118 = arith.constant 0 : i32
      %dma_wait3A_119 = arith.constant 0 : i32
      %dma_wait3A_120 = tpu.memref_slice %arg4[%dma_wait3A_117, %dma_wait3A_118, %dma_wait3A_119] : memref<2x32x128xi32, #tpu.memory_space<vmem>> -> memref<1x32x128xi32, #tpu.memory_space<vmem>>
      %dma_wait3A_121 = tpu.memref_squeeze %dma_wait3A_120 : memref<1x32x128xi32, #tpu.memory_space<vmem>> -> memref<32x128xi32, #tpu.memory_space<vmem>>
      %dma_wait3A_122 = arith.constant 0 : i32
      %dma_wait3A_123 = tpu.memref_slice %arg2[%shift_right_arithmetic3A_116, %multiple_of3A_114, %dma_wait3A_122] : memref<19x2048x128xi32, #tpu.memory_space<hbm>> -> memref<1x32x128xi32, #tpu.memory_space<hbm>>
      %dma_wait3A_124 = tpu.memref_squeeze %dma_wait3A_123 : memref<1x32x128xi32, #tpu.memory_space<hbm>> -> memref<32x128xi32, #tpu.memory_space<hbm>>
      %dma_wait3A_125 = arith.constant 0 : i32
      %dma_wait3A_126 = arith.constant 0 : i32
      %dma_wait3A_127 = tpu.memref_slice %arg4[%dma_wait3A_117, %dma_wait3A_125, %dma_wait3A_126] : memref<2x32x128xi32, #tpu.memory_space<vmem>> -> memref<1x32x128xi32, #tpu.memory_space<vmem>>
      %dma_wait3A_128 = tpu.memref_squeeze %dma_wait3A_127 : memref<1x32x128xi32, #tpu.memory_space<vmem>> -> memref<32x128xi32, #tpu.memory_space<vmem>>
      %dma_wait3A_129 = arith.constant 0 : i32
      %dma_wait3A_130 = tpu.memref_slice %arg2[%shift_right_arithmetic3A_116, %multiple_of3A_114, %dma_wait3A_129] : memref<19x2048x128xi32, #tpu.memory_space<hbm>> -> memref<1x32x128xi32, #tpu.memory_space<hbm>>
      %dma_wait3A_131 = tpu.memref_squeeze %dma_wait3A_130 : memref<1x32x128xi32, #tpu.memory_space<hbm>> -> memref<32x128xi32, #tpu.memory_space<hbm>>
      tpu.wait_dma2 semaphore(%arg7 : memref<!tpu.dma_semaphore, #tpu.memory_space<semaphore_mem>>) src(%dma_wait3A_131 : memref<32x128xi32, #tpu.memory_space<hbm>>) dst(%dma_wait3A_128 : memref<32x128xi32, #tpu.memory_space<vmem>>)
      %parallel_loop3A_132 = arith.constant 0 : i32
      %parallel_loop3A_133 = arith.constant 32 : i32
      %parallel_loop3A_134 = arith.constant 1 : i32
      scf.for %parallel_loop3A_148 = %parallel_loop3A_132 to %parallel_loop3A_133 step %parallel_loop3A_134  : i32 {
        %parallel_loop3A_149 = arith.constant 1 : i32
        %parallel_loop3A_150 = arith.index_cast %parallel_loop3A_149 : i32 to index
        %parallel_loop3A_151 = arith.index_cast %parallel_loop3A_148 : i32 to index
        %parallel_loop3A_152 = arith.constant 0 : index
        %parallel_loop3A_153 = tpu.vector_load %arg4[%parallel_loop3A_150, %parallel_loop3A_151, %parallel_loop3A_152] {strides = array<i32>} : memref<2x32x128xi32, #tpu.memory_space<vmem>>, vector<16xi32>,
        %parallel_loop3A_154 = arith.constant 65535 : i32
        %parallel_loop3A_155 = vector.broadcast %parallel_loop3A_154 : i32 to vector<16xi32>
        %parallel_loop3A_156 = arith.andi %parallel_loop3A_153, %parallel_loop3A_155 : vector<16xi32>
        tpu.vector_store_idx %arg5[%parallel_loop3A_156], %broadcast_in_dim3A_13 {add = true} : memref<32768xf32, #tpu.memory_space<vmem>>[vector<16xi32>], vector<16xf32>,
        %parallel_loop3A_157 = arith.constant 16 : i32
        %parallel_loop3A_158 = vector.broadcast %parallel_loop3A_157 : i32 to vector<16xi32>
        %parallel_loop3A_159 = arith.shrui %parallel_loop3A_153, %parallel_loop3A_158 : vector<16xi32>
        tpu.vector_store_idx %arg5[%parallel_loop3A_159], %broadcast_in_dim3A_13 {add = true} : memref<32768xf32, #tpu.memory_space<vmem>>[vector<16xi32>], vector<16xf32>,
        %parallel_loop3A_160 = arith.constant 1 : i32
        %parallel_loop3A_161 = arith.index_cast %parallel_loop3A_160 : i32 to index
        %parallel_loop3A_162 = arith.index_cast %parallel_loop3A_148 : i32 to index
        %parallel_loop3A_163 = arith.constant 16 : index
        %parallel_loop3A_164 = tpu.vector_load %arg4[%parallel_loop3A_161, %parallel_loop3A_162, %parallel_loop3A_163] {strides = array<i32>} : memref<2x32x128xi32, #tpu.memory_space<vmem>>, vector<16xi32>,
        %parallel_loop3A_165 = arith.constant 65535 : i32
        %parallel_loop3A_166 = vector.broadcast %parallel_loop3A_165 : i32 to vector<16xi32>
        %parallel_loop3A_167 = arith.andi %parallel_loop3A_164, %parallel_loop3A_166 : vector<16xi32>
        tpu.vector_store_idx %arg5[%parallel_loop3A_167], %broadcast_in_dim3A_13 {add = true} : memref<32768xf32, #tpu.memory_space<vmem>>[vector<16xi32>], vector<16xf32>,
        %parallel_loop3A_168 = arith.constant 16 : i32
        %parallel_loop3A_169 = vector.broadcast %parallel_loop3A_168 : i32 to vector<16xi32>
        %parallel_loop3A_170 = arith.shrui %parallel_loop3A_164, %parallel_loop3A_169 : vector<16xi32>
        tpu.vector_store_idx %arg5[%parallel_loop3A_170], %broadcast_in_dim3A_13 {add = true} : memref<32768xf32, #tpu.memory_space<vmem>>[vector<16xi32>], vector<16xf32>,
        %parallel_loop3A_171 = arith.constant 1 : i32
        %parallel_loop3A_172 = arith.index_cast %parallel_loop3A_171 : i32 to index
        %parallel_loop3A_173 = arith.index_cast %parallel_loop3A_148 : i32 to index
        %parallel_loop3A_174 = arith.constant 32 : index
        %parallel_loop3A_175 = tpu.vector_load %arg4[%parallel_loop3A_172, %parallel_loop3A_173, %parallel_loop3A_174] {strides = array<i32>} : memref<2x32x128xi32, #tpu.memory_space<vmem>>, vector<16xi32>,
        %parallel_loop3A_176 = arith.constant 65535 : i32
        %parallel_loop3A_177 = vector.broadcast %parallel_loop3A_176 : i32 to vector<16xi32>
        %parallel_loop3A_178 = arith.andi %parallel_loop3A_175, %parallel_loop3A_177 : vector<16xi32>
        tpu.vector_store_idx %arg5[%parallel_loop3A_178], %broadcast_in_dim3A_13 {add = true} : memref<32768xf32, #tpu.memory_space<vmem>>[vector<16xi32>], vector<16xf32>,
        %parallel_loop3A_179 = arith.constant 16 : i32
        %parallel_loop3A_180 = vector.broadcast %parallel_loop3A_179 : i32 to vector<16xi32>
        %parallel_loop3A_181 = arith.shrui %parallel_loop3A_175, %parallel_loop3A_180 : vector<16xi32>
        tpu.vector_store_idx %arg5[%parallel_loop3A_181], %broadcast_in_dim3A_13 {add = true} : memref<32768xf32, #tpu.memory_space<vmem>>[vector<16xi32>], vector<16xf32>,
        %parallel_loop3A_182 = arith.constant 1 : i32
        %parallel_loop3A_183 = arith.index_cast %parallel_loop3A_182 : i32 to index
        %parallel_loop3A_184 = arith.index_cast %parallel_loop3A_148 : i32 to index
        %parallel_loop3A_185 = arith.constant 48 : index
        %parallel_loop3A_186 = tpu.vector_load %arg4[%parallel_loop3A_183, %parallel_loop3A_184, %parallel_loop3A_185] {strides = array<i32>} : memref<2x32x128xi32, #tpu.memory_space<vmem>>, vector<16xi32>,
        %parallel_loop3A_187 = arith.constant 65535 : i32
        %parallel_loop3A_188 = vector.broadcast %parallel_loop3A_187 : i32 to vector<16xi32>
        %parallel_loop3A_189 = arith.andi %parallel_loop3A_186, %parallel_loop3A_188 : vector<16xi32>
        tpu.vector_store_idx %arg5[%parallel_loop3A_189], %broadcast_in_dim3A_13 {add = true} : memref<32768xf32, #tpu.memory_space<vmem>>[vector<16xi32>], vector<16xf32>,
        %parallel_loop3A_190 = arith.constant 16 : i32
        %parallel_loop3A_191 = vector.broadcast %parallel_loop3A_190 : i32 to vector<16xi32>
        %parallel_loop3A_192 = arith.shrui %parallel_loop3A_186, %parallel_loop3A_191 : vector<16xi32>
        tpu.vector_store_idx %arg5[%parallel_loop3A_192], %broadcast_in_dim3A_13 {add = true} : memref<32768xf32, #tpu.memory_space<vmem>>[vector<16xi32>], vector<16xf32>,
        %parallel_loop3A_193 = arith.constant 1 : i32
        %parallel_loop3A_194 = arith.index_cast %parallel_loop3A_193 : i32 to index
        %parallel_loop3A_195 = arith.index_cast %parallel_loop3A_148 : i32 to index
        %parallel_loop3A_196 = arith.constant 64 : index
        %parallel_loop3A_197 = tpu.vector_load %arg4[%parallel_loop3A_194, %parallel_loop3A_195, %parallel_loop3A_196] {strides = array<i32>} : memref<2x32x128xi32, #tpu.memory_space<vmem>>, vector<16xi32>,
        %parallel_loop3A_198 = arith.constant 65535 : i32
        %parallel_loop3A_199 = vector.broadcast %parallel_loop3A_198 : i32 to vector<16xi32>
        %parallel_loop3A_200 = arith.andi %parallel_loop3A_197, %parallel_loop3A_199 : vector<16xi32>
        tpu.vector_store_idx %arg5[%parallel_loop3A_200], %broadcast_in_dim3A_13 {add = true} : memref<32768xf32, #tpu.memory_space<vmem>>[vector<16xi32>], vector<16xf32>,
        %parallel_loop3A_201 = arith.constant 16 : i32
        %parallel_loop3A_202 = vector.broadcast %parallel_loop3A_201 : i32 to vector<16xi32>
        %parallel_loop3A_203 = arith.shrui %parallel_loop3A_197, %parallel_loop3A_202 : vector<16xi32>
        tpu.vector_store_idx %arg5[%parallel_loop3A_203], %broadcast_in_dim3A_13 {add = true} : memref<32768xf32, #tpu.memory_space<vmem>>[vector<16xi32>], vector<16xf32>,
        %parallel_loop3A_204 = arith.constant 1 : i32
        %parallel_loop3A_205 = arith.index_cast %parallel_loop3A_204 : i32 to index
        %parallel_loop3A_206 = arith.index_cast %parallel_loop3A_148 : i32 to index
        %parallel_loop3A_207 = arith.constant 80 : index
        %parallel_loop3A_208 = tpu.vector_load %arg4[%parallel_loop3A_205, %parallel_loop3A_206, %parallel_loop3A_207] {strides = array<i32>} : memref<2x32x128xi32, #tpu.memory_space<vmem>>, vector<16xi32>,
        %parallel_loop3A_209 = arith.constant 65535 : i32
        %parallel_loop3A_210 = vector.broadcast %parallel_loop3A_209 : i32 to vector<16xi32>
        %parallel_loop3A_211 = arith.andi %parallel_loop3A_208, %parallel_loop3A_210 : vector<16xi32>
        tpu.vector_store_idx %arg5[%parallel_loop3A_211], %broadcast_in_dim3A_13 {add = true} : memref<32768xf32, #tpu.memory_space<vmem>>[vector<16xi32>], vector<16xf32>,
        %parallel_loop3A_212 = arith.constant 16 : i32
        %parallel_loop3A_213 = vector.broadcast %parallel_loop3A_212 : i32 to vector<16xi32>
        %parallel_loop3A_214 = arith.shrui %parallel_loop3A_208, %parallel_loop3A_213 : vector<16xi32>
        tpu.vector_store_idx %arg5[%parallel_loop3A_214], %broadcast_in_dim3A_13 {add = true} : memref<32768xf32, #tpu.memory_space<vmem>>[vector<16xi32>], vector<16xf32>,
        %parallel_loop3A_215 = arith.constant 1 : i32
        %parallel_loop3A_216 = arith.index_cast %parallel_loop3A_215 : i32 to index
        %parallel_loop3A_217 = arith.index_cast %parallel_loop3A_148 : i32 to index
        %parallel_loop3A_218 = arith.constant 96 : index
        %parallel_loop3A_219 = tpu.vector_load %arg4[%parallel_loop3A_216, %parallel_loop3A_217, %parallel_loop3A_218] {strides = array<i32>} : memref<2x32x128xi32, #tpu.memory_space<vmem>>, vector<16xi32>,
        %parallel_loop3A_220 = arith.constant 65535 : i32
        %parallel_loop3A_221 = vector.broadcast %parallel_loop3A_220 : i32 to vector<16xi32>
        %parallel_loop3A_222 = arith.andi %parallel_loop3A_219, %parallel_loop3A_221 : vector<16xi32>
        tpu.vector_store_idx %arg5[%parallel_loop3A_222], %broadcast_in_dim3A_13 {add = true} : memref<32768xf32, #tpu.memory_space<vmem>>[vector<16xi32>], vector<16xf32>,
        %parallel_loop3A_223 = arith.constant 16 : i32
        %parallel_loop3A_224 = vector.broadcast %parallel_loop3A_223 : i32 to vector<16xi32>
        %parallel_loop3A_225 = arith.shrui %parallel_loop3A_219, %parallel_loop3A_224 : vector<16xi32>
        tpu.vector_store_idx %arg5[%parallel_loop3A_225], %broadcast_in_dim3A_13 {add = true} : memref<32768xf32, #tpu.memory_space<vmem>>[vector<16xi32>], vector<16xf32>,
        %parallel_loop3A_226 = arith.constant 1 : i32
        %parallel_loop3A_227 = arith.index_cast %parallel_loop3A_226 : i32 to index
        %parallel_loop3A_228 = arith.index_cast %parallel_loop3A_148 : i32 to index
        %parallel_loop3A_229 = arith.constant 112 : index
        %parallel_loop3A_230 = tpu.vector_load %arg4[%parallel_loop3A_227, %parallel_loop3A_228, %parallel_loop3A_229] {strides = array<i32>} : memref<2x32x128xi32, #tpu.memory_space<vmem>>, vector<16xi32>,
        %parallel_loop3A_231 = arith.constant 65535 : i32
        %parallel_loop3A_232 = vector.broadcast %parallel_loop3A_231 : i32 to vector<16xi32>
        %parallel_loop3A_233 = arith.andi %parallel_loop3A_230, %parallel_loop3A_232 : vector<16xi32>
        tpu.vector_store_idx %arg5[%parallel_loop3A_233], %broadcast_in_dim3A_13 {add = true} : memref<32768xf32, #tpu.memory_space<vmem>>[vector<16xi32>], vector<16xf32>,
        %parallel_loop3A_234 = arith.constant 16 : i32
        %parallel_loop3A_235 = vector.broadcast %parallel_loop3A_234 : i32 to vector<16xi32>
        %parallel_loop3A_236 = arith.shrui %parallel_loop3A_230, %parallel_loop3A_235 : vector<16xi32>
        tpu.vector_store_idx %arg5[%parallel_loop3A_236], %broadcast_in_dim3A_13 {add = true} : memref<32768xf32, #tpu.memory_space<vmem>>[vector<16xi32>], vector<16xf32>,
      } {sc.loop_unroll_factor = 2 : i64, sc.parallel_access}
      %add3A_135 = arith.constant 2 : i32
      %add3A_136 = arith.addi %add3A_108, %add3A_135 : i32
      %lt3A_137 = arith.constant 38 : i32
      %lt3A_138 = arith.cmpi slt, %add3A_136, %lt3A_137 : i32
      %convert_element_type3A_139 = arith.extui %lt3A_138 : i1 to i32
      %cond3A_140 = arith.constant 0 : i32
      %cond3A_141 = arith.cmpi ne, %convert_element_type3A_139, %cond3A_140 : i32
      scf.if %cond3A_141 {
        %add3A_148 = arith.constant 2 : i32
        %add3A_149 = arith.addi %add3A_108, %add3A_148 : i32
        %mul3A_150 = arith.constant 32 : i32
        %mul3A_151 = arith.muli %add3A_149, %mul3A_150 : i32
        %add3A_152 = arith.addi %mul3A_2, %mul3A_151 : i32
        %and3A_153 = arith.constant 2047 : i32
        %and3A_154 = arith.andi %add3A_152, %and3A_153 : i32
        %multiple_of3A_155 = tpu.assume_multiple %and3A_154, 32 : i32
        %shift_right_arithmetic3A_156 = arith.constant 11 : i32
        %shift_right_arithmetic3A_157 = arith.shrsi %add3A_152, %shift_right_arithmetic3A_156 : i32
        %dma_start3A_158 = arith.constant 1 : i32
        %dma_start3A_159 = arith.constant 0 : i32
        %dma_start3A_160 = arith.constant 0 : i32
        %dma_start3A_161 = tpu.memref_slice %arg4[%dma_start3A_158, %dma_start3A_159, %dma_start3A_160] : memref<2x32x128xi32, #tpu.memory_space<vmem>> -> memref<1x32x128xi32, #tpu.memory_space<vmem>>
        %dma_start3A_162 = tpu.memref_squeeze %dma_start3A_161 : memref<1x32x128xi32, #tpu.memory_space<vmem>> -> memref<32x128xi32, #tpu.memory_space<vmem>>
        %dma_start3A_163 = arith.constant 0 : i32
        %dma_start3A_164 = tpu.memref_slice %arg2[%shift_right_arithmetic3A_157, %multiple_of3A_155, %dma_start3A_163] : memref<19x2048x128xi32, #tpu.memory_space<hbm>> -> memref<1x32x128xi32, #tpu.memory_space<hbm>>
        %dma_start3A_165 = tpu.memref_squeeze %dma_start3A_164 : memref<1x32x128xi32, #tpu.memory_space<hbm>> -> memref<32x128xi32, #tpu.memory_space<hbm>>
        %dma_start3A_166 = arith.constant 0 : i32
        %dma_start3A_167 = arith.constant 0 : i32
        %dma_start3A_168 = tpu.memref_slice %arg4[%dma_start3A_158, %dma_start3A_166, %dma_start3A_167] : memref<2x32x128xi32, #tpu.memory_space<vmem>> -> memref<1x32x128xi32, #tpu.memory_space<vmem>>
        %dma_start3A_169 = tpu.memref_squeeze %dma_start3A_168 : memref<1x32x128xi32, #tpu.memory_space<vmem>> -> memref<32x128xi32, #tpu.memory_space<vmem>>
        %dma_start3A_170 = arith.constant 0 : i32
        %dma_start3A_171 = tpu.memref_slice %arg2[%shift_right_arithmetic3A_157, %multiple_of3A_155, %dma_start3A_170] : memref<19x2048x128xi32, #tpu.memory_space<hbm>> -> memref<1x32x128xi32, #tpu.memory_space<hbm>>
        %dma_start3A_172 = tpu.memref_squeeze %dma_start3A_171 : memref<1x32x128xi32, #tpu.memory_space<hbm>> -> memref<32x128xi32, #tpu.memory_space<hbm>>
        tpu.enqueue_dma source(%dma_start3A_172 : memref<32x128xi32, #tpu.memory_space<hbm>>) target(%dma_start3A_169 : memref<32x128xi32, #tpu.memory_space<vmem>>) target_semaphore(%arg7 : memref<!tpu.dma_semaphore, #tpu.memory_space<semaphore_mem>>)
      } else {
      }
      %add3A_142 = arith.constant 1 : i32
      %add3A_143 = arith.addi %add3A_108, %add3A_142 : i32
      %eq3A_144 = arith.cmpi eq, %add3A_143, %min3A_10 : i32
      %convert_element_type3A_145 = arith.extui %eq3A_144 : i1 to i32
      %cond3A_146 = arith.constant 0 : i32
      %cond3A_147 = arith.cmpi ne, %convert_element_type3A_145, %cond3A_146 : i32
      scf.if %cond3A_147 {
        %mul3A_148 = arith.constant 2 : i32
        %mul3A_149 = arith.muli %mul3A_148, %add3A : i32
        "tpu.region"() ({
          %run_scoped3A = tpu.sem_alloc : memref<!tpu.dma_semaphore, #tpu.memory_space<semaphore_mem>>
          %dma_start3A_153 = arith.constant 0 : i32
          %dma_start3A_154 = tpu.memref_slice %arg3[%mul3A_149, %dma_start3A_153] : memref<64x32768xf32, #tpu.memory_space<hbm>> -> memref<1x32768xf32, #tpu.memory_space<hbm>>
          %dma_start3A_155 = tpu.memref_squeeze %dma_start3A_154 : memref<1x32768xf32, #tpu.memory_space<hbm>> -> memref<32768xf32, #tpu.memory_space<hbm>>
          %dma_start3A_156 = arith.constant 0 : i32
          %dma_start3A_157 = tpu.memref_slice %arg3[%mul3A_149, %dma_start3A_156] : memref<64x32768xf32, #tpu.memory_space<hbm>> -> memref<1x32768xf32, #tpu.memory_space<hbm>>
          %dma_start3A_158 = tpu.memref_squeeze %dma_start3A_157 : memref<1x32768xf32, #tpu.memory_space<hbm>> -> memref<32768xf32, #tpu.memory_space<hbm>>
          tpu.enqueue_dma source(%arg5 : memref<32768xf32, #tpu.memory_space<vmem>>) target(%dma_start3A_158 : memref<32768xf32, #tpu.memory_space<hbm>>) target_semaphore(%run_scoped3A : memref<!tpu.dma_semaphore, #tpu.memory_space<semaphore_mem>>)
          %dma_wait3A_159 = arith.constant 0 : i32
          %dma_wait3A_160 = tpu.memref_slice %arg3[%mul3A_149, %dma_wait3A_159] : memref<64x32768xf32, #tpu.memory_space<hbm>> -> memref<1x32768xf32, #tpu.memory_space<hbm>>
          %dma_wait3A_161 = tpu.memref_squeeze %dma_wait3A_160 : memref<1x32768xf32, #tpu.memory_space<hbm>> -> memref<32768xf32, #tpu.memory_space<hbm>>
          %dma_wait3A_162 = arith.constant 0 : i32
          %dma_wait3A_163 = tpu.memref_slice %arg3[%mul3A_149, %dma_wait3A_162] : memref<64x32768xf32, #tpu.memory_space<hbm>> -> memref<1x32768xf32, #tpu.memory_space<hbm>>
          %dma_wait3A_164 = tpu.memref_squeeze %dma_wait3A_163 : memref<1x32768xf32, #tpu.memory_space<hbm>> -> memref<32768xf32, #tpu.memory_space<hbm>>
          tpu.wait_dma2 semaphore(%run_scoped3A : memref<!tpu.dma_semaphore, #tpu.memory_space<semaphore_mem>>) src(%arg5 : memref<32768xf32, #tpu.memory_space<vmem>>) dst(%dma_wait3A_164 : memref<32768xf32, #tpu.memory_space<hbm>>)
          tpu.yield
        }) : () -> ()
        %parallel_loop3A_150 = arith.constant 0 : i32
        %parallel_loop3A_151 = arith.constant 2048 : i32
        %parallel_loop3A_152 = arith.constant 1 : i32
        scf.for %parallel_loop3A_153 = %parallel_loop3A_150 to %parallel_loop3A_151 step %parallel_loop3A_152  : i32 {
          %parallel_loop3A_154 = arith.constant 16 : i32
          %parallel_loop3A_155 = arith.muli %parallel_loop3A_153, %parallel_loop3A_154 : i32
          %parallel_loop3A_156 = arith.index_cast %parallel_loop3A_155 : i32 to index
          %parallel_loop3A_157 = tpu.vector_load %arg5[%parallel_loop3A_156] {strides = array<i32>} : memref<32768xf32, #tpu.memory_space<vmem>>, vector<16xf32>,
          tpu.vector_store %arg5[%parallel_loop3A_156], %broadcast_in_dim3A_11 {strides = array<i32>} : memref<32768xf32, #tpu.memory_space<vmem>>, vector<16xf32>,
        } {sc.loop_unroll_factor = 8 : i64, sc.parallel_access}
      } else {
      }
    }
    %scan3A_61 = arith.constant 19 : i32
    %mul3A_62 = arith.constant 2 : i32
    %mul3A_63 = arith.muli %mul3A_62, %add3A : i32
    %add3A_64 = arith.constant 1 : i32
    %add3A_65 = arith.addi %mul3A_63, %add3A_64 : i32
    "tpu.region"() ({
      %run_scoped3A = tpu.sem_alloc : memref<!tpu.dma_semaphore, #tpu.memory_space<semaphore_mem>>
      %dma_start3A_66 = arith.constant 0 : i32
      %dma_start3A_67 = tpu.memref_slice %arg3[%add3A_65, %dma_start3A_66] : memref<64x32768xf32, #tpu.memory_space<hbm>> -> memref<1x32768xf32, #tpu.memory_space<hbm>>
      %dma_start3A_68 = tpu.memref_squeeze %dma_start3A_67 : memref<1x32768xf32, #tpu.memory_space<hbm>> -> memref<32768xf32, #tpu.memory_space<hbm>>
      %dma_start3A_69 = arith.constant 0 : i32
      %dma_start3A_70 = tpu.memref_slice %arg3[%add3A_65, %dma_start3A_69] : memref<64x32768xf32, #tpu.memory_space<hbm>> -> memref<1x32768xf32, #tpu.memory_space<hbm>>
      %dma_start3A_71 = tpu.memref_squeeze %dma_start3A_70 : memref<1x32768xf32, #tpu.memory_space<hbm>> -> memref<32768xf32, #tpu.memory_space<hbm>>
      tpu.enqueue_dma source(%arg5 : memref<32768xf32, #tpu.memory_space<vmem>>) target(%dma_start3A_71 : memref<32768xf32, #tpu.memory_space<hbm>>) target_semaphore(%run_scoped3A : memref<!tpu.dma_semaphore, #tpu.memory_space<semaphore_mem>>)
      %dma_wait3A = arith.constant 0 : i32
      %dma_wait3A_72 = tpu.memref_slice %arg3[%add3A_65, %dma_wait3A] : memref<64x32768xf32, #tpu.memory_space<hbm>> -> memref<1x32768xf32, #tpu.memory_space<hbm>>
      %dma_wait3A_73 = tpu.memref_squeeze %dma_wait3A_72 : memref<1x32768xf32, #tpu.memory_space<hbm>> -> memref<32768xf32, #tpu.memory_space<hbm>>
      %dma_wait3A_74 = arith.constant 0 : i32
      %dma_wait3A_75 = tpu.memref_slice %arg3[%add3A_65, %dma_wait3A_74] : memref<64x32768xf32, #tpu.memory_space<hbm>> -> memref<1x32768xf32, #tpu.memory_space<hbm>>
      %dma_wait3A_76 = tpu.memref_squeeze %dma_wait3A_75 : memref<1x32768xf32, #tpu.memory_space<hbm>> -> memref<32768xf32, #tpu.memory_space<hbm>>
      tpu.wait_dma2 semaphore(%run_scoped3A : memref<!tpu.dma_semaphore, #tpu.memory_space<semaphore_mem>>) src(%arg5 : memref<32768xf32, #tpu.memory_space<vmem>>) dst(%dma_wait3A_76 : memref<32768xf32, #tpu.memory_space<hbm>>)
      tpu.yield
    }) : () -> ()
    return
  }
}

#map = affine_map<(d0, d1) -> (0, 0, 0)>
#map1 = affine_map<(d0, d1) -> (0, 0)>
module attributes {stable_mosaic.version = 14 : i64} {
  func.func @_sc_hist_body(%arg0: i32, %arg1: i32, %arg2: memref<19x2048x128xi32, #tpu.memory_space<hbm>>, %arg3: memref<64x32768xf32, #tpu.memory_space<hbm>>, %arg4: memref<2x32x128xi32, #tpu.memory_space<vmem>>, %arg5: memref<32768xf32, #tpu.memory_space<vmem>>, %arg6: memref<!tpu.dma_semaphore, #tpu.memory_space<semaphore_mem>>, %arg7: memref<!tpu.dma_semaphore, #tpu.memory_space<semaphore_mem>>) attributes {dimension_semantics = [#tpu.dimension_semantics<core_parallel>, #tpu.dimension_semantics<subcore_parallel>], iteration_bounds = array<i64: 2, 16>, scalar_prefetch = 0 : i64, scratch_operands = 4 : i64, tpu.core_type = #tpu.core_type<sc_vector_subcore>, window_params = [{transform_indices = #map}, {transform_indices = #map1}]} {
    %mul3A = arith.constant 2 : i32
    %mul3A_0 = arith.muli %arg1, %mul3A : i32
    %add3A = arith.addi %mul3A_0, %arg0 : i32
    %mul3A_1 = arith.constant 1216 : i32
    %mul3A_2 = arith.muli %add3A, %mul3A_1 : i32
    %shift_right_arithmetic3A = arith.constant 11 : i32
    %shift_right_arithmetic3A_3 = arith.shrsi %mul3A_2, %shift_right_arithmetic3A : i32
    %add3A_4 = arith.constant 1 : i32
    %add3A_5 = arith.addi %shift_right_arithmetic3A_3, %add3A_4 : i32
    %mul3A_6 = arith.constant 2048 : i32
    %mul3A_7 = arith.muli %add3A_5, %mul3A_6 : i32
    %sub3A = arith.subi %mul3A_7, %mul3A_2 : i32
    %shift_right_arithmetic3A_8 = arith.constant 5 : i32
    %shift_right_arithmetic3A_9 = arith.shrsi %sub3A, %shift_right_arithmetic3A_8 : i32
    %min3A = arith.constant 38 : i32
    %min3A_10 = arith.minsi %shift_right_arithmetic3A_9, %min3A : i32
    %broadcast_in_dim3A = arith.constant 0.000000e+00 : f32
    %broadcast_in_dim3A_11 = vector.broadcast %broadcast_in_dim3A : f32 to vector<16xf32>
    %broadcast_in_dim3A_12 = arith.constant 1.000000e+00 : f32
    %broadcast_in_dim3A_13 = vector.broadcast %broadcast_in_dim3A_12 : f32 to vector<16xf32>
    %add3A_14 = arith.constant 0 : i32
    %add3A_15 = arith.addi %mul3A_2, %add3A_14 : i32
    %and3A = arith.constant 2047 : i32
    %and3A_16 = arith.andi %add3A_15, %and3A : i32
    %multiple_of3A = tpu.assume_multiple %and3A_16, 32 : i32
    %shift_right_arithmetic3A_17 = arith.constant 11 : i32
    %shift_right_arithmetic3A_18 = arith.shrsi %add3A_15, %shift_right_arithmetic3A_17 : i32
    %dma_start3A = arith.constant 0 : i32
    %dma_start3A_19 = arith.constant 0 : i32
    %dma_start3A_20 = arith.constant 0 : i32
    %dma_start3A_21 = tpu.memref_slice %arg4[%dma_start3A, %dma_start3A_19, %dma_start3A_20] : memref<2x32x128xi32, #tpu.memory_space<vmem>> -> memref<1x32x128xi32, #tpu.memory_space<vmem>>
    %dma_start3A_22 = tpu.memref_squeeze %dma_start3A_21 : memref<1x32x128xi32, #tpu.memory_space<vmem>> -> memref<32x128xi32, #tpu.memory_space<vmem>>
    %dma_start3A_23 = arith.constant 0 : i32
    %dma_start3A_24 = tpu.memref_slice %arg2[%shift_right_arithmetic3A_18, %multiple_of3A, %dma_start3A_23] : memref<19x2048x128xi32, #tpu.memory_space<hbm>> -> memref<1x32x128xi32, #tpu.memory_space<hbm>>
    %dma_start3A_25 = tpu.memref_squeeze %dma_start3A_24 : memref<1x32x128xi32, #tpu.memory_space<hbm>> -> memref<32x128xi32, #tpu.memory_space<hbm>>
    %dma_start3A_26 = arith.constant 0 : i32
    %dma_start3A_27 = arith.constant 0 : i32
    %dma_start3A_28 = tpu.memref_slice %arg4[%dma_start3A, %dma_start3A_26, %dma_start3A_27] : memref<2x32x128xi32, #tpu.memory_space<vmem>> -> memref<1x32x128xi32, #tpu.memory_space<vmem>>
    %dma_start3A_29 = tpu.memref_squeeze %dma_start3A_28 : memref<1x32x128xi32, #tpu.memory_space<vmem>> -> memref<32x128xi32, #tpu.memory_space<vmem>>
    %dma_start3A_30 = arith.constant 0 : i32
    %dma_start3A_31 = tpu.memref_slice %arg2[%shift_right_arithmetic3A_18, %multiple_of3A, %dma_start3A_30] : memref<19x2048x128xi32, #tpu.memory_space<hbm>> -> memref<1x32x128xi32, #tpu.memory_space<hbm>>
    %dma_start3A_32 = tpu.memref_squeeze %dma_start3A_31 : memref<1x32x128xi32, #tpu.memory_space<hbm>> -> memref<32x128xi32, #tpu.memory_space<hbm>>
    tpu.enqueue_dma source(%dma_start3A_32 : memref<32x128xi32, #tpu.memory_space<hbm>>) target(%dma_start3A_29 : memref<32x128xi32, #tpu.memory_space<vmem>>) target_semaphore(%arg6 : memref<!tpu.dma_semaphore, #tpu.memory_space<semaphore_mem>>)
    %add3A_33 = arith.constant 32 : i32
    %add3A_34 = arith.addi %mul3A_2, %add3A_33 : i32
    %and3A_35 = arith.constant 2047 : i32
    %and3A_36 = arith.andi %add3A_34, %and3A_35 : i32
    %multiple_of3A_37 = tpu.assume_multiple %and3A_36, 32 : i32
    %shift_right_arithmetic3A_38 = arith.constant 11 : i32
    %shift_right_arithmetic3A_39 = arith.shrsi %add3A_34, %shift_right_arithmetic3A_38 : i32
    %dma_start3A_40 = arith.constant 1 : i32
    %dma_start3A_41 = arith.constant 0 : i32
    %dma_start3A_42 = arith.constant 0 : i32
    %dma_start3A_43 = tpu.memref_slice %arg4[%dma_start3A_40, %dma_start3A_41, %dma_start3A_42] : memref<2x32x128xi32, #tpu.memory_space<vmem>> -> memref<1x32x128xi32, #tpu.memory_space<vmem>>
    %dma_start3A_44 = tpu.memref_squeeze %dma_start3A_43 : memref<1x32x128xi32, #tpu.memory_space<vmem>> -> memref<32x128xi32, #tpu.memory_space<vmem>>
    %dma_start3A_45 = arith.constant 0 : i32
    %dma_start3A_46 = tpu.memref_slice %arg2[%shift_right_arithmetic3A_39, %multiple_of3A_37, %dma_start3A_45] : memref<19x2048x128xi32, #tpu.memory_space<hbm>> -> memref<1x32x128xi32, #tpu.memory_space<hbm>>
    %dma_start3A_47 = tpu.memref_squeeze %dma_start3A_46 : memref<1x32x128xi32, #tpu.memory_space<hbm>> -> memref<32x128xi32, #tpu.memory_space<hbm>>
    %dma_start3A_48 = arith.constant 0 : i32
    %dma_start3A_49 = arith.constant 0 : i32
    %dma_start3A_50 = tpu.memref_slice %arg4[%dma_start3A_40, %dma_start3A_48, %dma_start3A_49] : memref<2x32x128xi32, #tpu.memory_space<vmem>> -> memref<1x32x128xi32, #tpu.memory_space<vmem>>
    %dma_start3A_51 = tpu.memref_squeeze %dma_start3A_50 : memref<1x32x128xi32, #tpu.memory_space<vmem>> -> memref<32x128xi32, #tpu.memory_space<vmem>>
    %dma_start3A_52 = arith.constant 0 : i32
    %dma_start3A_53 = tpu.memref_slice %arg2[%shift_right_arithmetic3A_39, %multiple_of3A_37, %dma_start3A_52] : memref<19x2048x128xi32, #tpu.memory_space<hbm>> -> memref<1x32x128xi32, #tpu.memory_space<hbm>>
    %dma_start3A_54 = tpu.memref_squeeze %dma_start3A_53 : memref<1x32x128xi32, #tpu.memory_space<hbm>> -> memref<32x128xi32, #tpu.memory_space<hbm>>
    tpu.enqueue_dma source(%dma_start3A_54 : memref<32x128xi32, #tpu.memory_space<hbm>>) target(%dma_start3A_51 : memref<32x128xi32, #tpu.memory_space<vmem>>) target_semaphore(%arg7 : memref<!tpu.dma_semaphore, #tpu.memory_space<semaphore_mem>>)
    %parallel_loop3A = arith.constant 0 : i32
    %parallel_loop3A_55 = arith.constant 2048 : i32
    %parallel_loop3A_56 = arith.constant 1 : i32
    scf.for %parallel_loop3A_66 = %parallel_loop3A to %parallel_loop3A_55 step %parallel_loop3A_56  : i32 {
      %parallel_loop3A_67 = arith.constant 16 : i32
      %parallel_loop3A_68 = arith.muli %parallel_loop3A_66, %parallel_loop3A_67 : i32
      %parallel_loop3A_69 = arith.index_cast %parallel_loop3A_68 : i32 to index
      %parallel_loop3A_70 = tpu.vector_load %arg5[%parallel_loop3A_69] {strides = array<i32>} : memref<32768xf32, #tpu.memory_space<vmem>>, vector<16xf32>,
      tpu.vector_store %arg5[%parallel_loop3A_69], %broadcast_in_dim3A_11 {strides = array<i32>} : memref<32768xf32, #tpu.memory_space<vmem>>, vector<16xf32>,
    } {sc.loop_unroll_factor = 8 : i64, sc.parallel_access}
    %scan3A = arith.constant 0 : i32
    %scan3A_57 = arith.constant 0 : i32
    %scan3A_58 = arith.constant 19 : i32
    %scan3A_59 = arith.addi %scan3A_57, %scan3A_58 : i32
    %scan3A_60 = arith.constant 1 : i32
    scf.for %scan3A_66 = %scan3A_57 to %scan3A_59 step %scan3A_60  : i32 {
      %mul3A_67 = arith.constant 2 : i32
      %mul3A_68 = arith.muli %scan3A_66, %mul3A_67 : i32
      %add3A_69 = arith.constant 0 : i32
      %add3A_70 = arith.addi %mul3A_68, %add3A_69 : i32
      %mul3A_71 = arith.constant 32 : i32
      %mul3A_72 = arith.muli %add3A_70, %mul3A_71 : i32
      %add3A_73 = arith.addi %mul3A_2, %mul3A_72 : i32
      %and3A_74 = arith.constant 2047 : i32
      %and3A_75 = arith.andi %add3A_73, %and3A_74 : i32
      %multiple_of3A_76 = tpu.assume_multiple %and3A_75, 32 : i32
      %shift_right_arithmetic3A_77 = arith.constant 11 : i32
      %shift_right_arithmetic3A_78 = arith.shrsi %add3A_73, %shift_right_arithmetic3A_77 : i32
      %dma_wait3A = arith.constant 0 : i32
      %dma_wait3A_79 = arith.constant 0 : i32
      %dma_wait3A_80 = arith.constant 0 : i32
      %dma_wait3A_81 = tpu.memref_slice %arg4[%dma_wait3A, %dma_wait3A_79, %dma_wait3A_80] : memref<2x32x128xi32, #tpu.memory_space<vmem>> -> memref<1x32x128xi32, #tpu.memory_space<vmem>>
      %dma_wait3A_82 = tpu.memref_squeeze %dma_wait3A_81 : memref<1x32x128xi32, #tpu.memory_space<vmem>> -> memref<32x128xi32, #tpu.memory_space<vmem>>
      %dma_wait3A_83 = arith.constant 0 : i32
      %dma_wait3A_84 = tpu.memref_slice %arg2[%shift_right_arithmetic3A_78, %multiple_of3A_76, %dma_wait3A_83] : memref<19x2048x128xi32, #tpu.memory_space<hbm>> -> memref<1x32x128xi32, #tpu.memory_space<hbm>>
      %dma_wait3A_85 = tpu.memref_squeeze %dma_wait3A_84 : memref<1x32x128xi32, #tpu.memory_space<hbm>> -> memref<32x128xi32, #tpu.memory_space<hbm>>
      %dma_wait3A_86 = arith.constant 0 : i32
      %dma_wait3A_87 = arith.constant 0 : i32
      %dma_wait3A_88 = tpu.memref_slice %arg4[%dma_wait3A, %dma_wait3A_86, %dma_wait3A_87] : memref<2x32x128xi32, #tpu.memory_space<vmem>> -> memref<1x32x128xi32, #tpu.memory_space<vmem>>
      %dma_wait3A_89 = tpu.memref_squeeze %dma_wait3A_88 : memref<1x32x128xi32, #tpu.memory_space<vmem>> -> memref<32x128xi32, #tpu.memory_space<vmem>>
      %dma_wait3A_90 = arith.constant 0 : i32
      %dma_wait3A_91 = tpu.memref_slice %arg2[%shift_right_arithmetic3A_78, %multiple_of3A_76, %dma_wait3A_90] : memref<19x2048x128xi32, #tpu.memory_space<hbm>> -> memref<1x32x128xi32, #tpu.memory_space<hbm>>
      %dma_wait3A_92 = tpu.memref_squeeze %dma_wait3A_91 : memref<1x32x128xi32, #tpu.memory_space<hbm>> -> memref<32x128xi32, #tpu.memory_space<hbm>>
      tpu.wait_dma2 semaphore(%arg6 : memref<!tpu.dma_semaphore, #tpu.memory_space<semaphore_mem>>) src(%dma_wait3A_92 : memref<32x128xi32, #tpu.memory_space<hbm>>) dst(%dma_wait3A_89 : memref<32x128xi32, #tpu.memory_space<vmem>>)
      %parallel_loop3A_93 = arith.constant 0 : i32
      %parallel_loop3A_94 = arith.constant 32 : i32
      %parallel_loop3A_95 = arith.constant 1 : i32
      scf.for %parallel_loop3A_148 = %parallel_loop3A_93 to %parallel_loop3A_94 step %parallel_loop3A_95  : i32 {
        %parallel_loop3A_149 = arith.constant 0 : i32
        %parallel_loop3A_150 = arith.index_cast %parallel_loop3A_149 : i32 to index
        %parallel_loop3A_151 = arith.index_cast %parallel_loop3A_148 : i32 to index
        %parallel_loop3A_152 = arith.constant 0 : index
        %parallel_loop3A_153 = tpu.vector_load %arg4[%parallel_loop3A_150, %parallel_loop3A_151, %parallel_loop3A_152] {strides = array<i32>} : memref<2x32x128xi32, #tpu.memory_space<vmem>>, vector<16xi32>,
        %parallel_loop3A_154 = arith.constant 65535 : i32
        %parallel_loop3A_155 = vector.broadcast %parallel_loop3A_154 : i32 to vector<16xi32>
        %parallel_loop3A_156 = arith.andi %parallel_loop3A_153, %parallel_loop3A_155 : vector<16xi32>
        tpu.vector_store_idx %arg5[%parallel_loop3A_156], %broadcast_in_dim3A_13 {add = true} : memref<32768xf32, #tpu.memory_space<vmem>>[vector<16xi32>], vector<16xf32>,
        %parallel_loop3A_157 = arith.constant 16 : i32
        %parallel_loop3A_158 = vector.broadcast %parallel_loop3A_157 : i32 to vector<16xi32>
        %parallel_loop3A_159 = arith.shrui %parallel_loop3A_153, %parallel_loop3A_158 : vector<16xi32>
        tpu.vector_store_idx %arg5[%parallel_loop3A_159], %broadcast_in_dim3A_13 {add = true} : memref<32768xf32, #tpu.memory_space<vmem>>[vector<16xi32>], vector<16xf32>,
        %parallel_loop3A_160 = arith.constant 0 : i32
        %parallel_loop3A_161 = arith.index_cast %parallel_loop3A_160 : i32 to index
        %parallel_loop3A_162 = arith.index_cast %parallel_loop3A_148 : i32 to index
        %parallel_loop3A_163 = arith.constant 16 : index
        %parallel_loop3A_164 = tpu.vector_load %arg4[%parallel_loop3A_161, %parallel_loop3A_162, %parallel_loop3A_163] {strides = array<i32>} : memref<2x32x128xi32, #tpu.memory_space<vmem>>, vector<16xi32>,
        %parallel_loop3A_165 = arith.constant 65535 : i32
        %parallel_loop3A_166 = vector.broadcast %parallel_loop3A_165 : i32 to vector<16xi32>
        %parallel_loop3A_167 = arith.andi %parallel_loop3A_164, %parallel_loop3A_166 : vector<16xi32>
        tpu.vector_store_idx %arg5[%parallel_loop3A_167], %broadcast_in_dim3A_13 {add = true} : memref<32768xf32, #tpu.memory_space<vmem>>[vector<16xi32>], vector<16xf32>,
        %parallel_loop3A_168 = arith.constant 16 : i32
        %parallel_loop3A_169 = vector.broadcast %parallel_loop3A_168 : i32 to vector<16xi32>
        %parallel_loop3A_170 = arith.shrui %parallel_loop3A_164, %parallel_loop3A_169 : vector<16xi32>
        tpu.vector_store_idx %arg5[%parallel_loop3A_170], %broadcast_in_dim3A_13 {add = true} : memref<32768xf32, #tpu.memory_space<vmem>>[vector<16xi32>], vector<16xf32>,
        %parallel_loop3A_171 = arith.constant 0 : i32
        %parallel_loop3A_172 = arith.index_cast %parallel_loop3A_171 : i32 to index
        %parallel_loop3A_173 = arith.index_cast %parallel_loop3A_148 : i32 to index
        %parallel_loop3A_174 = arith.constant 32 : index
        %parallel_loop3A_175 = tpu.vector_load %arg4[%parallel_loop3A_172, %parallel_loop3A_173, %parallel_loop3A_174] {strides = array<i32>} : memref<2x32x128xi32, #tpu.memory_space<vmem>>, vector<16xi32>,
        %parallel_loop3A_176 = arith.constant 65535 : i32
        %parallel_loop3A_177 = vector.broadcast %parallel_loop3A_176 : i32 to vector<16xi32>
        %parallel_loop3A_178 = arith.andi %parallel_loop3A_175, %parallel_loop3A_177 : vector<16xi32>
        tpu.vector_store_idx %arg5[%parallel_loop3A_178], %broadcast_in_dim3A_13 {add = true} : memref<32768xf32, #tpu.memory_space<vmem>>[vector<16xi32>], vector<16xf32>,
        %parallel_loop3A_179 = arith.constant 16 : i32
        %parallel_loop3A_180 = vector.broadcast %parallel_loop3A_179 : i32 to vector<16xi32>
        %parallel_loop3A_181 = arith.shrui %parallel_loop3A_175, %parallel_loop3A_180 : vector<16xi32>
        tpu.vector_store_idx %arg5[%parallel_loop3A_181], %broadcast_in_dim3A_13 {add = true} : memref<32768xf32, #tpu.memory_space<vmem>>[vector<16xi32>], vector<16xf32>,
        %parallel_loop3A_182 = arith.constant 0 : i32
        %parallel_loop3A_183 = arith.index_cast %parallel_loop3A_182 : i32 to index
        %parallel_loop3A_184 = arith.index_cast %parallel_loop3A_148 : i32 to index
        %parallel_loop3A_185 = arith.constant 48 : index
        %parallel_loop3A_186 = tpu.vector_load %arg4[%parallel_loop3A_183, %parallel_loop3A_184, %parallel_loop3A_185] {strides = array<i32>} : memref<2x32x128xi32, #tpu.memory_space<vmem>>, vector<16xi32>,
        %parallel_loop3A_187 = arith.constant 65535 : i32
        %parallel_loop3A_188 = vector.broadcast %parallel_loop3A_187 : i32 to vector<16xi32>
        %parallel_loop3A_189 = arith.andi %parallel_loop3A_186, %parallel_loop3A_188 : vector<16xi32>
        tpu.vector_store_idx %arg5[%parallel_loop3A_189], %broadcast_in_dim3A_13 {add = true} : memref<32768xf32, #tpu.memory_space<vmem>>[vector<16xi32>], vector<16xf32>,
        %parallel_loop3A_190 = arith.constant 16 : i32
        %parallel_loop3A_191 = vector.broadcast %parallel_loop3A_190 : i32 to vector<16xi32>
        %parallel_loop3A_192 = arith.shrui %parallel_loop3A_186, %parallel_loop3A_191 : vector<16xi32>
        tpu.vector_store_idx %arg5[%parallel_loop3A_192], %broadcast_in_dim3A_13 {add = true} : memref<32768xf32, #tpu.memory_space<vmem>>[vector<16xi32>], vector<16xf32>,
        %parallel_loop3A_193 = arith.constant 0 : i32
        %parallel_loop3A_194 = arith.index_cast %parallel_loop3A_193 : i32 to index
        %parallel_loop3A_195 = arith.index_cast %parallel_loop3A_148 : i32 to index
        %parallel_loop3A_196 = arith.constant 64 : index
        %parallel_loop3A_197 = tpu.vector_load %arg4[%parallel_loop3A_194, %parallel_loop3A_195, %parallel_loop3A_196] {strides = array<i32>} : memref<2x32x128xi32, #tpu.memory_space<vmem>>, vector<16xi32>,
        %parallel_loop3A_198 = arith.constant 65535 : i32
        %parallel_loop3A_199 = vector.broadcast %parallel_loop3A_198 : i32 to vector<16xi32>
        %parallel_loop3A_200 = arith.andi %parallel_loop3A_197, %parallel_loop3A_199 : vector<16xi32>
        tpu.vector_store_idx %arg5[%parallel_loop3A_200], %broadcast_in_dim3A_13 {add = true} : memref<32768xf32, #tpu.memory_space<vmem>>[vector<16xi32>], vector<16xf32>,
        %parallel_loop3A_201 = arith.constant 16 : i32
        %parallel_loop3A_202 = vector.broadcast %parallel_loop3A_201 : i32 to vector<16xi32>
        %parallel_loop3A_203 = arith.shrui %parallel_loop3A_197, %parallel_loop3A_202 : vector<16xi32>
        tpu.vector_store_idx %arg5[%parallel_loop3A_203], %broadcast_in_dim3A_13 {add = true} : memref<32768xf32, #tpu.memory_space<vmem>>[vector<16xi32>], vector<16xf32>,
        %parallel_loop3A_204 = arith.constant 0 : i32
        %parallel_loop3A_205 = arith.index_cast %parallel_loop3A_204 : i32 to index
        %parallel_loop3A_206 = arith.index_cast %parallel_loop3A_148 : i32 to index
        %parallel_loop3A_207 = arith.constant 80 : index
        %parallel_loop3A_208 = tpu.vector_load %arg4[%parallel_loop3A_205, %parallel_loop3A_206, %parallel_loop3A_207] {strides = array<i32>} : memref<2x32x128xi32, #tpu.memory_space<vmem>>, vector<16xi32>,
        %parallel_loop3A_209 = arith.constant 65535 : i32
        %parallel_loop3A_210 = vector.broadcast %parallel_loop3A_209 : i32 to vector<16xi32>
        %parallel_loop3A_211 = arith.andi %parallel_loop3A_208, %parallel_loop3A_210 : vector<16xi32>
        tpu.vector_store_idx %arg5[%parallel_loop3A_211], %broadcast_in_dim3A_13 {add = true} : memref<32768xf32, #tpu.memory_space<vmem>>[vector<16xi32>], vector<16xf32>,
        %parallel_loop3A_212 = arith.constant 16 : i32
        %parallel_loop3A_213 = vector.broadcast %parallel_loop3A_212 : i32 to vector<16xi32>
        %parallel_loop3A_214 = arith.shrui %parallel_loop3A_208, %parallel_loop3A_213 : vector<16xi32>
        tpu.vector_store_idx %arg5[%parallel_loop3A_214], %broadcast_in_dim3A_13 {add = true} : memref<32768xf32, #tpu.memory_space<vmem>>[vector<16xi32>], vector<16xf32>,
        %parallel_loop3A_215 = arith.constant 0 : i32
        %parallel_loop3A_216 = arith.index_cast %parallel_loop3A_215 : i32 to index
        %parallel_loop3A_217 = arith.index_cast %parallel_loop3A_148 : i32 to index
        %parallel_loop3A_218 = arith.constant 96 : index
        %parallel_loop3A_219 = tpu.vector_load %arg4[%parallel_loop3A_216, %parallel_loop3A_217, %parallel_loop3A_218] {strides = array<i32>} : memref<2x32x128xi32, #tpu.memory_space<vmem>>, vector<16xi32>,
        %parallel_loop3A_220 = arith.constant 65535 : i32
        %parallel_loop3A_221 = vector.broadcast %parallel_loop3A_220 : i32 to vector<16xi32>
        %parallel_loop3A_222 = arith.andi %parallel_loop3A_219, %parallel_loop3A_221 : vector<16xi32>
        tpu.vector_store_idx %arg5[%parallel_loop3A_222], %broadcast_in_dim3A_13 {add = true} : memref<32768xf32, #tpu.memory_space<vmem>>[vector<16xi32>], vector<16xf32>,
        %parallel_loop3A_223 = arith.constant 16 : i32
        %parallel_loop3A_224 = vector.broadcast %parallel_loop3A_223 : i32 to vector<16xi32>
        %parallel_loop3A_225 = arith.shrui %parallel_loop3A_219, %parallel_loop3A_224 : vector<16xi32>
        tpu.vector_store_idx %arg5[%parallel_loop3A_225], %broadcast_in_dim3A_13 {add = true} : memref<32768xf32, #tpu.memory_space<vmem>>[vector<16xi32>], vector<16xf32>,
        %parallel_loop3A_226 = arith.constant 0 : i32
        %parallel_loop3A_227 = arith.index_cast %parallel_loop3A_226 : i32 to index
        %parallel_loop3A_228 = arith.index_cast %parallel_loop3A_148 : i32 to index
        %parallel_loop3A_229 = arith.constant 112 : index
        %parallel_loop3A_230 = tpu.vector_load %arg4[%parallel_loop3A_227, %parallel_loop3A_228, %parallel_loop3A_229] {strides = array<i32>} : memref<2x32x128xi32, #tpu.memory_space<vmem>>, vector<16xi32>,
        %parallel_loop3A_231 = arith.constant 65535 : i32
        %parallel_loop3A_232 = vector.broadcast %parallel_loop3A_231 : i32 to vector<16xi32>
        %parallel_loop3A_233 = arith.andi %parallel_loop3A_230, %parallel_loop3A_232 : vector<16xi32>
        tpu.vector_store_idx %arg5[%parallel_loop3A_233], %broadcast_in_dim3A_13 {add = true} : memref<32768xf32, #tpu.memory_space<vmem>>[vector<16xi32>], vector<16xf32>,
        %parallel_loop3A_234 = arith.constant 16 : i32
        %parallel_loop3A_235 = vector.broadcast %parallel_loop3A_234 : i32 to vector<16xi32>
        %parallel_loop3A_236 = arith.shrui %parallel_loop3A_230, %parallel_loop3A_235 : vector<16xi32>
        tpu.vector_store_idx %arg5[%parallel_loop3A_236], %broadcast_in_dim3A_13 {add = true} : memref<32768xf32, #tpu.memory_space<vmem>>[vector<16xi32>], vector<16xf32>,
      } {sc.loop_unroll_factor = 2 : i64, sc.parallel_access}
      %add3A_96 = arith.constant 2 : i32
      %add3A_97 = arith.addi %add3A_70, %add3A_96 : i32
      %lt3A = arith.constant 38 : i32
      %lt3A_98 = arith.cmpi slt, %add3A_97, %lt3A : i32
      %convert_element_type3A = arith.extui %lt3A_98 : i1 to i32
      %cond3A = arith.constant 0 : i32
      %cond3A_99 = arith.cmpi ne, %convert_element_type3A, %cond3A : i32
      scf.if %cond3A_99 {
        %add3A_148 = arith.constant 2 : i32
        %add3A_149 = arith.addi %add3A_70, %add3A_148 : i32
        %mul3A_150 = arith.constant 32 : i32
        %mul3A_151 = arith.muli %add3A_149, %mul3A_150 : i32
        %add3A_152 = arith.addi %mul3A_2, %mul3A_151 : i32
        %and3A_153 = arith.constant 2047 : i32
        %and3A_154 = arith.andi %add3A_152, %and3A_153 : i32
        %multiple_of3A_155 = tpu.assume_multiple %and3A_154, 32 : i32
        %shift_right_arithmetic3A_156 = arith.constant 11 : i32
        %shift_right_arithmetic3A_157 = arith.shrsi %add3A_152, %shift_right_arithmetic3A_156 : i32
        %dma_start3A_158 = arith.constant 0 : i32
        %dma_start3A_159 = arith.constant 0 : i32
        %dma_start3A_160 = arith.constant 0 : i32
        %dma_start3A_161 = tpu.memref_slice %arg4[%dma_start3A_158, %dma_start3A_159, %dma_start3A_160] : memref<2x32x128xi32, #tpu.memory_space<vmem>> -> memref<1x32x128xi32, #tpu.memory_space<vmem>>
        %dma_start3A_162 = tpu.memref_squeeze %dma_start3A_161 : memref<1x32x128xi32, #tpu.memory_space<vmem>> -> memref<32x128xi32, #tpu.memory_space<vmem>>
        %dma_start3A_163 = arith.constant 0 : i32
        %dma_start3A_164 = tpu.memref_slice %arg2[%shift_right_arithmetic3A_157, %multiple_of3A_155, %dma_start3A_163] : memref<19x2048x128xi32, #tpu.memory_space<hbm>> -> memref<1x32x128xi32, #tpu.memory_space<hbm>>
        %dma_start3A_165 = tpu.memref_squeeze %dma_start3A_164 : memref<1x32x128xi32, #tpu.memory_space<hbm>> -> memref<32x128xi32, #tpu.memory_space<hbm>>
        %dma_start3A_166 = arith.constant 0 : i32
        %dma_start3A_167 = arith.constant 0 : i32
        %dma_start3A_168 = tpu.memref_slice %arg4[%dma_start3A_158, %dma_start3A_166, %dma_start3A_167] : memref<2x32x128xi32, #tpu.memory_space<vmem>> -> memref<1x32x128xi32, #tpu.memory_space<vmem>>
        %dma_start3A_169 = tpu.memref_squeeze %dma_start3A_168 : memref<1x32x128xi32, #tpu.memory_space<vmem>> -> memref<32x128xi32, #tpu.memory_space<vmem>>
        %dma_start3A_170 = arith.constant 0 : i32
        %dma_start3A_171 = tpu.memref_slice %arg2[%shift_right_arithmetic3A_157, %multiple_of3A_155, %dma_start3A_170] : memref<19x2048x128xi32, #tpu.memory_space<hbm>> -> memref<1x32x128xi32, #tpu.memory_space<hbm>>
        %dma_start3A_172 = tpu.memref_squeeze %dma_start3A_171 : memref<1x32x128xi32, #tpu.memory_space<hbm>> -> memref<32x128xi32, #tpu.memory_space<hbm>>
        tpu.enqueue_dma source(%dma_start3A_172 : memref<32x128xi32, #tpu.memory_space<hbm>>) target(%dma_start3A_169 : memref<32x128xi32, #tpu.memory_space<vmem>>) target_semaphore(%arg6 : memref<!tpu.dma_semaphore, #tpu.memory_space<semaphore_mem>>)
      } else {
      }
      %add3A_100 = arith.constant 1 : i32
      %add3A_101 = arith.addi %add3A_70, %add3A_100 : i32
      %eq3A = arith.cmpi eq, %add3A_101, %min3A_10 : i32
      %convert_element_type3A_102 = arith.extui %eq3A : i1 to i32
      %cond3A_103 = arith.constant 0 : i32
      %cond3A_104 = arith.cmpi ne, %convert_element_type3A_102, %cond3A_103 : i32
      scf.if %cond3A_104 {
        %mul3A_148 = arith.constant 2 : i32
        %mul3A_149 = arith.muli %mul3A_148, %add3A : i32
        "tpu.region"() ({
          %run_scoped3A = tpu.sem_alloc : memref<!tpu.dma_semaphore, #tpu.memory_space<semaphore_mem>>
          %dma_start3A_153 = arith.constant 0 : i32
          %dma_start3A_154 = tpu.memref_slice %arg3[%mul3A_149, %dma_start3A_153] : memref<64x32768xf32, #tpu.memory_space<hbm>> -> memref<1x32768xf32, #tpu.memory_space<hbm>>
          %dma_start3A_155 = tpu.memref_squeeze %dma_start3A_154 : memref<1x32768xf32, #tpu.memory_space<hbm>> -> memref<32768xf32, #tpu.memory_space<hbm>>
          %dma_start3A_156 = arith.constant 0 : i32
          %dma_start3A_157 = tpu.memref_slice %arg3[%mul3A_149, %dma_start3A_156] : memref<64x32768xf32, #tpu.memory_space<hbm>> -> memref<1x32768xf32, #tpu.memory_space<hbm>>
          %dma_start3A_158 = tpu.memref_squeeze %dma_start3A_157 : memref<1x32768xf32, #tpu.memory_space<hbm>> -> memref<32768xf32, #tpu.memory_space<hbm>>
          tpu.enqueue_dma source(%arg5 : memref<32768xf32, #tpu.memory_space<vmem>>) target(%dma_start3A_158 : memref<32768xf32, #tpu.memory_space<hbm>>) target_semaphore(%run_scoped3A : memref<!tpu.dma_semaphore, #tpu.memory_space<semaphore_mem>>)
          %dma_wait3A_159 = arith.constant 0 : i32
          %dma_wait3A_160 = tpu.memref_slice %arg3[%mul3A_149, %dma_wait3A_159] : memref<64x32768xf32, #tpu.memory_space<hbm>> -> memref<1x32768xf32, #tpu.memory_space<hbm>>
          %dma_wait3A_161 = tpu.memref_squeeze %dma_wait3A_160 : memref<1x32768xf32, #tpu.memory_space<hbm>> -> memref<32768xf32, #tpu.memory_space<hbm>>
          %dma_wait3A_162 = arith.constant 0 : i32
          %dma_wait3A_163 = tpu.memref_slice %arg3[%mul3A_149, %dma_wait3A_162] : memref<64x32768xf32, #tpu.memory_space<hbm>> -> memref<1x32768xf32, #tpu.memory_space<hbm>>
          %dma_wait3A_164 = tpu.memref_squeeze %dma_wait3A_163 : memref<1x32768xf32, #tpu.memory_space<hbm>> -> memref<32768xf32, #tpu.memory_space<hbm>>
          tpu.wait_dma2 semaphore(%run_scoped3A : memref<!tpu.dma_semaphore, #tpu.memory_space<semaphore_mem>>) src(%arg5 : memref<32768xf32, #tpu.memory_space<vmem>>) dst(%dma_wait3A_164 : memref<32768xf32, #tpu.memory_space<hbm>>)
          tpu.yield
        }) : () -> ()
        %parallel_loop3A_150 = arith.constant 0 : i32
        %parallel_loop3A_151 = arith.constant 2048 : i32
        %parallel_loop3A_152 = arith.constant 1 : i32
        scf.for %parallel_loop3A_153 = %parallel_loop3A_150 to %parallel_loop3A_151 step %parallel_loop3A_152  : i32 {
          %parallel_loop3A_154 = arith.constant 16 : i32
          %parallel_loop3A_155 = arith.muli %parallel_loop3A_153, %parallel_loop3A_154 : i32
          %parallel_loop3A_156 = arith.index_cast %parallel_loop3A_155 : i32 to index
          %parallel_loop3A_157 = tpu.vector_load %arg5[%parallel_loop3A_156] {strides = array<i32>} : memref<32768xf32, #tpu.memory_space<vmem>>, vector<16xf32>,
          tpu.vector_store %arg5[%parallel_loop3A_156], %broadcast_in_dim3A_11 {strides = array<i32>} : memref<32768xf32, #tpu.memory_space<vmem>>, vector<16xf32>,
        } {sc.loop_unroll_factor = 8 : i64, sc.parallel_access}
      } else {
      }
      %mul3A_105 = arith.constant 2 : i32
      %mul3A_106 = arith.muli %scan3A_66, %mul3A_105 : i32
      %add3A_107 = arith.constant 1 : i32
      %add3A_108 = arith.addi %mul3A_106, %add3A_107 : i32
      %mul3A_109 = arith.constant 32 : i32
      %mul3A_110 = arith.muli %add3A_108, %mul3A_109 : i32
      %add3A_111 = arith.addi %mul3A_2, %mul3A_110 : i32
      %and3A_112 = arith.constant 2047 : i32
      %and3A_113 = arith.andi %add3A_111, %and3A_112 : i32
      %multiple_of3A_114 = tpu.assume_multiple %and3A_113, 32 : i32
      %shift_right_arithmetic3A_115 = arith.constant 11 : i32
      %shift_right_arithmetic3A_116 = arith.shrsi %add3A_111, %shift_right_arithmetic3A_115 : i32
      %dma_wait3A_117 = arith.constant 1 : i32
      %dma_wait3A_118 = arith.constant 0 : i32
      %dma_wait3A_119 = arith.constant 0 : i32
      %dma_wait3A_120 = tpu.memref_slice %arg4[%dma_wait3A_117, %dma_wait3A_118, %dma_wait3A_119] : memref<2x32x128xi32, #tpu.memory_space<vmem>> -> memref<1x32x128xi32, #tpu.memory_space<vmem>>
      %dma_wait3A_121 = tpu.memref_squeeze %dma_wait3A_120 : memref<1x32x128xi32, #tpu.memory_space<vmem>> -> memref<32x128xi32, #tpu.memory_space<vmem>>
      %dma_wait3A_122 = arith.constant 0 : i32
      %dma_wait3A_123 = tpu.memref_slice %arg2[%shift_right_arithmetic3A_116, %multiple_of3A_114, %dma_wait3A_122] : memref<19x2048x128xi32, #tpu.memory_space<hbm>> -> memref<1x32x128xi32, #tpu.memory_space<hbm>>
      %dma_wait3A_124 = tpu.memref_squeeze %dma_wait3A_123 : memref<1x32x128xi32, #tpu.memory_space<hbm>> -> memref<32x128xi32, #tpu.memory_space<hbm>>
      %dma_wait3A_125 = arith.constant 0 : i32
      %dma_wait3A_126 = arith.constant 0 : i32
      %dma_wait3A_127 = tpu.memref_slice %arg4[%dma_wait3A_117, %dma_wait3A_125, %dma_wait3A_126] : memref<2x32x128xi32, #tpu.memory_space<vmem>> -> memref<1x32x128xi32, #tpu.memory_space<vmem>>
      %dma_wait3A_128 = tpu.memref_squeeze %dma_wait3A_127 : memref<1x32x128xi32, #tpu.memory_space<vmem>> -> memref<32x128xi32, #tpu.memory_space<vmem>>
      %dma_wait3A_129 = arith.constant 0 : i32
      %dma_wait3A_130 = tpu.memref_slice %arg2[%shift_right_arithmetic3A_116, %multiple_of3A_114, %dma_wait3A_129] : memref<19x2048x128xi32, #tpu.memory_space<hbm>> -> memref<1x32x128xi32, #tpu.memory_space<hbm>>
      %dma_wait3A_131 = tpu.memref_squeeze %dma_wait3A_130 : memref<1x32x128xi32, #tpu.memory_space<hbm>> -> memref<32x128xi32, #tpu.memory_space<hbm>>
      tpu.wait_dma2 semaphore(%arg7 : memref<!tpu.dma_semaphore, #tpu.memory_space<semaphore_mem>>) src(%dma_wait3A_131 : memref<32x128xi32, #tpu.memory_space<hbm>>) dst(%dma_wait3A_128 : memref<32x128xi32, #tpu.memory_space<vmem>>)
      %parallel_loop3A_132 = arith.constant 0 : i32
      %parallel_loop3A_133 = arith.constant 32 : i32
      %parallel_loop3A_134 = arith.constant 1 : i32
      scf.for %parallel_loop3A_148 = %parallel_loop3A_132 to %parallel_loop3A_133 step %parallel_loop3A_134  : i32 {
        %parallel_loop3A_149 = arith.constant 1 : i32
        %parallel_loop3A_150 = arith.index_cast %parallel_loop3A_149 : i32 to index
        %parallel_loop3A_151 = arith.index_cast %parallel_loop3A_148 : i32 to index
        %parallel_loop3A_152 = arith.constant 0 : index
        %parallel_loop3A_153 = tpu.vector_load %arg4[%parallel_loop3A_150, %parallel_loop3A_151, %parallel_loop3A_152] {strides = array<i32>} : memref<2x32x128xi32, #tpu.memory_space<vmem>>, vector<16xi32>,
        %parallel_loop3A_154 = arith.constant 65535 : i32
        %parallel_loop3A_155 = vector.broadcast %parallel_loop3A_154 : i32 to vector<16xi32>
        %parallel_loop3A_156 = arith.andi %parallel_loop3A_153, %parallel_loop3A_155 : vector<16xi32>
        tpu.vector_store_idx %arg5[%parallel_loop3A_156], %broadcast_in_dim3A_13 {add = true} : memref<32768xf32, #tpu.memory_space<vmem>>[vector<16xi32>], vector<16xf32>,
        %parallel_loop3A_157 = arith.constant 16 : i32
        %parallel_loop3A_158 = vector.broadcast %parallel_loop3A_157 : i32 to vector<16xi32>
        %parallel_loop3A_159 = arith.shrui %parallel_loop3A_153, %parallel_loop3A_158 : vector<16xi32>
        tpu.vector_store_idx %arg5[%parallel_loop3A_159], %broadcast_in_dim3A_13 {add = true} : memref<32768xf32, #tpu.memory_space<vmem>>[vector<16xi32>], vector<16xf32>,
        %parallel_loop3A_160 = arith.constant 1 : i32
        %parallel_loop3A_161 = arith.index_cast %parallel_loop3A_160 : i32 to index
        %parallel_loop3A_162 = arith.index_cast %parallel_loop3A_148 : i32 to index
        %parallel_loop3A_163 = arith.constant 16 : index
        %parallel_loop3A_164 = tpu.vector_load %arg4[%parallel_loop3A_161, %parallel_loop3A_162, %parallel_loop3A_163] {strides = array<i32>} : memref<2x32x128xi32, #tpu.memory_space<vmem>>, vector<16xi32>,
        %parallel_loop3A_165 = arith.constant 65535 : i32
        %parallel_loop3A_166 = vector.broadcast %parallel_loop3A_165 : i32 to vector<16xi32>
        %parallel_loop3A_167 = arith.andi %parallel_loop3A_164, %parallel_loop3A_166 : vector<16xi32>
        tpu.vector_store_idx %arg5[%parallel_loop3A_167], %broadcast_in_dim3A_13 {add = true} : memref<32768xf32, #tpu.memory_space<vmem>>[vector<16xi32>], vector<16xf32>,
        %parallel_loop3A_168 = arith.constant 16 : i32
        %parallel_loop3A_169 = vector.broadcast %parallel_loop3A_168 : i32 to vector<16xi32>
        %parallel_loop3A_170 = arith.shrui %parallel_loop3A_164, %parallel_loop3A_169 : vector<16xi32>
        tpu.vector_store_idx %arg5[%parallel_loop3A_170], %broadcast_in_dim3A_13 {add = true} : memref<32768xf32, #tpu.memory_space<vmem>>[vector<16xi32>], vector<16xf32>,
        %parallel_loop3A_171 = arith.constant 1 : i32
        %parallel_loop3A_172 = arith.index_cast %parallel_loop3A_171 : i32 to index
        %parallel_loop3A_173 = arith.index_cast %parallel_loop3A_148 : i32 to index
        %parallel_loop3A_174 = arith.constant 32 : index
        %parallel_loop3A_175 = tpu.vector_load %arg4[%parallel_loop3A_172, %parallel_loop3A_173, %parallel_loop3A_174] {strides = array<i32>} : memref<2x32x128xi32, #tpu.memory_space<vmem>>, vector<16xi32>,
        %parallel_loop3A_176 = arith.constant 65535 : i32
        %parallel_loop3A_177 = vector.broadcast %parallel_loop3A_176 : i32 to vector<16xi32>
        %parallel_loop3A_178 = arith.andi %parallel_loop3A_175, %parallel_loop3A_177 : vector<16xi32>
        tpu.vector_store_idx %arg5[%parallel_loop3A_178], %broadcast_in_dim3A_13 {add = true} : memref<32768xf32, #tpu.memory_space<vmem>>[vector<16xi32>], vector<16xf32>,
        %parallel_loop3A_179 = arith.constant 16 : i32
        %parallel_loop3A_180 = vector.broadcast %parallel_loop3A_179 : i32 to vector<16xi32>
        %parallel_loop3A_181 = arith.shrui %parallel_loop3A_175, %parallel_loop3A_180 : vector<16xi32>
        tpu.vector_store_idx %arg5[%parallel_loop3A_181], %broadcast_in_dim3A_13 {add = true} : memref<32768xf32, #tpu.memory_space<vmem>>[vector<16xi32>], vector<16xf32>,
        %parallel_loop3A_182 = arith.constant 1 : i32
        %parallel_loop3A_183 = arith.index_cast %parallel_loop3A_182 : i32 to index
        %parallel_loop3A_184 = arith.index_cast %parallel_loop3A_148 : i32 to index
        %parallel_loop3A_185 = arith.constant 48 : index
        %parallel_loop3A_186 = tpu.vector_load %arg4[%parallel_loop3A_183, %parallel_loop3A_184, %parallel_loop3A_185] {strides = array<i32>} : memref<2x32x128xi32, #tpu.memory_space<vmem>>, vector<16xi32>,
        %parallel_loop3A_187 = arith.constant 65535 : i32
        %parallel_loop3A_188 = vector.broadcast %parallel_loop3A_187 : i32 to vector<16xi32>
        %parallel_loop3A_189 = arith.andi %parallel_loop3A_186, %parallel_loop3A_188 : vector<16xi32>
        tpu.vector_store_idx %arg5[%parallel_loop3A_189], %broadcast_in_dim3A_13 {add = true} : memref<32768xf32, #tpu.memory_space<vmem>>[vector<16xi32>], vector<16xf32>,
        %parallel_loop3A_190 = arith.constant 16 : i32
        %parallel_loop3A_191 = vector.broadcast %parallel_loop3A_190 : i32 to vector<16xi32>
        %parallel_loop3A_192 = arith.shrui %parallel_loop3A_186, %parallel_loop3A_191 : vector<16xi32>
        tpu.vector_store_idx %arg5[%parallel_loop3A_192], %broadcast_in_dim3A_13 {add = true} : memref<32768xf32, #tpu.memory_space<vmem>>[vector<16xi32>], vector<16xf32>,
        %parallel_loop3A_193 = arith.constant 1 : i32
        %parallel_loop3A_194 = arith.index_cast %parallel_loop3A_193 : i32 to index
        %parallel_loop3A_195 = arith.index_cast %parallel_loop3A_148 : i32 to index
        %parallel_loop3A_196 = arith.constant 64 : index
        %parallel_loop3A_197 = tpu.vector_load %arg4[%parallel_loop3A_194, %parallel_loop3A_195, %parallel_loop3A_196] {strides = array<i32>} : memref<2x32x128xi32, #tpu.memory_space<vmem>>, vector<16xi32>,
        %parallel_loop3A_198 = arith.constant 65535 : i32
        %parallel_loop3A_199 = vector.broadcast %parallel_loop3A_198 : i32 to vector<16xi32>
        %parallel_loop3A_200 = arith.andi %parallel_loop3A_197, %parallel_loop3A_199 : vector<16xi32>
        tpu.vector_store_idx %arg5[%parallel_loop3A_200], %broadcast_in_dim3A_13 {add = true} : memref<32768xf32, #tpu.memory_space<vmem>>[vector<16xi32>], vector<16xf32>,
        %parallel_loop3A_201 = arith.constant 16 : i32
        %parallel_loop3A_202 = vector.broadcast %parallel_loop3A_201 : i32 to vector<16xi32>
        %parallel_loop3A_203 = arith.shrui %parallel_loop3A_197, %parallel_loop3A_202 : vector<16xi32>
        tpu.vector_store_idx %arg5[%parallel_loop3A_203], %broadcast_in_dim3A_13 {add = true} : memref<32768xf32, #tpu.memory_space<vmem>>[vector<16xi32>], vector<16xf32>,
        %parallel_loop3A_204 = arith.constant 1 : i32
        %parallel_loop3A_205 = arith.index_cast %parallel_loop3A_204 : i32 to index
        %parallel_loop3A_206 = arith.index_cast %parallel_loop3A_148 : i32 to index
        %parallel_loop3A_207 = arith.constant 80 : index
        %parallel_loop3A_208 = tpu.vector_load %arg4[%parallel_loop3A_205, %parallel_loop3A_206, %parallel_loop3A_207] {strides = array<i32>} : memref<2x32x128xi32, #tpu.memory_space<vmem>>, vector<16xi32>,
        %parallel_loop3A_209 = arith.constant 65535 : i32
        %parallel_loop3A_210 = vector.broadcast %parallel_loop3A_209 : i32 to vector<16xi32>
        %parallel_loop3A_211 = arith.andi %parallel_loop3A_208, %parallel_loop3A_210 : vector<16xi32>
        tpu.vector_store_idx %arg5[%parallel_loop3A_211], %broadcast_in_dim3A_13 {add = true} : memref<32768xf32, #tpu.memory_space<vmem>>[vector<16xi32>], vector<16xf32>,
        %parallel_loop3A_212 = arith.constant 16 : i32
        %parallel_loop3A_213 = vector.broadcast %parallel_loop3A_212 : i32 to vector<16xi32>
        %parallel_loop3A_214 = arith.shrui %parallel_loop3A_208, %parallel_loop3A_213 : vector<16xi32>
        tpu.vector_store_idx %arg5[%parallel_loop3A_214], %broadcast_in_dim3A_13 {add = true} : memref<32768xf32, #tpu.memory_space<vmem>>[vector<16xi32>], vector<16xf32>,
        %parallel_loop3A_215 = arith.constant 1 : i32
        %parallel_loop3A_216 = arith.index_cast %parallel_loop3A_215 : i32 to index
        %parallel_loop3A_217 = arith.index_cast %parallel_loop3A_148 : i32 to index
        %parallel_loop3A_218 = arith.constant 96 : index
        %parallel_loop3A_219 = tpu.vector_load %arg4[%parallel_loop3A_216, %parallel_loop3A_217, %parallel_loop3A_218] {strides = array<i32>} : memref<2x32x128xi32, #tpu.memory_space<vmem>>, vector<16xi32>,
        %parallel_loop3A_220 = arith.constant 65535 : i32
        %parallel_loop3A_221 = vector.broadcast %parallel_loop3A_220 : i32 to vector<16xi32>
        %parallel_loop3A_222 = arith.andi %parallel_loop3A_219, %parallel_loop3A_221 : vector<16xi32>
        tpu.vector_store_idx %arg5[%parallel_loop3A_222], %broadcast_in_dim3A_13 {add = true} : memref<32768xf32, #tpu.memory_space<vmem>>[vector<16xi32>], vector<16xf32>,
        %parallel_loop3A_223 = arith.constant 16 : i32
        %parallel_loop3A_224 = vector.broadcast %parallel_loop3A_223 : i32 to vector<16xi32>
        %parallel_loop3A_225 = arith.shrui %parallel_loop3A_219, %parallel_loop3A_224 : vector<16xi32>
        tpu.vector_store_idx %arg5[%parallel_loop3A_225], %broadcast_in_dim3A_13 {add = true} : memref<32768xf32, #tpu.memory_space<vmem>>[vector<16xi32>], vector<16xf32>,
        %parallel_loop3A_226 = arith.constant 1 : i32
        %parallel_loop3A_227 = arith.index_cast %parallel_loop3A_226 : i32 to index
        %parallel_loop3A_228 = arith.index_cast %parallel_loop3A_148 : i32 to index
        %parallel_loop3A_229 = arith.constant 112 : index
        %parallel_loop3A_230 = tpu.vector_load %arg4[%parallel_loop3A_227, %parallel_loop3A_228, %parallel_loop3A_229] {strides = array<i32>} : memref<2x32x128xi32, #tpu.memory_space<vmem>>, vector<16xi32>,
        %parallel_loop3A_231 = arith.constant 65535 : i32
        %parallel_loop3A_232 = vector.broadcast %parallel_loop3A_231 : i32 to vector<16xi32>
        %parallel_loop3A_233 = arith.andi %parallel_loop3A_230, %parallel_loop3A_232 : vector<16xi32>
        tpu.vector_store_idx %arg5[%parallel_loop3A_233], %broadcast_in_dim3A_13 {add = true} : memref<32768xf32, #tpu.memory_space<vmem>>[vector<16xi32>], vector<16xf32>,
        %parallel_loop3A_234 = arith.constant 16 : i32
        %parallel_loop3A_235 = vector.broadcast %parallel_loop3A_234 : i32 to vector<16xi32>
        %parallel_loop3A_236 = arith.shrui %parallel_loop3A_230, %parallel_loop3A_235 : vector<16xi32>
        tpu.vector_store_idx %arg5[%parallel_loop3A_236], %broadcast_in_dim3A_13 {add = true} : memref<32768xf32, #tpu.memory_space<vmem>>[vector<16xi32>], vector<16xf32>,
      } {sc.loop_unroll_factor = 2 : i64, sc.parallel_access}
      %add3A_135 = arith.constant 2 : i32
      %add3A_136 = arith.addi %add3A_108, %add3A_135 : i32
      %lt3A_137 = arith.constant 38 : i32
      %lt3A_138 = arith.cmpi slt, %add3A_136, %lt3A_137 : i32
      %convert_element_type3A_139 = arith.extui %lt3A_138 : i1 to i32
      %cond3A_140 = arith.constant 0 : i32
      %cond3A_141 = arith.cmpi ne, %convert_element_type3A_139, %cond3A_140 : i32
      scf.if %cond3A_141 {
        %add3A_148 = arith.constant 2 : i32
        %add3A_149 = arith.addi %add3A_108, %add3A_148 : i32
        %mul3A_150 = arith.constant 32 : i32
        %mul3A_151 = arith.muli %add3A_149, %mul3A_150 : i32
        %add3A_152 = arith.addi %mul3A_2, %mul3A_151 : i32
        %and3A_153 = arith.constant 2047 : i32
        %and3A_154 = arith.andi %add3A_152, %and3A_153 : i32
        %multiple_of3A_155 = tpu.assume_multiple %and3A_154, 32 : i32
        %shift_right_arithmetic3A_156 = arith.constant 11 : i32
        %shift_right_arithmetic3A_157 = arith.shrsi %add3A_152, %shift_right_arithmetic3A_156 : i32
        %dma_start3A_158 = arith.constant 1 : i32
        %dma_start3A_159 = arith.constant 0 : i32
        %dma_start3A_160 = arith.constant 0 : i32
        %dma_start3A_161 = tpu.memref_slice %arg4[%dma_start3A_158, %dma_start3A_159, %dma_start3A_160] : memref<2x32x128xi32, #tpu.memory_space<vmem>> -> memref<1x32x128xi32, #tpu.memory_space<vmem>>
        %dma_start3A_162 = tpu.memref_squeeze %dma_start3A_161 : memref<1x32x128xi32, #tpu.memory_space<vmem>> -> memref<32x128xi32, #tpu.memory_space<vmem>>
        %dma_start3A_163 = arith.constant 0 : i32
        %dma_start3A_164 = tpu.memref_slice %arg2[%shift_right_arithmetic3A_157, %multiple_of3A_155, %dma_start3A_163] : memref<19x2048x128xi32, #tpu.memory_space<hbm>> -> memref<1x32x128xi32, #tpu.memory_space<hbm>>
        %dma_start3A_165 = tpu.memref_squeeze %dma_start3A_164 : memref<1x32x128xi32, #tpu.memory_space<hbm>> -> memref<32x128xi32, #tpu.memory_space<hbm>>
        %dma_start3A_166 = arith.constant 0 : i32
        %dma_start3A_167 = arith.constant 0 : i32
        %dma_start3A_168 = tpu.memref_slice %arg4[%dma_start3A_158, %dma_start3A_166, %dma_start3A_167] : memref<2x32x128xi32, #tpu.memory_space<vmem>> -> memref<1x32x128xi32, #tpu.memory_space<vmem>>
        %dma_start3A_169 = tpu.memref_squeeze %dma_start3A_168 : memref<1x32x128xi32, #tpu.memory_space<vmem>> -> memref<32x128xi32, #tpu.memory_space<vmem>>
        %dma_start3A_170 = arith.constant 0 : i32
        %dma_start3A_171 = tpu.memref_slice %arg2[%shift_right_arithmetic3A_157, %multiple_of3A_155, %dma_start3A_170] : memref<19x2048x128xi32, #tpu.memory_space<hbm>> -> memref<1x32x128xi32, #tpu.memory_space<hbm>>
        %dma_start3A_172 = tpu.memref_squeeze %dma_start3A_171 : memref<1x32x128xi32, #tpu.memory_space<hbm>> -> memref<32x128xi32, #tpu.memory_space<hbm>>
        tpu.enqueue_dma source(%dma_start3A_172 : memref<32x128xi32, #tpu.memory_space<hbm>>) target(%dma_start3A_169 : memref<32x128xi32, #tpu.memory_space<vmem>>) target_semaphore(%arg7 : memref<!tpu.dma_semaphore, #tpu.memory_space<semaphore_mem>>)
      } else {
      }
      %add3A_142 = arith.constant 1 : i32
      %add3A_143 = arith.addi %add3A_108, %add3A_142 : i32
      %eq3A_144 = arith.cmpi eq, %add3A_143, %min3A_10 : i32
      %convert_element_type3A_145 = arith.extui %eq3A_144 : i1 to i32
      %cond3A_146 = arith.constant 0 : i32
      %cond3A_147 = arith.cmpi ne, %convert_element_type3A_145, %cond3A_146 : i32
      scf.if %cond3A_147 {
        %mul3A_148 = arith.constant 2 : i32
        %mul3A_149 = arith.muli %mul3A_148, %add3A : i32
        "tpu.region"() ({
          %run_scoped3A = tpu.sem_alloc : memref<!tpu.dma_semaphore, #tpu.memory_space<semaphore_mem>>
          %dma_start3A_153 = arith.constant 0 : i32
          %dma_start3A_154 = tpu.memref_slice %arg3[%mul3A_149, %dma_start3A_153] : memref<64x32768xf32, #tpu.memory_space<hbm>> -> memref<1x32768xf32, #tpu.memory_space<hbm>>
          %dma_start3A_155 = tpu.memref_squeeze %dma_start3A_154 : memref<1x32768xf32, #tpu.memory_space<hbm>> -> memref<32768xf32, #tpu.memory_space<hbm>>
          %dma_start3A_156 = arith.constant 0 : i32
          %dma_start3A_157 = tpu.memref_slice %arg3[%mul3A_149, %dma_start3A_156] : memref<64x32768xf32, #tpu.memory_space<hbm>> -> memref<1x32768xf32, #tpu.memory_space<hbm>>
          %dma_start3A_158 = tpu.memref_squeeze %dma_start3A_157 : memref<1x32768xf32, #tpu.memory_space<hbm>> -> memref<32768xf32, #tpu.memory_space<hbm>>
          tpu.enqueue_dma source(%arg5 : memref<32768xf32, #tpu.memory_space<vmem>>) target(%dma_start3A_158 : memref<32768xf32, #tpu.memory_space<hbm>>) target_semaphore(%run_scoped3A : memref<!tpu.dma_semaphore, #tpu.memory_space<semaphore_mem>>)
          %dma_wait3A_159 = arith.constant 0 : i32
          %dma_wait3A_160 = tpu.memref_slice %arg3[%mul3A_149, %dma_wait3A_159] : memref<64x32768xf32, #tpu.memory_space<hbm>> -> memref<1x32768xf32, #tpu.memory_space<hbm>>
          %dma_wait3A_161 = tpu.memref_squeeze %dma_wait3A_160 : memref<1x32768xf32, #tpu.memory_space<hbm>> -> memref<32768xf32, #tpu.memory_space<hbm>>
          %dma_wait3A_162 = arith.constant 0 : i32
          %dma_wait3A_163 = tpu.memref_slice %arg3[%mul3A_149, %dma_wait3A_162] : memref<64x32768xf32, #tpu.memory_space<hbm>> -> memref<1x32768xf32, #tpu.memory_space<hbm>>
          %dma_wait3A_164 = tpu.memref_squeeze %dma_wait3A_163 : memref<1x32768xf32, #tpu.memory_space<hbm>> -> memref<32768xf32, #tpu.memory_space<hbm>>
          tpu.wait_dma2 semaphore(%run_scoped3A : memref<!tpu.dma_semaphore, #tpu.memory_space<semaphore_mem>>) src(%arg5 : memref<32768xf32, #tpu.memory_space<vmem>>) dst(%dma_wait3A_164 : memref<32768xf32, #tpu.memory_space<hbm>>)
          tpu.yield
        }) : () -> ()
        %parallel_loop3A_150 = arith.constant 0 : i32
        %parallel_loop3A_151 = arith.constant 2048 : i32
        %parallel_loop3A_152 = arith.constant 1 : i32
        scf.for %parallel_loop3A_153 = %parallel_loop3A_150 to %parallel_loop3A_151 step %parallel_loop3A_152  : i32 {
          %parallel_loop3A_154 = arith.constant 16 : i32
          %parallel_loop3A_155 = arith.muli %parallel_loop3A_153, %parallel_loop3A_154 : i32
          %parallel_loop3A_156 = arith.index_cast %parallel_loop3A_155 : i32 to index
          %parallel_loop3A_157 = tpu.vector_load %arg5[%parallel_loop3A_156] {strides = array<i32>} : memref<32768xf32, #tpu.memory_space<vmem>>, vector<16xf32>,
          tpu.vector_store %arg5[%parallel_loop3A_156], %broadcast_in_dim3A_11 {strides = array<i32>} : memref<32768xf32, #tpu.memory_space<vmem>>, vector<16xf32>,
        } {sc.loop_unroll_factor = 8 : i64, sc.parallel_access}
      } else {
      }
    }
    %scan3A_61 = arith.constant 19 : i32
    %mul3A_62 = arith.constant 2 : i32
    %mul3A_63 = arith.muli %mul3A_62, %add3A : i32
    %add3A_64 = arith.constant 1 : i32
    %add3A_65 = arith.addi %mul3A_63, %add3A_64 : i32
    "tpu.region"() ({
      %run_scoped3A = tpu.sem_alloc : memref<!tpu.dma_semaphore, #tpu.memory_space<semaphore_mem>>
      %dma_start3A_66 = arith.constant 0 : i32
      %dma_start3A_67 = tpu.memref_slice %arg3[%add3A_65, %dma_start3A_66] : memref<64x32768xf32, #tpu.memory_space<hbm>> -> memref<1x32768xf32, #tpu.memory_space<hbm>>
      %dma_start3A_68 = tpu.memref_squeeze %dma_start3A_67 : memref<1x32768xf32, #tpu.memory_space<hbm>> -> memref<32768xf32, #tpu.memory_space<hbm>>
      %dma_start3A_69 = arith.constant 0 : i32
      %dma_start3A_70 = tpu.memref_slice %arg3[%add3A_65, %dma_start3A_69] : memref<64x32768xf32, #tpu.memory_space<hbm>> -> memref<1x32768xf32, #tpu.memory_space<hbm>>
      %dma_start3A_71 = tpu.memref_squeeze %dma_start3A_70 : memref<1x32768xf32, #tpu.memory_space<hbm>> -> memref<32768xf32, #tpu.memory_space<hbm>>
      tpu.enqueue_dma source(%arg5 : memref<32768xf32, #tpu.memory_space<vmem>>) target(%dma_start3A_71 : memref<32768xf32, #tpu.memory_space<hbm>>) target_semaphore(%run_scoped3A : memref<!tpu.dma_semaphore, #tpu.memory_space<semaphore_mem>>)
      %dma_wait3A = arith.constant 0 : i32
      %dma_wait3A_72 = tpu.memref_slice %arg3[%add3A_65, %dma_wait3A] : memref<64x32768xf32, #tpu.memory_space<hbm>> -> memref<1x32768xf32, #tpu.memory_space<hbm>>
      %dma_wait3A_73 = tpu.memref_squeeze %dma_wait3A_72 : memref<1x32768xf32, #tpu.memory_space<hbm>> -> memref<32768xf32, #tpu.memory_space<hbm>>
      %dma_wait3A_74 = arith.constant 0 : i32
      %dma_wait3A_75 = tpu.memref_slice %arg3[%add3A_65, %dma_wait3A_74] : memref<64x32768xf32, #tpu.memory_space<hbm>> -> memref<1x32768xf32, #tpu.memory_space<hbm>>
      %dma_wait3A_76 = tpu.memref_squeeze %dma_wait3A_75 : memref<1x32768xf32, #tpu.memory_space<hbm>> -> memref<32768xf32, #tpu.memory_space<hbm>>
      tpu.wait_dma2 semaphore(%run_scoped3A : memref<!tpu.dma_semaphore, #tpu.memory_space<semaphore_mem>>) src(%arg5 : memref<32768xf32, #tpu.memory_space<vmem>>) dst(%dma_wait3A_76 : memref<32768xf32, #tpu.memory_space<hbm>>)
      tpu.yield
    }) : () -> ()
    return
  }
}

module attributes {stable_mosaic.version = 14 : i64} {
  func.func @_codes_body(%arg0: i32, %arg1: i32, %arg2: memref<1x19x64x512xf32, #tpu.memory_space<vmem>>, %arg3: memref<1x64x512xi32, #tpu.memory_space<vmem>>, %arg4: memref<19x128x128xi32, #tpu.memory_space<vmem>>) attributes {dimension_semantics = [#tpu.dimension_semantics<arbitrary>, #tpu.dimension_semantics<arbitrary>], iteration_bounds = array<i64: 2, 8>, scalar_prefetch = 0 : i64, scratch_operands = 0 : i64, tpu.core_type = #tpu.core_type<tc>, window_params = [{transform_indices = @transform_0, window_bounds = array<i64: 1, 19, 64, 512>}, {transform_indices = @transform_1, window_bounds = array<i64: 1, 64, 512>}, {transform_indices = @transform_2, window_bounds = array<i64: 19, 128, 128>}]} {
    %get3A = arith.constant 0 : index
    %get3A_0 = arith.constant 0 : index
    %get3A_1 = arith.constant 0 : index
    %get3A_2 = arith.constant 0 : index
    %get3A_3 = vector.load %arg2[%get3A, %get3A_0, %get3A_1, %get3A_2] : memref<1x19x64x512xf32, #tpu.memory_space<vmem>>, vector<1x19x64x512xf32>
    %get3A_4 = vector.shape_cast %get3A_3 : vector<1x19x64x512xf32> to vector<19x64x512xf32>
    %reduce_max3A = arith.constant dense<0xFF800000> : vector<64x512xf32>
    %reduce_max3A_5 = vector.multi_reduction <maximumf>, %get3A_4, %reduce_max3A [0] : vector<19x64x512xf32> to vector<64x512xf32>
    %broadcast_in_dim3A = vector.shape_cast %reduce_max3A_5 : vector<64x512xf32> to vector<1x64x512xf32>
    %sub3A = vector.broadcast %broadcast_in_dim3A : vector<1x64x512xf32> to vector<19x64x512xf32>
    %sub3A_6 = arith.subf %get3A_4, %sub3A : vector<19x64x512xf32>
    %exp3A = math.exp %sub3A_6 : vector<19x64x512xf32>
    %reduce_sum3A = arith.constant dense<0.000000e+00> : vector<64x512xf32>
    %reduce_sum3A_7 = vector.multi_reduction <add>, %exp3A, %reduce_sum3A [0] : vector<19x64x512xf32> to vector<64x512xf32>
    %broadcast_in_dim3A_8 = vector.shape_cast %reduce_sum3A_7 : vector<64x512xf32> to vector<1x64x512xf32>
    %div3A = vector.broadcast %broadcast_in_dim3A_8 : vector<1x64x512xf32> to vector<19x64x512xf32>
    %div3A_9 = arith.divf %exp3A, %div3A : vector<19x64x512xf32>
    %get3A_10 = arith.constant 0 : index
    %get3A_11 = arith.constant 0 : index
    %get3A_12 = arith.constant 0 : index
    %get3A_13 = vector.load %arg3[%get3A_10, %get3A_11, %get3A_12] : memref<1x64x512xi32, #tpu.memory_space<vmem>>, vector<1x64x512xi32>
    %iota3A = tpu.iota {dimensions = array<i32: 0>} : vector<19x64x512xi32>
    %eq3A = vector.broadcast %get3A_13 : vector<1x64x512xi32> to vector<19x64x512xi32>
    %eq3A_14 = arith.cmpi eq, %iota3A, %eq3A : vector<19x64x512xi32>
    %convert_element_type3A = arith.extui %eq3A_14 : vector<19x64x512xi1> to vector<19x64x512xi32>
    %convert_element_type3A_15 = arith.extui %eq3A_14 : vector<19x64x512xi1> to vector<19x64x512xi32>
    %convert_element_type3A_16 = arith.sitofp %convert_element_type3A_15 : vector<19x64x512xi32> to vector<19x64x512xf32>
    %sub3A_17 = arith.subf %convert_element_type3A_16, %div3A_9 : vector<19x64x512xf32>
    %abs3A = math.absf %sub3A_17 : vector<19x64x512xf32>
    %mul3A = arith.constant 1.024000e+03 : f32
    %mul3A_18 = vector.broadcast %mul3A : f32 to vector<19x64x512xf32>
    %mul3A_19 = arith.mulf %abs3A, %mul3A_18 : vector<19x64x512xf32>
    %convert_element_type3A_20 = arith.fptosi %mul3A_19 : vector<19x64x512xf32> to vector<19x64x512xi32>
    %min3A = arith.constant 1023 : i32
    %min3A_21 = vector.broadcast %min3A : i32 to vector<19x64x512xi32>
    %min3A_22 = arith.minsi %convert_element_type3A_20, %min3A_21 : vector<19x64x512xi32>
    %iota3A_23 = tpu.iota {dimensions = array<i32: 2>} : vector<19x64x512xi32>
    %and3A = arith.constant 15 : i32
    %and3A_24 = vector.broadcast %and3A : i32 to vector<19x64x512xi32>
    %and3A_25 = arith.andi %iota3A_23, %and3A_24 : vector<19x64x512xi32>
    %shift_left3A = arith.constant 4 : i32
    %shift_left3A_26 = vector.broadcast %shift_left3A : i32 to vector<19x64x512xi32>
    %shift_left3A_27 = arith.shli %min3A_22, %shift_left3A_26 : vector<19x64x512xi32>
    %shift_left3A_28 = arith.constant 14 : i32
    %shift_left3A_29 = vector.broadcast %shift_left3A_28 : i32 to vector<19x64x512xi32>
    %shift_left3A_30 = arith.shli %convert_element_type3A, %shift_left3A_29 : vector<19x64x512xi32>
    %or3A = arith.ori %shift_left3A_27, %shift_left3A_30 : vector<19x64x512xi32>
    %or3A_31 = arith.ori %or3A, %and3A_25 : vector<19x64x512xi32>
    %slice3A = vector.extract_strided_slice %or3A_31 {offsets = [0, 0, 0], sizes = [19, 32, 512], strides = [1, 1, 1]} : vector<19x64x512xi32> to vector<19x32x512xi32>
    %slice3A_32 = vector.extract_strided_slice %or3A_31 {offsets = [0, 32, 0], sizes = [19, 32, 512], strides = [1, 1, 1]} : vector<19x64x512xi32> to vector<19x32x512xi32>
    %shift_left3A_33 = arith.constant 16 : i32
    %shift_left3A_34 = vector.broadcast %shift_left3A_33 : i32 to vector<19x32x512xi32>
    %shift_left3A_35 = arith.shli %slice3A_32, %shift_left3A_34 : vector<19x32x512xi32>
    %or3A_36 = arith.ori %slice3A, %shift_left3A_35 : vector<19x32x512xi32>
    %reshape3A = vector.shape_cast %or3A_36 : vector<19x32x512xi32> to vector<19x128x128xi32>
    %swap3A = arith.constant 0 : index
    %swap3A_37 = arith.constant 0 : index
    %swap3A_38 = arith.constant 0 : index
    %swap3A_39 = vector.load %arg4[%swap3A, %swap3A_37, %swap3A_38] : memref<19x128x128xi32, #tpu.memory_space<vmem>>, vector<19x128x128xi32>
    tpu.vector_store %arg4[%swap3A, %swap3A_37, %swap3A_38], %reshape3A {strides = array<i32>} : memref<19x128x128xi32, #tpu.memory_space<vmem>>, vector<19x128x128xi32>,
    return
  }
  func.func @transform_0(%arg0: i32, %arg1: i32) -> (i32, i32, i32, i32) {
    %add3A = arith.constant 0 : i32
    %add3A_0 = arith.addi %arg0, %add3A : i32
    %c0_i32 = arith.constant 0 : i32
    %c0_i32_1 = arith.constant 0 : i32
    %c0_i32_2 = arith.constant 0 : i32
    return %add3A_0, %c0_i32, %arg1, %c0_i32_1 : i32, i32, i32, i32
  }
  func.func @transform_1(%arg0: i32, %arg1: i32) -> (i32, i32, i32) {
    %add3A = arith.constant 0 : i32
    %add3A_0 = arith.addi %arg0, %add3A : i32
    %c0_i32 = arith.constant 0 : i32
    %c0_i32_1 = arith.constant 0 : i32
    return %add3A_0, %arg1, %c0_i32 : i32, i32, i32
  }
  func.func @transform_2(%arg0: i32, %arg1: i32) -> (i32, i32, i32) {
    %mul3A = arith.constant 8 : i32
    %mul3A_0 = arith.muli %arg0, %mul3A : i32
    %add3A = arith.addi %mul3A_0, %arg1 : i32
    %c0_i32 = arith.constant 0 : i32
    %c0_i32_1 = arith.constant 0 : i32
    %c0_i32_2 = arith.constant 0 : i32
    return %c0_i32, %add3A, %c0_i32_1 : i32, i32, i32
  }
}

module attributes {stable_mosaic.version = 14 : i64} {
  func.func @_codes_body(%arg0: i32, %arg1: i32, %arg2: memref<1x19x64x512xf32, #tpu.memory_space<vmem>>, %arg3: memref<1x64x512xi32, #tpu.memory_space<vmem>>, %arg4: memref<19x128x128xi32, #tpu.memory_space<vmem>>) attributes {dimension_semantics = [#tpu.dimension_semantics<arbitrary>, #tpu.dimension_semantics<arbitrary>], iteration_bounds = array<i64: 2, 8>, scalar_prefetch = 0 : i64, scratch_operands = 0 : i64, tpu.core_type = #tpu.core_type<tc>, window_params = [{transform_indices = @transform_0, window_bounds = array<i64: 1, 19, 64, 512>}, {transform_indices = @transform_1, window_bounds = array<i64: 1, 64, 512>}, {transform_indices = @transform_2, window_bounds = array<i64: 19, 128, 128>}]} {
    %get3A = arith.constant 0 : index
    %get3A_0 = arith.constant 0 : index
    %get3A_1 = arith.constant 0 : index
    %get3A_2 = arith.constant 0 : index
    %get3A_3 = vector.load %arg2[%get3A, %get3A_0, %get3A_1, %get3A_2] : memref<1x19x64x512xf32, #tpu.memory_space<vmem>>, vector<1x19x64x512xf32>
    %get3A_4 = vector.shape_cast %get3A_3 : vector<1x19x64x512xf32> to vector<19x64x512xf32>
    %reduce_max3A = arith.constant dense<0xFF800000> : vector<64x512xf32>
    %reduce_max3A_5 = vector.multi_reduction <maximumf>, %get3A_4, %reduce_max3A [0] : vector<19x64x512xf32> to vector<64x512xf32>
    %broadcast_in_dim3A = vector.shape_cast %reduce_max3A_5 : vector<64x512xf32> to vector<1x64x512xf32>
    %sub3A = vector.broadcast %broadcast_in_dim3A : vector<1x64x512xf32> to vector<19x64x512xf32>
    %sub3A_6 = arith.subf %get3A_4, %sub3A : vector<19x64x512xf32>
    %exp3A = math.exp %sub3A_6 : vector<19x64x512xf32>
    %reduce_sum3A = arith.constant dense<0.000000e+00> : vector<64x512xf32>
    %reduce_sum3A_7 = vector.multi_reduction <add>, %exp3A, %reduce_sum3A [0] : vector<19x64x512xf32> to vector<64x512xf32>
    %broadcast_in_dim3A_8 = vector.shape_cast %reduce_sum3A_7 : vector<64x512xf32> to vector<1x64x512xf32>
    %div3A = vector.broadcast %broadcast_in_dim3A_8 : vector<1x64x512xf32> to vector<19x64x512xf32>
    %div3A_9 = arith.divf %exp3A, %div3A : vector<19x64x512xf32>
    %get3A_10 = arith.constant 0 : index
    %get3A_11 = arith.constant 0 : index
    %get3A_12 = arith.constant 0 : index
    %get3A_13 = vector.load %arg3[%get3A_10, %get3A_11, %get3A_12] : memref<1x64x512xi32, #tpu.memory_space<vmem>>, vector<1x64x512xi32>
    %iota3A = tpu.iota {dimensions = array<i32: 0>} : vector<19x64x512xi32>
    %eq3A = vector.broadcast %get3A_13 : vector<1x64x512xi32> to vector<19x64x512xi32>
    %eq3A_14 = arith.cmpi eq, %iota3A, %eq3A : vector<19x64x512xi32>
    %convert_element_type3A = arith.extui %eq3A_14 : vector<19x64x512xi1> to vector<19x64x512xi32>
    %convert_element_type3A_15 = arith.extui %eq3A_14 : vector<19x64x512xi1> to vector<19x64x512xi32>
    %convert_element_type3A_16 = arith.sitofp %convert_element_type3A_15 : vector<19x64x512xi32> to vector<19x64x512xf32>
    %sub3A_17 = arith.subf %convert_element_type3A_16, %div3A_9 : vector<19x64x512xf32>
    %abs3A = math.absf %sub3A_17 : vector<19x64x512xf32>
    %mul3A = arith.constant 1.024000e+03 : f32
    %mul3A_18 = vector.broadcast %mul3A : f32 to vector<19x64x512xf32>
    %mul3A_19 = arith.mulf %abs3A, %mul3A_18 : vector<19x64x512xf32>
    %convert_element_type3A_20 = arith.fptosi %mul3A_19 : vector<19x64x512xf32> to vector<19x64x512xi32>
    %min3A = arith.constant 1023 : i32
    %min3A_21 = vector.broadcast %min3A : i32 to vector<19x64x512xi32>
    %min3A_22 = arith.minsi %convert_element_type3A_20, %min3A_21 : vector<19x64x512xi32>
    %iota3A_23 = tpu.iota {dimensions = array<i32: 2>} : vector<19x64x512xi32>
    %and3A = arith.constant 15 : i32
    %and3A_24 = vector.broadcast %and3A : i32 to vector<19x64x512xi32>
    %and3A_25 = arith.andi %iota3A_23, %and3A_24 : vector<19x64x512xi32>
    %shift_left3A = arith.constant 4 : i32
    %shift_left3A_26 = vector.broadcast %shift_left3A : i32 to vector<19x64x512xi32>
    %shift_left3A_27 = arith.shli %min3A_22, %shift_left3A_26 : vector<19x64x512xi32>
    %shift_left3A_28 = arith.constant 14 : i32
    %shift_left3A_29 = vector.broadcast %shift_left3A_28 : i32 to vector<19x64x512xi32>
    %shift_left3A_30 = arith.shli %convert_element_type3A, %shift_left3A_29 : vector<19x64x512xi32>
    %or3A = arith.ori %shift_left3A_27, %shift_left3A_30 : vector<19x64x512xi32>
    %or3A_31 = arith.ori %or3A, %and3A_25 : vector<19x64x512xi32>
    %slice3A = vector.extract_strided_slice %or3A_31 {offsets = [0, 0, 0], sizes = [19, 32, 512], strides = [1, 1, 1]} : vector<19x64x512xi32> to vector<19x32x512xi32>
    %slice3A_32 = vector.extract_strided_slice %or3A_31 {offsets = [0, 32, 0], sizes = [19, 32, 512], strides = [1, 1, 1]} : vector<19x64x512xi32> to vector<19x32x512xi32>
    %shift_left3A_33 = arith.constant 16 : i32
    %shift_left3A_34 = vector.broadcast %shift_left3A_33 : i32 to vector<19x32x512xi32>
    %shift_left3A_35 = arith.shli %slice3A_32, %shift_left3A_34 : vector<19x32x512xi32>
    %or3A_36 = arith.ori %slice3A, %shift_left3A_35 : vector<19x32x512xi32>
    %reshape3A = vector.shape_cast %or3A_36 : vector<19x32x512xi32> to vector<19x128x128xi32>
    %swap3A = arith.constant 0 : index
    %swap3A_37 = arith.constant 0 : index
    %swap3A_38 = arith.constant 0 : index
    %swap3A_39 = vector.load %arg4[%swap3A, %swap3A_37, %swap3A_38] : memref<19x128x128xi32, #tpu.memory_space<vmem>>, vector<19x128x128xi32>
    tpu.vector_store %arg4[%swap3A, %swap3A_37, %swap3A_38], %reshape3A {strides = array<i32>} : memref<19x128x128xi32, #tpu.memory_space<vmem>>, vector<19x128x128xi32>,
    return
  }
  func.func @transform_0(%arg0: i32, %arg1: i32) -> (i32, i32, i32, i32) {
    %add3A = arith.constant 2 : i32
    %add3A_0 = arith.addi %arg0, %add3A : i32
    %c0_i32 = arith.constant 0 : i32
    %c0_i32_1 = arith.constant 0 : i32
    %c0_i32_2 = arith.constant 0 : i32
    return %add3A_0, %c0_i32, %arg1, %c0_i32_1 : i32, i32, i32, i32
  }
  func.func @transform_1(%arg0: i32, %arg1: i32) -> (i32, i32, i32) {
    %add3A = arith.constant 2 : i32
    %add3A_0 = arith.addi %arg0, %add3A : i32
    %c0_i32 = arith.constant 0 : i32
    %c0_i32_1 = arith.constant 0 : i32
    return %add3A_0, %arg1, %c0_i32 : i32, i32, i32
  }
  func.func @transform_2(%arg0: i32, %arg1: i32) -> (i32, i32, i32) {
    %mul3A = arith.constant 8 : i32
    %mul3A_0 = arith.muli %arg0, %mul3A : i32
    %add3A = arith.addi %mul3A_0, %arg1 : i32
    %c0_i32 = arith.constant 0 : i32
    %c0_i32_1 = arith.constant 0 : i32
    %c0_i32_2 = arith.constant 0 : i32
    return %c0_i32, %add3A, %c0_i32_1 : i32, i32, i32
  }
}

module attributes {stable_mosaic.version = 14 : i64} {
  func.func @_loss_body(%arg0: memref<64x32768xf32, #tpu.memory_space<vmem>>, %arg1: memref<64x32768xf32, #tpu.memory_space<vmem>>, %arg2: memref<1x1xf32, #tpu.memory_space<smem>>) attributes {dimension_semantics = [], scalar_prefetch = 0 : i64, scratch_operands = 0 : i64, tpu.core_type = #tpu.core_type<tc>} {
    %get3A = arith.constant 0 : index
    %get3A_0 = arith.constant 0 : index
    %get3A_1 = vector.load %arg0[%get3A, %get3A_0] : memref<64x32768xf32, #tpu.memory_space<vmem>>, vector<64x32768xf32>
    %get3A_2 = arith.constant 0 : index
    %get3A_3 = arith.constant 0 : index
    %get3A_4 = vector.load %arg1[%get3A_2, %get3A_3] : memref<64x32768xf32, #tpu.memory_space<vmem>>, vector<64x32768xf32>
    %add3A = arith.addf %get3A_1, %get3A_4 : vector<64x32768xf32>
    %iota3A = tpu.iota {dimensions = array<i32: 1>} : vector<19x64xi32>
    %iota3A_5 = tpu.iota {dimensions = array<i32: 0>} : vector<19x64xi32>
    %shift_right_arithmetic3A = arith.constant 1 : i32
    %shift_right_arithmetic3A_6 = vector.broadcast %shift_right_arithmetic3A : i32 to vector<19x64xi32>
    %shift_right_arithmetic3A_7 = arith.shrsi %iota3A, %shift_right_arithmetic3A_6 : vector<19x64xi32>
    %mul3A = arith.constant 1216 : i32
    %mul3A_8 = vector.broadcast %mul3A : i32 to vector<19x64xi32>
    %mul3A_9 = arith.muli %shift_right_arithmetic3A_7, %mul3A_8 : vector<19x64xi32>
    %shift_right_arithmetic3A_10 = arith.constant 11 : i32
    %shift_right_arithmetic3A_11 = vector.broadcast %shift_right_arithmetic3A_10 : i32 to vector<19x64xi32>
    %shift_right_arithmetic3A_12 = arith.shrsi %mul3A_9, %shift_right_arithmetic3A_11 : vector<19x64xi32>
    %and3A = arith.constant 1 : i32
    %and3A_13 = vector.broadcast %and3A : i32 to vector<19x64xi32>
    %and3A_14 = arith.andi %iota3A, %and3A_13 : vector<19x64xi32>
    %add3A_15 = arith.addi %shift_right_arithmetic3A_12, %and3A_14 : vector<19x64xi32>
    %eq3A = arith.cmpi eq, %add3A_15, %iota3A_5 : vector<19x64xi32>
    %convert_element_type3A = arith.extui %eq3A : vector<19x64xi1> to vector<19x64xi32>
    %convert_element_type3A_16 = arith.sitofp %convert_element_type3A : vector<19x64xi32> to vector<19x64xf32>
    %dot_general3A = arith.constant dense<0.000000e+00> : vector<19x32768xf32>
    %dot_general3A_17 = tpu.matmul %convert_element_type3A_16, %add3A, %dot_general3A {dimension_numbers = #tpu.dot_dimension_numbers<[1], [0], [0], [1], [0, 0, 1, 1], [], []>, transpose_lhs_hint = false} : vector<19x64xf32>, vector<64x32768xf32>, vector<19x32768xf32> -> vector<19x32768xf32>
    %reshape3A = vector.shape_cast %dot_general3A_17 : vector<19x32768xf32> to vector<19x2048x16xf32>
    %reduce_sum3A = arith.constant dense<0.000000e+00> : vector<19x2048xf32>
    %reduce_sum3A_18 = vector.multi_reduction <add>, %reshape3A, %reduce_sum3A [2] : vector<19x2048x16xf32> to vector<19x2048xf32>
    %slice3A = vector.extract_strided_slice %reduce_sum3A_18 {offsets = [0, 0], sizes = [19, 1024], strides = [1, 1]} : vector<19x2048xf32> to vector<19x1024xf32>
    %slice3A_19 = vector.extract_strided_slice %reduce_sum3A_18 {offsets = [0, 1024], sizes = [19, 1024], strides = [1, 1]} : vector<19x2048xf32> to vector<19x1024xf32>
    %iota3A_20 = tpu.iota {dimensions = array<i32: 0>} : vector<1024x1024xi32>
    %iota3A_21 = tpu.iota {dimensions = array<i32: 1>} : vector<1024x1024xi32>
    %ge3A = arith.cmpi sge, %iota3A_20, %iota3A_21 : vector<1024x1024xi32>
    %convert_element_type3A_22 = arith.extui %ge3A : vector<1024x1024xi1> to vector<1024x1024xi32>
    %convert_element_type3A_23 = arith.sitofp %convert_element_type3A_22 : vector<1024x1024xi32> to vector<1024x1024xf32>
    %dot_general3A_24 = arith.constant dense<0.000000e+00> : vector<19x1024xf32>
    %dot_general3A_25 = tpu.matmul %slice3A_19, %convert_element_type3A_23, %dot_general3A_24 {dimension_numbers = #tpu.dot_dimension_numbers<[1], [0], [0], [1], [0, 0, 1, 1], [], []>, transpose_lhs_hint = false} : vector<19x1024xf32>, vector<1024x1024xf32>, vector<19x1024xf32> -> vector<19x1024xf32>
    %dot_general3A_26 = arith.constant dense<0.000000e+00> : vector<19x1024xf32>
    %dot_general3A_27 = tpu.matmul %slice3A, %convert_element_type3A_23, %dot_general3A_26 {dimension_numbers = #tpu.dot_dimension_numbers<[1], [0], [0], [1], [0, 0, 1, 1], [], []>, transpose_lhs_hint = false} : vector<19x1024xf32>, vector<1024x1024xf32>, vector<19x1024xf32> -> vector<19x1024xf32>
    %slice3A_28 = vector.extract_strided_slice %dot_general3A_25 {offsets = [0, 0], sizes = [19, 1], strides = [1, 1]} : vector<19x1024xf32> to vector<19x1xf32>
    %sub3A = vector.broadcast %slice3A_28 : vector<19x1xf32> to vector<19x1024xf32>
    %sub3A_29 = arith.subf %sub3A, %dot_general3A_25 : vector<19x1024xf32>
    %add3A_30 = vector.broadcast %slice3A_28 : vector<19x1xf32> to vector<19x1024xf32>
    %add3A_31 = arith.addf %add3A_30, %dot_general3A_27 : vector<19x1024xf32>
    %max3A = arith.constant 1.000000e+00 : f32
    %max3A_32 = vector.broadcast %max3A : f32 to vector<19x1024xf32>
    %max3A_33 = arith.maximumf %add3A_31, %max3A_32 : vector<19x1024xf32>
    %div3A = arith.divf %sub3A_29, %max3A_33 : vector<19x1024xf32>
    %sub3A_34 = arith.constant 1.000000e+00 : f32
    %sub3A_35 = vector.broadcast %sub3A_34 : f32 to vector<19x1024xf32>
    %sub3A_36 = arith.subf %sub3A_35, %div3A : vector<19x1024xf32>
    %slice3A_37 = vector.extract_strided_slice %sub3A_36 {offsets = [0, 1], sizes = [19, 1023], strides = [1, 1]} : vector<19x1024xf32> to vector<19x1023xf32>
    %broadcast_in_dim3A = arith.constant 0.000000e+00 : f32
    %broadcast_in_dim3A_38 = vector.broadcast %broadcast_in_dim3A : f32 to vector<19x1xf32>
    %concatenate3A = tpu.concatenate %slice3A_37, %broadcast_in_dim3A_38 in 1 : vector<19x1023xf32>, vector<19x1xf32> -> vector<19x1024xf32>
    %iota3A_39 = tpu.iota {dimensions = array<i32: 1>} : vector<1x1024xi32>
    %convert_element_type3A_40 = arith.sitofp %iota3A_39 : vector<1x1024xi32> to vector<1x1024xf32>
    %add3A_41 = arith.constant 5.000000e-01 : f32
    %add3A_42 = vector.broadcast %add3A_41 : f32 to vector<1x1024xf32>
    %add3A_43 = arith.addf %convert_element_type3A_40, %add3A_42 : vector<1x1024xf32>
    %mul3A_44 = arith.constant 9.765625E-4 : f32
    %mul3A_45 = vector.broadcast %mul3A_44 : f32 to vector<1x1024xf32>
    %mul3A_46 = arith.mulf %add3A_43, %mul3A_45 : vector<1x1024xf32>
    %sub3A_47 = arith.subf %sub3A_36, %concatenate3A : vector<19x1024xf32>
    %mul3A_48 = vector.broadcast %mul3A_46 : vector<1x1024xf32> to vector<19x1024xf32>
    %mul3A_49 = arith.mulf %mul3A_48, %sub3A_47 : vector<19x1024xf32>
    %reduce_sum3A_50 = arith.constant dense<0.000000e+00> : vector<19xf32>
    %reduce_sum3A_51 = vector.multi_reduction <add>, %mul3A_49, %reduce_sum3A_50 [1] : vector<19x1024xf32> to vector<19xf32>
    %broadcast_in_dim3A_52 = vector.shape_cast %reduce_sum3A_51 : vector<19xf32> to vector<19x1xf32>
    %gt3A = arith.constant 0.000000e+00 : f32
    %gt3A_53 = vector.broadcast %gt3A : f32 to vector<19x1xf32>
    %gt3A_54 = arith.cmpf ogt, %slice3A_28, %gt3A_53 : vector<19x1xf32>
    %convert_element_type3A_55 = arith.extui %gt3A_54 : vector<19x1xi1> to vector<19x1xi32>
    %convert_element_type3A_56 = arith.sitofp %convert_element_type3A_55 : vector<19x1xi32> to vector<19x1xf32>
    %mul3A_57 = arith.mulf %broadcast_in_dim3A_52, %convert_element_type3A_56 : vector<19x1xf32>
    %reduce_sum3A_58 = vector.shape_cast %mul3A_57 : vector<19x1xf32> to vector<1x19x1xf32>
    %reduce_sum3A_59 = arith.constant dense<0.000000e+00> : vector<1xf32>
    %reduce_sum3A_60 = vector.multi_reduction <add>, %reduce_sum3A_58, %reduce_sum3A_59 [1, 2] : vector<1x19x1xf32> to vector<1xf32>
    %reduce_sum3A_61 = vector.shape_cast %reduce_sum3A_60 : vector<1xf32> to vector<1x1x1xf32>
    %reduce_sum3A_62 = vector.extract %reduce_sum3A_61[0, 0, 0] : f32 from vector<1x1x1xf32>
    %reduce_sum3A_63 = vector.shape_cast %convert_element_type3A_56 : vector<19x1xf32> to vector<1x19x1xf32>
    %reduce_sum3A_64 = arith.constant dense<0.000000e+00> : vector<1xf32>
    %reduce_sum3A_65 = vector.multi_reduction <add>, %reduce_sum3A_63, %reduce_sum3A_64 [1, 2] : vector<1x19x1xf32> to vector<1xf32>
    %reduce_sum3A_66 = vector.shape_cast %reduce_sum3A_65 : vector<1xf32> to vector<1x1x1xf32>
    %reduce_sum3A_67 = vector.extract %reduce_sum3A_66[0, 0, 0] : f32 from vector<1x1x1xf32>
    %max3A_68 = arith.constant 1.000000e+00 : f32
    %max3A_69 = arith.maximumf %reduce_sum3A_67, %max3A_68 : f32
    %div3A_70 = arith.divf %reduce_sum3A_62, %max3A_69 : f32
    %swap3A = arith.constant 0 : index
    %swap3A_71 = arith.constant 0 : index
    %swap3A_72 = memref.load %arg2[%swap3A, %swap3A_71] : memref<1x1xf32, #tpu.memory_space<smem>>
    memref.store %div3A_70, %arg2[%swap3A, %swap3A_71] : memref<1x1xf32, #tpu.memory_space<smem>>
    return
  }
}

</mosaic_0001>

<sc_bundles>
// kernel: kernel.10.cloned.1.call-start
scs
__scs_entry_jumppad:
0x0: {  	(pc) =	sbr.rel $0x88, $3  }
0x1: {  	(tag) =	ssettag $0x0;
	lr =	simm.s32 $0x1  }
0x2: {  	[smem:$0x3F9F] =	sst lr;
	_ =	strace $0xD0000000  }
0x3: {  	_ = 	snop  }
0x4: {  	_ = 	snop  }
0x5: {  	_ = 	snop  }
0x6: {  	_ = 	snop  }
0x7: {  	_ = 	snop  }
__scs_overlays_trampoline_lowered:
0x8: {  	[smem:$0x3FAE] =	sst s0  }
0x9: {  	[smem:$0x3FAF] =	sst s1  }
0xa: {  	[smem:$0x3FB0] =	sst s2  }
0xb: {  	[smem:$0x3FB1] =	sst s3  }
0xc: {  	[smem:$0x3FB2] =	sst s4  }
0xd: {  	[smem:$0x3FB3] =	sst s5  }
0xe: {  	[smem:$0x3FB4] =	sst s6  }
0xf: {  	[smem:$0x3FB5] =	sst s7  }
0x10: {  	[smem:$0x3FB6] =	sst s8  }
0x11: {  	[smem:$0x3FB7] =	sst s9;
	s0 =	simm.s32 @!p0 $0x0  }
0x12: {  	s1 =	sld [smem:$0x3F9D];
	s0 =	simm.s32 @p0 $0x1  }
0x13: {  	[smem:$0x3FB8] =	sst s0;
	s0 =	simm.s32 @!p1 $0x0  }
0x14: {  	s2 =	sld [smem:$0x3F9C];
	s0 =	simm.s32 @p1 $0x1  }
0x15: {  	[smem:$0x3FB9] =	sst s0;
	s0 =	simm.s32 @!p2 $0x0  }
0x16: {  	s3 =	sld [smem:$0x3FDB];
	s0 =	simm.s32 @p2 $0x1  }
0x17: {  	s4 =	simm.s32 $0x1BF5;
	[smem:$0x3FBB] =	sst s0  }
0x18: {  	s0 =	sld [smem:$0x3F9E];
	_ =	swait.ge [sflag:s4], $0x0  }
0x19: {  	s7 =	sld [smem:$0x3F9F]  }
0x1a: {  	s8 =	sadd.s32 $0xFFFFE003, lr  }
0x1b: {  	s9 =	sadd.s32 $0xFFFFFEF7, lr;
	s5 =	simm.s32 $0xFFFFFFFF;
	p2 =	slt.u32 s8, $0xFFFFF086  }
0x1c: {  	p1 =	slt.u32 s9, $0xF7A;
	s5 =	simm.s32 @!p2 $0x0  }
0x1d: {  	s5 =	simm.s32 @p1 $0x1;
	p0 =	seq.s32 s7, s2  }
0x1e: {  	s7 =	smul.u32 @!p0 $0xF7A, s2;
	p2 =	seq.s32 @!p0 s5, $0x0  }
0x1f: {  	s9 =	smul.u32 $0xF7A, s1;
	s8 =	simm.s32 @!p0 $0x1BF5;
	p2 =	por !p2, p0  }
0x20: {  	[sflag:s8] =	ssyncset.s32 @!p0 $0xFFFFF086;
	s6 =	sadd.s32 @!p0 s3, s7;
	s7 =	simm.s32 @!p0 $0x108  }
0x21: {  	s3 =	sadd.s32 s3, s9;
	s6 =	sadd.s32 @!p0 $0x88, s6;
	s7 =	simm.s32 @p2 $0x1082  }
0x22: {  	[simem:s7], [sflag:s8] =	dma.local @!p0 [hbm:s6], $0xF7A  }
0x23: {  	s9 =	sor.u32 $0xD0000000, s2;
	s6 =	simm.s32 $0x108;
	_ =	swait.ge @!p0 [sflag:s8], $0x0  }
0x24: {  	s3 =	sadd.s32 $0x88, s3;
	s6 =	simm.s32 @!p1 $0x1082;
	[sflag:s4] =	ssyncset.s32 $0xFFFFF086  }
0x25: {  	[simem:s6], [sflag:s4] =	dma.local [hbm:s3], $0xF7A  }
0x26: {  	[smem:$0x3F9F] =	sst s1;
	(tag) =	ssettag s2;
	_ =	strace s9  }
0x27: {  	s1 =	sld [smem:$0x3FAF]  }
0x28: {  	s2 =	sld [smem:$0x3FB0]  }
0x29: {  	s4 =	sld [smem:$0x3FB2]  }
0x2a: {  	p0 =	seq.s32 s5, $0x0;
	s5 =	sld [smem:$0x3FB3]  }
0x2b: {  	s6 =	sld [smem:$0x3FB4]  }
0x2c: {  	s7 =	sld [smem:$0x3FB5]  }
0x2d: {  	s3 =	simm.s32 $0x108;
	s8 =	sld [smem:$0x3FB6]  }
0x2e: {  	s3 =	simm.s32 @!p0 $0x1082;
	s9 =	sld [smem:$0x3FB7]  }
0x2f: {  	lr =	sadd.s32 s0, s3;
	s0 =	sld [smem:$0x3FAE]  }
0x30: {  	s3 =	sld [smem:$0x3FB1]  }
0x31: {  	[smem:$0x3FBA] =	sst s10  }
0x32: {  	s10 =	sld [smem:$0x3FB8];
	_ =	sdelay $0x3  }
0x33: {  	p0 =	seq.s32 s10, $0x1;
	s10 =	sld [smem:$0x3FBA];
	_ =	sdelay $0x3  }
0x34: {  	[smem:$0x3FBA] =	sst s10  }
0x35: {  	s10 =	sld [smem:$0x3FB9];
	_ =	sdelay $0x3  }
0x36: {  	p1 =	seq.s32 s10, $0x1;
	s10 =	sld [smem:$0x3FBA];
	_ =	sdelay $0x3  }
0x37: {  	[smem:$0x3FBA] =	sst s10  }
0x38: {  	s10 =	sld [smem:$0x3FBB]  }
0x39: {  	_ = 	snop;
	(pc) =	sbr.ind lr, $3  }
0x3a: {  	_ = 	snop  }
0x3b: {  	_ = 	snop  }
0x3c: {  	p2 =	seq.s32 s10, $0x1;
	s10 =	sld [smem:$0x3FBA]  }
0x3d: {  	_ =	shalt  }
0x3e: {  	_ =	shalt  }
0x3f: {  	_ =	shalt  }
0x40: {  	_ =	shalt  }
0x41: {  	_ =	shalt  }
0x42: {  	_ =	shalt  }
0x43: {  	_ =	shalt  }
0x44: {  	_ =	shalt  }
0x45: {  	_ =	shalt  }
0x46: {  	_ =	shalt  }
0x47: {  	_ =	shalt  }
0x48: {  	_ =	shalt  }
0x49: {  	_ =	shalt  }
0x4a: {  	_ =	shalt  }
0x4b: {  	_ =	shalt  }
0x4c: {  	_ =	shalt  }
0x4d: {  	_ =	shalt  }
0x4e: {  	_ =	shalt  }
0x4f: {  	_ =	shalt  }
0x50: {  	_ =	shalt  }
0x51: {  	_ =	shalt  }
0x52: {  	_ =	shalt  }
0x53: {  	_ =	shalt  }
0x54: {  	_ =	shalt  }
0x55: {  	_ =	shalt  }
0x56: {  	_ =	shalt  }
0x57: {  	_ =	shalt  }
0x58: {  	_ =	shalt  }
0x59: {  	_ =	shalt  }
0x5a: {  	_ =	shalt  }
0x5b: {  	_ =	shalt  }
0x5c: {  	_ =	shalt  }
0x5d: {  	_ =	shalt  }
0x5e: {  	_ =	shalt  }
0x5f: {  	_ =	shalt  }
0x60: {  	_ =	shalt  }
0x61: {  	_ =	shalt  }
0x62: {  	_ =	shalt  }
0x63: {  	_ =	shalt  }
0x64: {  	_ =	shalt  }
0x65: {  	_ =	shalt  }
0x66: {  	_ =	shalt  }
0x67: {  	_ =	shalt  }
0x68: {  	_ =	shalt  }
0x69: {  	_ =	shalt  }
0x6a: {  	_ =	shalt  }
0x6b: {  	_ =	shalt  }
0x6c: {  	_ =	shalt  }
0x6d: {  	_ =	shalt  }
0x6e: {  	_ =	shalt  }
0x6f: {  	_ =	shalt  }
0x70: {  	_ =	shalt  }
0x71: {  	_ =	shalt  }
0x72: {  	_ =	shalt  }
0x73: {  	_ =	shalt  }
0x74: {  	_ =	shalt  }
0x75: {  	_ =	shalt  }
0x76: {  	_ =	shalt  }
0x77: {  	_ =	shalt  }
0x78: {  	_ =	shalt  }
0x79: {  	_ =	shalt  }
0x7a: {  	_ =	shalt  }
0x7b: {  	_ =	shalt  }
0x7c: {  	_ =	shalt  }
0x7d: {  	_ =	shalt  }
0x7e: {  	_ =	shalt  }
0x7f: {  	_ =	shalt  }
0x80: {  	_ =	shalt  }
0x81: {  	_ =	shalt  }
0x82: {  	_ =	shalt  }
0x83: {  	_ =	shalt  }
0x84: {  	_ =	shalt  }
0x85: {  	_ =	shalt  }
0x86: {  	_ =	shalt  }
0x87: {  	_ =	shalt  }
.Lfunc_end0:
.L_simem_size_0:
called_computation.1_lowered:
.L_overlay_start_0:
0x88: {  	s2 =	sld [smem:$0x3FD9]  }
0x89: {  	s3 =	sld [smem:$0x3FFE];
	_ =	sdelay $0x1  }
0x8a: {  	s1 =	srdreg.scid  }
0x8b: {  	s0 =	sand.u32 $0x1, s1  }
0x8c: {  	s16 =	sshll.u32 s0, $0xA;
	s2 =	sadd.s32 s3, s2  }
0x8d: {  	s2 =	sadd.s32 s2, s16  }
0x8e: {  	[smem:$0x3FC6] =	sst s2  }
0x8f: {  	_ = 	snop  }
0x90: {  	(tm) =	ssettm $0x1  }
0x91: {  	s17 =	sld [smem:$0x3FFB];
	_ =	sdelay $0x3  }
0x92: {  	_ =	strace s17  }
0x93: {  	s2 =	sld [smem:$0x3FFC];
	_ =	sdelay $0x3  }
0x94: {  	_ =	strace s2  }
0x95: {  	s2 =	sld [smem:$0x3FFD];
	_ =	sdelay $0x3  }
0x96: {  	_ =	strace s2  }
0x97: {  	_ =	strace $0x8FFFFFFF  }
0x98: {  	s18 =	sld [smem:$0x3FDB];
	_ =	sdelay $0x1  }
0x99: {  	s19 =	simm.s32 $_scs_section_size  }
0x9a: {  	s4 =	simm.s32 $_size__tile_overlayer_lowered;
	s5 =	simm.s32 $_tile_overlayer_lowered  }
0x9b: {  	s22 =	simm.s32 $0x1BFF;
	s21 =	sshll.u32 s5, $0x1;
	s2 =	sadd.s32 s19, s18  }
0x9c: {  	s6 =	simm.s32 $0x0;
	s20 =	sshll.u32 s4, $0x1;
	s4 =	sadd.s32 s21, s2  }
0x9d: {  	[timem:s6], [sflag:s22] =	dma.local [hbm:s4], s20  }
0x9e: {  	_ =	swait.ge [sflag:s22], s20  }
0x9f: {  	s3 =	ssub.s32 $0x0, s20;
	[sflag:s22] =	ssyncset.done $0x0  }
0xa0: {  	[sflag:s22] =	ssyncadd.s32 s3;
	_ =	sdelay $0x1  }
0xa1: {  	s23 =	simm.s32 $0x1B8B  }
0xa2: {  	_ =	swait.ge [sflag:s23], $0x1  }
0xa3: {  	[sflag:s23] =	ssyncset.done $0x0  }
0xa4: {  	s25 =	simm.s32 $0x1B8E;
	s24 =	sld [smem:$0x3FFE];
	[sflag:s23] =	ssyncadd.s32 $0xFFFFFFFF  }
0xa5: {  	s26 =	simm.s32 $execute0_lowered;
	[smem:$0x3FD2] =	sst s25  }
0xa6: {  	s4 =	sshll.u32 s26, $0x1;
	_ =	strace $0x80000046;
	[dreg:$0x1] =	wrdreg $0xFFFFFFFF  }
0xa7: {  	s28 =	simm.s32 $_size_execute0_lowered;
	s2 =	sadd.s32 s2, s4;
	[dreg:$0x0] =	wrdreg $0x0  }
0xa8: {  	s4 =	sshll.u32 s28, $0x1;
	[dreg:$0x2] =	wrdreg s2  }
0xa9: {  	[dreg:$0x3] =	wrdreg s4  }
0xaa: {  	[dreg:$0x4] =	wrdreg $0xC0  }
0xab: {  	_ =	task [dreg:s6], $0x5FFFF  }
0xac: {  	[dreg:$0x1] =	wrdreg $0xFFFFFFFF  }
0xad: {  	[dreg:$0x0] =	wrdreg $0x60  }
0xae: {  	[dreg:$0x2] =	wrdreg s24  }
0xaf: {  	[dreg:$0x3] =	wrdreg $0xA  }
0xb0: {  	_ =	task.clear_ibuf [dreg:s6], $0x4FFFF;
	_ =	strace $0x90000046  }
0xb1: {  	s29 =	simm.s32 $0xA;
	_ =	strace $0x80000048  }
0xb2: {  	_ =	swait.ge [sflag:s29], $0x1  }
0xb3: {  	[sflag:s29] =	ssyncadd.s32 $0xFFFFFFFF  }
0xb4: {  	_ =	strace $0x90000048  }
0xb5: {  	_ =	sfence  }
0xb6: {  	s30 =	sld [smem:$0x0];
	_ =	sdelay $0x2  }
0xb7: {  	s31 =	sshll.u32 s1, $0xD;
	s1 =	sshrl.u32 s1, $0x2  }
0xb8: {  	s3 =	sand.u32 $0x4000, s31;
	s1 =	sadd.s32 s1, s30  }
0xb9: {  	s0 =	sor.u32 s3, s0;
	s1 =	sshll.u32 s1, $0x11  }
0xba: {  	s0 =	sor.u32 s1, s0  }
0xbb: {  	s0 =	sadd.s32 $0x8F2B, s0  }
0xbc: {  	[sflag:s0] =	ssyncadd.remote.s32 $0x1  }
0xbd: {  	_ =	sfence.sel $0xFFFF  }
0xbe: {  	[dreg:$0x0] =	wrdreg $0xFFFFFFFF;
	(pc) =	sbr.abs _section_cstart, $3  }
0xbf: {  	[dreg:$0x1] =	wrdreg $0xFFFFFFFF  }
0xc0: {  	_ =	task.clear_ibuf [dreg:s6], $0x2FFFF;
	_ =	strace $0x9FFFFFFF  }
0xc1: {  	(tm) =	ssettm $0x7FFFFFFF  }
tec
execute0_lowered:
.L_overlay_start_1:
0x0: {  	(tag) =	ssettag $0x1  }
0x1: {  	s1 =	srdreg.scid  }
0x2: {  	s0 =	stileid.u32;
	s4 =	rddreg [dreg:$0x0]  }
0x3: {  	s2 =	simm.s32 $0x0;
	s10 =	simm.s32 $0x1000;
	s11 =	simm.s32 $0x1  }
0x4: {  	s12 =	simm.s32 $0x2000;
	s13 =	simm.s32 $0x2;
	s14 =	simm.s32 $0x80  }
0x5: {  	s15 =	simm.s32 $0x400;
	s16 =	simm.s32 $0x3;
	s17 =	simm.s32 $0x0  }
0x6: {  	s23 =	simm.s32 $0x10F0;
	s3 =	sand.u32 $0x1, s1;
	s1 =	rddreg [dreg:$0x1]  }
0x7: {  	s25 =	sshll.u32 s0, $0x1;
	[smem:$0x7FF] =	sst s2;
	s8 =	sshll.u32 s0, $0xE  }
0x8: {  	s5 =	sor.u32 s3, s25;
	_ =	strace $0x80000047;
	s3 =	ssub.s32 $0x2, s3  }
0x9: {  	s26 =	sand.u32 $0x38000, s8;
	s6 =	smul.u32 $0x4C00, s5;
	s29 =	sshrl.u32 s3, $0x1  }
0xa: {  	s7 =	smul.u32 $0x4C0, s5;
	s5 =	sshll.u32 s5, $0x5;
	s30 =	ssub.s32 s3, s29  }
.Ltmp0:
0xb: {  	s31 =	sand.u32 $0x60, s5;
	s9 =	sadd.s32 s6, s4;
	(pc) =	sbr.rel .LBB2_1-.Ltmp0, $4  }
0xc: {  	s7 =	sand.u32 $0x7C0, s7;
	s6 =	sadd.s32 s26, s4;
	s8 =	smax.u32 s30, $0x1  }
0xd: {  	s28 =	ssub.s32 $0x800, s7;
	s5 =	sadd.s32 $0x1000, s9;
	s7 =	sadd.s32 s31, s6  }
0xe: {  	s4 =	sshrl.u32 s28, $0x5;
	s6 =	sadd.s32 $0x98E00, s7;
	s7 =	sadd.s32 $0x98E10, s7  }
0xf: {  	v0 =	vimm.f32 $0.0e+00;
	v1 =	vimm.f32 $1.000000000e+00;
	s3 =	smin.u32 s4, $0x26;
	s4 =	sadd.s32 $0xE00, s9;
	s9 =	sadd.s32 $0x1400, s9  }
.LBB2_13:
0x10: {  	s17 =	sadd.s32 $0x1, s17  }
0x11: {  	p0 =	sne.s32 s17, s8  }
.Ltmp1:
0x12: {  	_ = 	snop;
	(pc) =	sbr.rel @!p0 .LBB2_14-.Ltmp1, $4  }
0x13: {  	[hbm4b:s7+s14] =	stream.strided.scatter [tilespmem:s12], [sflag:$0x3], $0x8000, s15, s14, $0x38;
	[tilespmem:$0xA000] =	vst v63  }
0x14: {  	_ =	swait.ge [sflag:s16], $0x8000  }
0x15: {  	[sflag:s16] =	ssyncset.done $0x0  }
0x16: {  	[sflag:s16] =	ssyncadd.s32 $0xFFFF8000  }
.LBB2_1:
0x17: {  	[tilespmem:s2], [sflag:$0x1] =	stream.linear.gather [hbm4b:s4+s2], $0x1000, $0x38;
	[tilespmem:$0xA000] =	vst v63  }
0x18: {  	s18 =	simm.s32 $0x2040  }
0x19: {  	[tilespmem:s10], [sflag:$0x2] =	stream.linear.gather [hbm4b:s5+s2], $0x1000, $0x38;
	[tilespmem:$0xA000] =	vst v63  }
0x1a: {  	[tilespmem:s18+$0xFFFFFFC0] =	vst v0  }
0x1b: {  	[tilespmem:s18+$0x30] =	vst v0  }
0x1c: {  	[tilespmem:s18+$0x20] =	vst v0  }
0x1d: {  	[tilespmem:s18+$0x10] =	vst v0  }
0x1e: {  	[tilespmem:s18+$0x0] =	vst v0  }
0x1f: {  	[tilespmem:s18+$0xFFFFFFF0] =	vst v0  }
0x20: {  	s19 =	simm.s32 $0x0;
	[tilespmem:s18+$0xFFFFFFE0] =	vst v0  }
.LBB2_2:
0x21: {  	s19 =	sadd.s32 $0x8, s19;
	[tilespmem:s18+$0xFFFFFFD0] =	vst v0;
	s18 =	sadd.s32 $0x80, s18  }
0x22: {  	[tilespmem:s18+$0xFFFFFFC0] =	vst v0;
	p0 =	slt.u32 s19, $0x7F8  }
0x23: {  	[tilespmem:s18+$0x30] =	vst v0  }
.Ltmp2:
0x24: {  	[tilespmem:s18+$0x20] =	vst v0;
	(pc) =	sbr.rel @p0 .LBB2_2-.Ltmp2, $4  }
0x25: {  	[tilespmem:s18+$0x10] =	vst v0  }
0x26: {  	[tilespmem:s18+$0x0] =	vst v0  }
0x27: {  	[tilespmem:s18+$0xFFFFFFF0] =	vst v0  }
0x28: {  	[tilespmem:s18+$0xFFFFFFE0] =	vst v0  }
.Ltmp3:
0x29: {  	(pc) =	sbr.rel .LBB2_4-.Ltmp3, $2  }
0x2a: {  	_ =	sdelay $0x2  }
0x2b: {  	[tilespmem:s18+$0xFFFFFFD0] =	vst v0;
	s18 =	simm.s32 $0x0  }
.LBB2_12:
0x2c: {  	s18 =	sadd.s32 $0x1, s18  }
0x2d: {  	p0 =	sne.s32 s18, $0x13  }
.Ltmp4:
0x2e: {  	_ = 	snop;
	(pc) =	sbr.rel @!p0 .LBB2_13-.Ltmp4, $1  }
0x2f: {  	_ =	sdelay $0x3  }
.LBB2_4:
0x30: {  	_ =	swait.ge [sflag:s11], $0x1000  }
0x31: {  	[sflag:s11] =	ssyncset.done $0x0  }
0x32: {  	s22 =	simm.s32 $0x80;
	[sflag:s11] =	ssyncadd.s32 $0xFFFFF000  }
0x33: {  	v2 =	vld [tilespmem:s22+$0x0];
	_ =	sdelay $0x4  }
0x34: {  	v3 =	vand.u32 $0xFFFF, v2  }
0x35: {  	v4 =	vld [tilespmem:s22+$0xFFFFFF80];
	v2 =	vshrl.u32 v2, $0x10;
	_ =	sdelay $0x3  }
0x36: {  	[tilespmem:v3+s12+$0x0] =	vst.idx.add.f32.msk $0xffff, v1  }
0x37: {  	v3 =	vand.u32 $0xFFFF, v4;
	[tilespmem:v2+s12+$0x0] =	vst.idx.add.f32.msk $0xffff, v1  }
0x38: {  	v2 =	vshrl.u32 v4, $0x10;
	v4 =	vld [tilespmem:s22+$0x10];
	_ =	sdelay $0x3  }
0x39: {  	[tilespmem:v3+s12+$0x0] =	vst.idx.add.f32.msk $0xffff, v1  }
0x3a: {  	[tilespmem:v2+s12+$0x0] =	vst.idx.add.f32.msk $0xffff, v1;
	v2 =	vand.u32 $0xFFFF, v4  }
0x3b: {  	v3 =	vld [tilespmem:s22+$0xFFFFFF90];
	v4 =	vshrl.u32 v4, $0x10;
	_ =	sdelay $0x3  }
0x3c: {  	[tilespmem:v2+s12+$0x0] =	vst.idx.add.f32.msk $0xffff, v1  }
0x3d: {  	v2 =	vand.u32 $0xFFFF, v3;
	[tilespmem:v4+s12+$0x0] =	vst.idx.add.f32.msk $0xffff, v1  }
0x3e: {  	v3 =	vshrl.u32 v3, $0x10;
	v4 =	vld [tilespmem:s22+$0x20];
	_ =	sdelay $0x3  }
0x3f: {  	[tilespmem:v2+s12+$0x0] =	vst.idx.add.f32.msk $0xffff, v1  }
0x40: {  	[tilespmem:v3+s12+$0x0] =	vst.idx.add.f32.msk $0xffff, v1;
	v2 =	vand.u32 $0xFFFF, v4  }
0x41: {  	v3 =	vld [tilespmem:s22+$0xFFFFFFA0];
	v4 =	vshrl.u32 v4, $0x10;
	_ =	sdelay $0x3  }
0x42: {  	[tilespmem:v2+s12+$0x0] =	vst.idx.add.f32.msk $0xffff, v1  }
0x43: {  	v2 =	vand.u32 $0xFFFF, v3;
	[tilespmem:v4+s12+$0x0] =	vst.idx.add.f32.msk $0xffff, v1  }
0x44: {  	v3 =	vshrl.u32 v3, $0x10;
	v4 =	vld [tilespmem:s22+$0x30];
	_ =	sdelay $0x3  }
0x45: {  	[tilespmem:v2+s12+$0x0] =	vst.idx.add.f32.msk $0xffff, v1  }
0x46: {  	[tilespmem:v3+s12+$0x0] =	vst.idx.add.f32.msk $0xffff, v1;
	v2 =	vand.u32 $0xFFFF, v4  }
0x47: {  	v3 =	vld [tilespmem:s22+$0xFFFFFFB0];
	v4 =	vshrl.u32 v4, $0x10;
	_ =	sdelay $0x1  }
0x48: {  	s19 =	simm.s32 $0x180  }
0x49: {  	v5 =	vld [tilespmem:s19+$0x0]  }
0x4a: {  	[tilespmem:v2+s12+$0x0] =	vst.idx.add.f32.msk $0xffff, v1  }
0x4b: {  	v2 =	vand.u32 $0xFFFF, v3;
	[tilespmem:v4+s12+$0x0] =	vst.idx.add.f32.msk $0xffff, v1  }
0x4c: {  	v3 =	vshrl.u32 v3, $0x10;
	v4 =	vld [tilespmem:s22+$0x40];
	_ =	sdelay $0x1  }
0x4d: {  	v6 =	vand.u32 $0xFFFF, v5  }
0x4e: {  	v7 =	vld [tilespmem:s19+$0xFFFFFF80];
	v5 =	vshrl.u32 v5, $0x10  }
0x4f: {  	[tilespmem:v2+s12+$0x0] =	vst.idx.add.f32.msk $0xffff, v1  }
0x50: {  	[tilespmem:v3+s12+$0x0] =	vst.idx.add.f32.msk $0xffff, v1;
	v2 =	vand.u32 $0xFFFF, v4  }
0x51: {  	v3 =	vld [tilespmem:s22+$0xFFFFFFC0];
	v4 =	vshrl.u32 v4, $0x10  }
0x52: {  	[tilespmem:v6+s12+$0x0] =	vst.idx.add.f32.msk $0xffff, v1  }
0x53: {  	v6 =	vand.u32 $0xFFFF, v7;
	[tilespmem:v5+s12+$0x0] =	vst.idx.add.f32.msk $0xffff, v1  }
0x54: {  	v5 =	vshrl.u32 v7, $0x10;
	v7 =	vld [tilespmem:s19+$0x10]  }
0x55: {  	[tilespmem:v2+s12+$0x0] =	vst.idx.add.f32.msk $0xffff, v1  }
0x56: {  	v2 =	vand.u32 $0xFFFF, v3;
	[tilespmem:v4+s12+$0x0] =	vst.idx.add.f32.msk $0xffff, v1  }
0x57: {  	v3 =	vshrl.u32 v3, $0x10;
	v4 =	vld [tilespmem:s22+$0x50]  }
0x58: {  	[tilespmem:v6+s12+$0x0] =	vst.idx.add.f32.msk $0xffff, v1  }
0x59: {  	[tilespmem:v5+s12+$0x0] =	vst.idx.add.f32.msk $0xffff, v1;
	v5 =	vand.u32 $0xFFFF, v7  }
0x5a: {  	v6 =	vld [tilespmem:s19+$0xFFFFFF90];
	v7 =	vshrl.u32 v7, $0x10  }
0x5b: {  	[tilespmem:v2+s12+$0x0] =	vst.idx.add.f32.msk $0xffff, v1  }
0x5c: {  	[tilespmem:v3+s12+$0x0] =	vst.idx.add.f32.msk $0xffff, v1;
	v2 =	vand.u32 $0xFFFF, v4  }
0x5d: {  	v3 =	vld [tilespmem:s22+$0xFFFFFFD0];
	v4 =	vshrl.u32 v4, $0x10  }
0x5e: {  	[tilespmem:v5+s12+$0x0] =	vst.idx.add.f32.msk $0xffff, v1  }
0x5f: {  	v5 =	vand.u32 $0xFFFF, v6;
	[tilespmem:v7+s12+$0x0] =	vst.idx.add.f32.msk $0xffff, v1  }
0x60: {  	v6 =	vshrl.u32 v6, $0x10;
	v7 =	vld [tilespmem:s19+$0x20]  }
0x61: {  	[tilespmem:v2+s12+$0x0] =	vst.idx.add.f32.msk $0xffff, v1  }
0x62: {  	v2 =	vand.u32 $0xFFFF, v3;
	[tilespmem:v4+s12+$0x0] =	vst.idx.add.f32.msk $0xffff, v1  }
0x63: {  	v3 =	vshrl.u32 v3, $0x10;
	v4 =	vld [tilespmem:s22+$0x60]  }
0x64: {  	[tilespmem:v5+s12+$0x0] =	vst.idx.add.f32.msk $0xffff, v1  }
0x65: {  	[tilespmem:v6+s12+$0x0] =	vst.idx.add.f32.msk $0xffff, v1;
	v5 =	vand.u32 $0xFFFF, v7  }
0x66: {  	v6 =	vld [tilespmem:s19+$0xFFFFFFA0];
	v7 =	vshrl.u32 v7, $0x10  }
0x67: {  	[tilespmem:v2+s12+$0x0] =	vst.idx.add.f32.msk $0xffff, v1  }
0x68: {  	[tilespmem:v3+s12+$0x0] =	vst.idx.add.f32.msk $0xffff, v1;
	v2 =	vand.u32 $0xFFFF, v4  }
0x69: {  	v3 =	vld [tilespmem:s22+$0xFFFFFFE0];
	v4 =	vshrl.u32 v4, $0x10  }
0x6a: {  	[tilespmem:v5+s12+$0x0] =	vst.idx.add.f32.msk $0xffff, v1  }
0x6b: {  	v5 =	vand.u32 $0xFFFF, v6;
	[tilespmem:v7+s12+$0x0] =	vst.idx.add.f32.msk $0xffff, v1  }
0x6c: {  	v6 =	vshrl.u32 v6, $0x10;
	v7 =	vld [tilespmem:s19+$0x30]  }
0x6d: {  	[tilespmem:v2+s12+$0x0] =	vst.idx.add.f32.msk $0xffff, v1  }
0x6e: {  	v2 =	vand.u32 $0xFFFF, v3;
	[tilespmem:v4+s12+$0x0] =	vst.idx.add.f32.msk $0xffff, v1  }
0x6f: {  	v3 =	vshrl.u32 v3, $0x10;
	v8 =	vld [tilespmem:s22+$0x70]  }
0x70: {  	[tilespmem:v5+s12+$0x0] =	vst.idx.add.f32.msk $0xffff, v1  }
0x71: {  	[tilespmem:v6+s12+$0x0] =	vst.idx.add.f32.msk $0xffff, v1  }
0x72: {  	v5 =	vld [tilespmem:s19+$0xFFFFFFB0];
	v6 =	vand.u32 $0xFFFF, v7  }
0x73: {  	v7 =	vshrl.u32 v7, $0x10;
	[tilespmem:v2+s12+$0x0] =	vst.idx.add.f32.msk $0xffff, v1  }
0x74: {  	[tilespmem:v3+s12+$0x0] =	vst.idx.add.f32.msk $0xffff, v1;
	v2 =	vand.u32 $0xFFFF, v8  }
0x75: {  	s20 =	simm.s32 $0x2;
	s21 =	simm.s32 $0x280;
	v4 =	vld [tilespmem:s22+$0xFFFFFFF0];
	v3 =	vshrl.u32 v8, $0x10  }
.LBB2_5:
0x76: {  	v8 =	vld [tilespmem:s21+$0x0]  }
0x77: {  	v9 =	vand.u32 $0xFFFF, v5;
	v5 =	vshrl.u32 v5, $0x10;
	[tilespmem:v6+s12+$0x0] =	vst.idx.add.f32.msk $0xffff, v1  }
0x78: {  	[tilespmem:v7+s12+$0x0] =	vst.idx.add.f32.msk $0xffff, v1  }
0x79: {  	[tilespmem:v2+s12+$0x0] =	vst.idx.add.f32.msk $0xffff, v1  }
0x7a: {  	v2 =	vand.u32 $0xFFFF, v4;
	v4 =	vshrl.u32 v4, $0x10;
	[tilespmem:v3+s12+$0x0] =	vst.idx.add.f32.msk $0xffff, v1  }
0x7b: {  	v3 =	vld [tilespmem:s19+$0x40]  }
0x7c: {  	v6 =	vld [tilespmem:s21+$0xFFFFFF80]  }
0x7d: {  	v7 =	vand.u32 $0xFFFF, v8;
	[tilespmem:v9+s12+$0x0] =	vst.idx.add.f32.msk $0xffff, v1  }
0x7e: {  	v8 =	vshrl.u32 v8, $0x10;
	[tilespmem:v5+s12+$0x0] =	vst.idx.add.f32.msk $0xffff, v1  }
0x7f: {  	v5 =	vld [tilespmem:s19+$0xFFFFFFC0]  }
0x80: {  	v9 =	vand.u32 $0xFFFF, v3;
	[tilespmem:v2+s12+$0x0] =	vst.idx.add.f32.msk $0xffff, v1  }
0x81: {  	v3 =	vshrl.u32 v3, $0x10;
	v2 =	vand.u32 $0xFFFF, v6;
	v6 =	vshrl.u32 v6, $0x10;
	[tilespmem:v4+s12+$0x0] =	vst.idx.add.f32.msk $0xffff, v1  }
0x82: {  	[tilespmem:v7+s12+$0x0] =	vst.idx.add.f32.msk $0xffff, v1  }
0x83: {  	s20 =	sadd.s32 $0x2, s20;
	[tilespmem:v8+s12+$0x0] =	vst.idx.add.f32.msk $0xffff, v1  }
0x84: {  	p0 =	slt.u32 s20, $0x1E;
	v4 =	vld [tilespmem:s21+$0x10];
	v7 =	vand.u32 $0xFFFF, v5;
	v5 =	vshrl.u32 v5, $0x10  }
0x85: {  	[tilespmem:v9+s12+$0x0] =	vst.idx.add.f32.msk $0xffff, v1  }
0x86: {  	[tilespmem:v3+s12+$0x0] =	vst.idx.add.f32.msk $0xffff, v1  }
0x87: {  	v3 =	vld [tilespmem:s19+$0x50]  }
0x88: {  	[tilespmem:v2+s12+$0x0] =	vst.idx.add.f32.msk $0xffff, v1  }
0x89: {  	[tilespmem:v6+s12+$0x0] =	vst.idx.add.f32.msk $0xffff, v1;
	v2 =	vand.u32 $0xFFFF, v4  }
0x8a: {  	v4 =	vshrl.u32 v4, $0x10;
	v6 =	vld [tilespmem:s21+$0xFFFFFF90]  }
0x8b: {  	[tilespmem:v7+s12+$0x0] =	vst.idx.add.f32.msk $0xffff, v1  }
0x8c: {  	[tilespmem:v5+s12+$0x0] =	vst.idx.add.f32.msk $0xffff, v1;
	v5 =	vand.u32 $0xFFFF, v3  }
0x8d: {  	v3 =	vshrl.u32 v3, $0x10;
	v7 =	vld [tilespmem:s19+$0xFFFFFFD0]  }
0x8e: {  	[tilespmem:v2+s12+$0x0] =	vst.idx.add.f32.msk $0xffff, v1  }
0x8f: {  	v2 =	vand.u32 $0xFFFF, v6;
	v6 =	vshrl.u32 v6, $0x10;
	[tilespmem:v4+s12+$0x0] =	vst.idx.add.f32.msk $0xffff, v1  }
0x90: {  	v4 =	vld [tilespmem:s21+$0x20]  }
0x91: {  	[tilespmem:v5+s12+$0x0] =	vst.idx.add.f32.msk $0xffff, v1  }
0x92: {  	v5 =	vand.u32 $0xFFFF, v7;
	v7 =	vshrl.u32 v7, $0x10;
	[tilespmem:v3+s12+$0x0] =	vst.idx.add.f32.msk $0xffff, v1  }
0x93: {  	v3 =	vld [tilespmem:s19+$0x60]  }
0x94: {  	[tilespmem:v2+s12+$0x0] =	vst.idx.add.f32.msk $0xffff, v1  }
0x95: {  	[tilespmem:v6+s12+$0x0] =	vst.idx.add.f32.msk $0xffff, v1;
	v2 =	vand.u32 $0xFFFF, v4  }
0x96: {  	v4 =	vshrl.u32 v4, $0x10;
	v6 =	vld [tilespmem:s21+$0xFFFFFFA0]  }
0x97: {  	[tilespmem:v5+s12+$0x0] =	vst.idx.add.f32.msk $0xffff, v1  }
0x98: {  	[tilespmem:v7+s12+$0x0] =	vst.idx.add.f32.msk $0xffff, v1;
	v5 =	vand.u32 $0xFFFF, v3  }
0x99: {  	v3 =	vshrl.u32 v3, $0x10;
	v7 =	vld [tilespmem:s19+$0xFFFFFFE0]  }
0x9a: {  	[tilespmem:v2+s12+$0x0] =	vst.idx.add.f32.msk $0xffff, v1  }
0x9b: {  	v2 =	vand.u32 $0xFFFF, v6;
	v6 =	vshrl.u32 v6, $0x10;
	[tilespmem:v4+s12+$0x0] =	vst.idx.add.f32.msk $0xffff, v1  }
0x9c: {  	v4 =	vld [tilespmem:s21+$0x30]  }
0x9d: {  	[tilespmem:v5+s12+$0x0] =	vst.idx.add.f32.msk $0xffff, v1  }
0x9e: {  	v8 =	vand.u32 $0xFFFF, v7;
	v9 =	vshrl.u32 v7, $0x10;
	[tilespmem:v3+s12+$0x0] =	vst.idx.add.f32.msk $0xffff, v1  }
0x9f: {  	v3 =	vld [tilespmem:s19+$0x70]  }
0xa0: {  	[tilespmem:v2+s12+$0x0] =	vst.idx.add.f32.msk $0xffff, v1  }
.Ltmp5:
0xa1: {  	[tilespmem:v6+s12+$0x0] =	vst.idx.add.f32.msk $0xffff, v1;
	(pc) =	sbr.rel @p0 .LBB2_5-.Ltmp5, $4  }
0xa2: {  	v6 =	vand.u32 $0xFFFF, v4;
	v5 =	vld [tilespmem:s21+$0xFFFFFFB0]  }
0xa3: {  	v7 =	vshrl.u32 v4, $0x10;
	[tilespmem:v8+s12+$0x0] =	vst.idx.add.f32.msk $0xffff, v1  }
0xa4: {  	[tilespmem:v9+s12+$0x0] =	vst.idx.add.f32.msk $0xffff, v1;
	v2 =	vand.u32 $0xFFFF, v3  }
0xa5: {  	v3 =	vshrl.u32 v3, $0x10;
	v4 =	vld [tilespmem:s19+$0xFFFFFFF0];
	s19 =	smov.u32 s21;
	s21 =	sadd.s32 $0x100, s21  }
0xa6: {  	_ =	sdelay $0x1  }
0xa7: {  	v8 =	vand.u32 $0xFFFF, v5  }
0xa8: {  	v5 =	vshrl.u32 v5, $0x10  }
0xa9: {  	[tilespmem:v6+s12+$0x0] =	vst.idx.add.f32.msk $0xffff, v1  }
0xaa: {  	[tilespmem:v7+s12+$0x0] =	vst.idx.add.f32.msk $0xffff, v1  }
0xab: {  	v6 =	vld [tilespmem:s19+$0x40]  }
0xac: {  	[tilespmem:v8+s12+$0x0] =	vst.idx.add.f32.msk $0xffff, v1  }
0xad: {  	[tilespmem:v5+s12+$0x0] =	vst.idx.add.f32.msk $0xffff, v1  }
0xae: {  	v5 =	vld [tilespmem:s19+$0xFFFFFFC0];
	_ =	sdelay $0x1  }
0xaf: {  	v7 =	vand.u32 $0xFFFF, v6  }
0xb0: {  	v6 =	vshrl.u32 v6, $0x10;
	_ =	sdelay $0x1  }
0xb1: {  	v8 =	vand.u32 $0xFFFF, v5  }
0xb2: {  	v5 =	vshrl.u32 v5, $0x10  }
0xb3: {  	[tilespmem:v7+s12+$0x0] =	vst.idx.add.f32.msk $0xffff, v1  }
0xb4: {  	[tilespmem:v6+s12+$0x0] =	vst.idx.add.f32.msk $0xffff, v1  }
0xb5: {  	v6 =	vld [tilespmem:s19+$0x50]  }
0xb6: {  	[tilespmem:v8+s12+$0x0] =	vst.idx.add.f32.msk $0xffff, v1  }
0xb7: {  	[tilespmem:v5+s12+$0x0] =	vst.idx.add.f32.msk $0xffff, v1  }
0xb8: {  	v5 =	vld [tilespmem:s19+$0xFFFFFFD0];
	_ =	sdelay $0x1  }
0xb9: {  	v7 =	vand.u32 $0xFFFF, v6  }
0xba: {  	v6 =	vshrl.u32 v6, $0x10;
	_ =	sdelay $0x1  }
0xbb: {  	v8 =	vand.u32 $0xFFFF, v5  }
0xbc: {  	v5 =	vshrl.u32 v5, $0x10  }
0xbd: {  	[tilespmem:v7+s12+$0x0] =	vst.idx.add.f32.msk $0xffff, v1  }
0xbe: {  	[tilespmem:v6+s12+$0x0] =	vst.idx.add.f32.msk $0xffff, v1  }
0xbf: {  	v6 =	vld [tilespmem:s19+$0x60]  }
0xc0: {  	[tilespmem:v8+s12+$0x0] =	vst.idx.add.f32.msk $0xffff, v1  }
0xc1: {  	[tilespmem:v5+s12+$0x0] =	vst.idx.add.f32.msk $0xffff, v1  }
0xc2: {  	v5 =	vld [tilespmem:s19+$0xFFFFFFE0];
	_ =	sdelay $0x1  }
0xc3: {  	v7 =	vand.u32 $0xFFFF, v6  }
0xc4: {  	v6 =	vshrl.u32 v6, $0x10;
	_ =	sdelay $0x1  }
0xc5: {  	v8 =	vand.u32 $0xFFFF, v5  }
0xc6: {  	v5 =	vshrl.u32 v5, $0x10  }
0xc7: {  	[tilespmem:v7+s12+$0x0] =	vst.idx.add.f32.msk $0xffff, v1  }
0xc8: {  	[tilespmem:v6+s12+$0x0] =	vst.idx.add.f32.msk $0xffff, v1  }
0xc9: {  	v6 =	vld [tilespmem:s19+$0x70]  }
0xca: {  	[tilespmem:v8+s12+$0x0] =	vst.idx.add.f32.msk $0xffff, v1  }
0xcb: {  	[tilespmem:v5+s12+$0x0] =	vst.idx.add.f32.msk $0xffff, v1  }
0xcc: {  	v5 =	vld [tilespmem:s19+$0xFFFFFFF0]  }
0xcd: {  	v7 =	vand.u32 $0xFFFF, v4  }
0xce: {  	v4 =	vshrl.u32 v4, $0x10  }
0xcf: {  	v8 =	vand.u32 $0xFFFF, v6  }
0xd0: {  	[tilespmem:v2+s12+$0x0] =	vst.idx.add.f32.msk $0xffff, v1;
	v2 =	vshrl.u32 v6, $0x10  }
0xd1: {  	[tilespmem:v3+s12+$0x0] =	vst.idx.add.f32.msk $0xffff, v1;
	v3 =	vand.u32 $0xFFFF, v5  }
0xd2: {  	[tilespmem:v7+s12+$0x0] =	vst.idx.add.f32.msk $0xffff, v1;
	v5 =	vshrl.u32 v5, $0x10  }
0xd3: {  	[tilespmem:v4+s12+$0x0] =	vst.idx.add.f32.msk $0xffff, v1  }
0xd4: {  	s31 =	sshll.u32 s18, $0x1;
	[tilespmem:v8+s12+$0x0] =	vst.idx.add.f32.msk $0xffff, v1  }
0xd5: {  	p0 =	seq.s32 s18, $0x12;
	s19 =	sadd.s32 $0x2, s31;
	[tilespmem:v2+s12+$0x0] =	vst.idx.add.f32.msk $0xffff, v1  }
0xd6: {  	s20 =	sshll.u32 @!p0 s19, $0x9;
	[tilespmem:v3+s12+$0x0] =	vst.idx.add.f32.msk $0xffff, v1  }
0xd7: {  	s21 =	simm.s32 @!p0 $0x0;
	s20 =	sadd.s32 @!p0 s20, s4;
	[tilespmem:v5+s12+$0x0] =	vst.idx.add.f32.msk $0xffff, v1  }
0xd8: {  	[tilespmem:s21], [sflag:$0x1] =	stream.linear.gather @!p0 [hbm4b:s20+s21], $0x1000, $0x38;
	[tilespmem:$0xA000] =	vst v63  }
0xd9: {  	_ =	swait.ge [sflag:s13], $0x1000  }
0xda: {  	[sflag:s13] =	ssyncset.done $0x0  }
0xdb: {  	[sflag:s13] =	ssyncadd.s32 $0xFFFFF000  }
0xdc: {  	v2 =	vld [tilespmem:s23+$0xFFFFFF90];
	_ =	sdelay $0x4  }
0xdd: {  	v3 =	vand.u32 $0xFFFF, v2  }
0xde: {  	v4 =	vld [tilespmem:s23+$0xFFFFFF10];
	v2 =	vshrl.u32 v2, $0x10;
	_ =	sdelay $0x3  }
0xdf: {  	[tilespmem:v3+s12+$0x0] =	vst.idx.add.f32.msk $0xffff, v1  }
0xe0: {  	v3 =	vand.u32 $0xFFFF, v4;
	[tilespmem:v2+s12+$0x0] =	vst.idx.add.f32.msk $0xffff, v1  }
0xe1: {  	v2 =	vshrl.u32 v4, $0x10;
	v4 =	vld [tilespmem:s23+$0xFFFFFFA0];
	_ =	sdelay $0x3  }
0xe2: {  	[tilespmem:v3+s12+$0x0] =	vst.idx.add.f32.msk $0xffff, v1  }
0xe3: {  	[tilespmem:v2+s12+$0x0] =	vst.idx.add.f32.msk $0xffff, v1;
	v2 =	vand.u32 $0xFFFF, v4  }
0xe4: {  	v3 =	vld [tilespmem:s23+$0xFFFFFF20];
	v4 =	vshrl.u32 v4, $0x10;
	_ =	sdelay $0x3  }
0xe5: {  	[tilespmem:v2+s12+$0x0] =	vst.idx.add.f32.msk $0xffff, v1  }
0xe6: {  	v2 =	vand.u32 $0xFFFF, v3;
	[tilespmem:v4+s12+$0x0] =	vst.idx.add.f32.msk $0xffff, v1  }
0xe7: {  	v3 =	vshrl.u32 v3, $0x10;
	v4 =	vld [tilespmem:s23+$0xFFFFFFB0];
	_ =	sdelay $0x3  }
0xe8: {  	[tilespmem:v2+s12+$0x0] =	vst.idx.add.f32.msk $0xffff, v1  }
0xe9: {  	[tilespmem:v3+s12+$0x0] =	vst.idx.add.f32.msk $0xffff, v1;
	v2 =	vand.u32 $0xFFFF, v4  }
0xea: {  	v3 =	vld [tilespmem:s23+$0xFFFFFF30];
	v4 =	vshrl.u32 v4, $0x10;
	_ =	sdelay $0x3  }
0xeb: {  	[tilespmem:v2+s12+$0x0] =	vst.idx.add.f32.msk $0xffff, v1  }
0xec: {  	v2 =	vand.u32 $0xFFFF, v3;
	[tilespmem:v4+s12+$0x0] =	vst.idx.add.f32.msk $0xffff, v1  }
0xed: {  	v3 =	vshrl.u32 v3, $0x10;
	v4 =	vld [tilespmem:s23+$0xFFFFFFC0];
	_ =	sdelay $0x3  }
0xee: {  	[tilespmem:v2+s12+$0x0] =	vst.idx.add.f32.msk $0xffff, v1  }
0xef: {  	[tilespmem:v3+s12+$0x0] =	vst.idx.add.f32.msk $0xffff, v1;
	v2 =	vand.u32 $0xFFFF, v4  }
0xf0: {  	v3 =	vld [tilespmem:s23+$0xFFFFFF40];
	v4 =	vshrl.u32 v4, $0x10;
	_ =	sdelay $0x1  }
0xf1: {  	s20 =	simm.s32 $0x11F0  }
0xf2: {  	v5 =	vld [tilespmem:s20+$0xFFFFFF90]  }
0xf3: {  	[tilespmem:v2+s12+$0x0] =	vst.idx.add.f32.msk $0xffff, v1  }
0xf4: {  	v2 =	vand.u32 $0xFFFF, v3;
	[tilespmem:v4+s12+$0x0] =	vst.idx.add.f32.msk $0xffff, v1  }
0xf5: {  	v3 =	vshrl.u32 v3, $0x10;
	v4 =	vld [tilespmem:s23+$0xFFFFFFD0];
	_ =	sdelay $0x1  }
0xf6: {  	v6 =	vand.u32 $0xFFFF, v5  }
0xf7: {  	v7 =	vld [tilespmem:s20+$0xFFFFFF10];
	v5 =	vshrl.u32 v5, $0x10  }
0xf8: {  	[tilespmem:v2+s12+$0x0] =	vst.idx.add.f32.msk $0xffff, v1  }
0xf9: {  	[tilespmem:v3+s12+$0x0] =	vst.idx.add.f32.msk $0xffff, v1;
	v2 =	vand.u32 $0xFFFF, v4  }
0xfa: {  	v3 =	vld [tilespmem:s23+$0xFFFFFF50];
	v4 =	vshrl.u32 v4, $0x10  }
0xfb: {  	[tilespmem:v6+s12+$0x0] =	vst.idx.add.f32.msk $0xffff, v1  }
0xfc: {  	v6 =	vand.u32 $0xFFFF, v7;
	[tilespmem:v5+s12+$0x0] =	vst.idx.add.f32.msk $0xffff, v1  }
0xfd: {  	v5 =	vshrl.u32 v7, $0x10;
	v7 =	vld [tilespmem:s20+$0xFFFFFFA0]  }
0xfe: {  	[tilespmem:v2+s12+$0x0] =	vst.idx.add.f32.msk $0xffff, v1  }
0xff: {  	v2 =	vand.u32 $0xFFFF, v3;
	[tilespmem:v4+s12+$0x0] =	vst.idx.add.f32.msk $0xffff, v1  }
0x100: {  	v3 =	vshrl.u32 v3, $0x10;
	v4 =	vld [tilespmem:s23+$0xFFFFFFE0]  }
0x101: {  	[tilespmem:v6+s12+$0x0] =	vst.idx.add.f32.msk $0xffff, v1  }
0x102: {  	[tilespmem:v5+s12+$0x0] =	vst.idx.add.f32.msk $0xffff, v1;
	v5 =	vand.u32 $0xFFFF, v7  }
0x103: {  	v6 =	vld [tilespmem:s20+$0xFFFFFF20];
	v7 =	vshrl.u32 v7, $0x10  }
0x104: {  	[tilespmem:v2+s12+$0x0] =	vst.idx.add.f32.msk $0xffff, v1  }
0x105: {  	[tilespmem:v3+s12+$0x0] =	vst.idx.add.f32.msk $0xffff, v1;
	v2 =	vand.u32 $0xFFFF, v4  }
0x106: {  	v3 =	vld [tilespmem:s23+$0xFFFFFF60];
	v4 =	vshrl.u32 v4, $0x10  }
0x107: {  	[tilespmem:v5+s12+$0x0] =	vst.idx.add.f32.msk $0xffff, v1  }
0x108: {  	v5 =	vand.u32 $0xFFFF, v6;
	[tilespmem:v7+s12+$0x0] =	vst.idx.add.f32.msk $0xffff, v1  }
0x109: {  	v6 =	vshrl.u32 v6, $0x10;
	v7 =	vld [tilespmem:s20+$0xFFFFFFB0]  }
0x10a: {  	[tilespmem:v2+s12+$0x0] =	vst.idx.add.f32.msk $0xffff, v1  }
0x10b: {  	v2 =	vand.u32 $0xFFFF, v3;
	[tilespmem:v4+s12+$0x0] =	vst.idx.add.f32.msk $0xffff, v1  }
0x10c: {  	v3 =	vshrl.u32 v3, $0x10;
	v4 =	vld [tilespmem:s23+$0xFFFFFFF0]  }
0x10d: {  	[tilespmem:v5+s12+$0x0] =	vst.idx.add.f32.msk $0xffff, v1  }
0x10e: {  	[tilespmem:v6+s12+$0x0] =	vst.idx.add.f32.msk $0xffff, v1;
	v5 =	vand.u32 $0xFFFF, v7  }
0x10f: {  	v6 =	vld [tilespmem:s20+$0xFFFFFF30];
	v7 =	vshrl.u32 v7, $0x10  }
0x110: {  	[tilespmem:v2+s12+$0x0] =	vst.idx.add.f32.msk $0xffff, v1  }
0x111: {  	[tilespmem:v3+s12+$0x0] =	vst.idx.add.f32.msk $0xffff, v1;
	v2 =	vand.u32 $0xFFFF, v4  }
0x112: {  	v3 =	vld [tilespmem:s23+$0xFFFFFF70];
	v4 =	vshrl.u32 v4, $0x10  }
0x113: {  	[tilespmem:v5+s12+$0x0] =	vst.idx.add.f32.msk $0xffff, v1  }
0x114: {  	v5 =	vand.u32 $0xFFFF, v6;
	[tilespmem:v7+s12+$0x0] =	vst.idx.add.f32.msk $0xffff, v1  }
0x115: {  	v6 =	vshrl.u32 v6, $0x10;
	v7 =	vld [tilespmem:s20+$0xFFFFFFC0]  }
0x116: {  	[tilespmem:v2+s12+$0x0] =	vst.idx.add.f32.msk $0xffff, v1  }
0x117: {  	v2 =	vand.u32 $0xFFFF, v3;
	[tilespmem:v4+s12+$0x0] =	vst.idx.add.f32.msk $0xffff, v1  }
0x118: {  	v3 =	vshrl.u32 v3, $0x10;
	v8 =	vld [tilespmem:s23+$0x0]  }
0x119: {  	[tilespmem:v5+s12+$0x0] =	vst.idx.add.f32.msk $0xffff, v1  }
0x11a: {  	[tilespmem:v6+s12+$0x0] =	vst.idx.add.f32.msk $0xffff, v1  }
0x11b: {  	v5 =	vld [tilespmem:s20+$0xFFFFFF40];
	v6 =	vand.u32 $0xFFFF, v7  }
0x11c: {  	v7 =	vshrl.u32 v7, $0x10;
	[tilespmem:v2+s12+$0x0] =	vst.idx.add.f32.msk $0xffff, v1  }
0x11d: {  	[tilespmem:v3+s12+$0x0] =	vst.idx.add.f32.msk $0xffff, v1;
	v2 =	vand.u32 $0xFFFF, v8  }
0x11e: {  	s22 =	simm.s32 $0x12F0;
	s21 =	simm.s32 $0x2;
	v4 =	vld [tilespmem:s23+$0xFFFFFF80];
	v3 =	vshrl.u32 v8, $0x10  }
.LBB2_7:
0x11f: {  	v8 =	vld [tilespmem:s22+$0xFFFFFF90]  }
0x120: {  	v9 =	vand.u32 $0xFFFF, v5;
	v5 =	vshrl.u32 v5, $0x10;
	[tilespmem:v6+s12+$0x0] =	vst.idx.add.f32.msk $0xffff, v1  }
0x121: {  	[tilespmem:v7+s12+$0x0] =	vst.idx.add.f32.msk $0xffff, v1  }
0x122: {  	[tilespmem:v2+s12+$0x0] =	vst.idx.add.f32.msk $0xffff, v1  }
0x123: {  	v2 =	vand.u32 $0xFFFF, v4;
	v4 =	vshrl.u32 v4, $0x10;
	[tilespmem:v3+s12+$0x0] =	vst.idx.add.f32.msk $0xffff, v1  }
0x124: {  	v3 =	vld [tilespmem:s20+$0xFFFFFFD0]  }
0x125: {  	v6 =	vld [tilespmem:s22+$0xFFFFFF10]  }
0x126: {  	v7 =	vand.u32 $0xFFFF, v8;
	[tilespmem:v9+s12+$0x0] =	vst.idx.add.f32.msk $0xffff, v1  }
0x127: {  	v8 =	vshrl.u32 v8, $0x10;
	[tilespmem:v5+s12+$0x0] =	vst.idx.add.f32.msk $0xffff, v1  }
0x128: {  	v5 =	vld [tilespmem:s20+$0xFFFFFF50]  }
0x129: {  	v9 =	vand.u32 $0xFFFF, v3;
	[tilespmem:v2+s12+$0x0] =	vst.idx.add.f32.msk $0xffff, v1  }
0x12a: {  	v3 =	vshrl.u32 v3, $0x10;
	v2 =	vand.u32 $0xFFFF, v6;
	v6 =	vshrl.u32 v6, $0x10;
	[tilespmem:v4+s12+$0x0] =	vst.idx.add.f32.msk $0xffff, v1  }
0x12b: {  	[tilespmem:v7+s12+$0x0] =	vst.idx.add.f32.msk $0xffff, v1  }
0x12c: {  	s21 =	sadd.s32 $0x2, s21;
	[tilespmem:v8+s12+$0x0] =	vst.idx.add.f32.msk $0xffff, v1  }
0x12d: {  	p1 =	slt.u32 s21, $0x1E;
	v4 =	vld [tilespmem:s22+$0xFFFFFFA0];
	v7 =	vand.u32 $0xFFFF, v5;
	v5 =	vshrl.u32 v5, $0x10  }
0x12e: {  	[tilespmem:v9+s12+$0x0] =	vst.idx.add.f32.msk $0xffff, v1  }
0x12f: {  	[tilespmem:v3+s12+$0x0] =	vst.idx.add.f32.msk $0xffff, v1  }
0x130: {  	v3 =	vld [tilespmem:s20+$0xFFFFFFE0]  }
0x131: {  	[tilespmem:v2+s12+$0x0] =	vst.idx.add.f32.msk $0xffff, v1  }
0x132: {  	[tilespmem:v6+s12+$0x0] =	vst.idx.add.f32.msk $0xffff, v1;
	v2 =	vand.u32 $0xFFFF, v4  }
0x133: {  	v4 =	vshrl.u32 v4, $0x10;
	v6 =	vld [tilespmem:s22+$0xFFFFFF20]  }
0x134: {  	[tilespmem:v7+s12+$0x0] =	vst.idx.add.f32.msk $0xffff, v1  }
0x135: {  	[tilespmem:v5+s12+$0x0] =	vst.idx.add.f32.msk $0xffff, v1;
	v5 =	vand.u32 $0xFFFF, v3  }
0x136: {  	v3 =	vshrl.u32 v3, $0x10;
	v7 =	vld [tilespmem:s20+$0xFFFFFF60]  }
0x137: {  	[tilespmem:v2+s12+$0x0] =	vst.idx.add.f32.msk $0xffff, v1  }
0x138: {  	v2 =	vand.u32 $0xFFFF, v6;
	v6 =	vshrl.u32 v6, $0x10;
	[tilespmem:v4+s12+$0x0] =	vst.idx.add.f32.msk $0xffff, v1  }
0x139: {  	v4 =	vld [tilespmem:s22+$0xFFFFFFB0]  }
0x13a: {  	[tilespmem:v5+s12+$0x0] =	vst.idx.add.f32.msk $0xffff, v1  }
0x13b: {  	v5 =	vand.u32 $0xFFFF, v7;
	v7 =	vshrl.u32 v7, $0x10;
	[tilespmem:v3+s12+$0x0] =	vst.idx.add.f32.msk $0xffff, v1  }
0x13c: {  	v3 =	vld [tilespmem:s20+$0xFFFFFFF0]  }
0x13d: {  	[tilespmem:v2+s12+$0x0] =	vst.idx.add.f32.msk $0xffff, v1  }
0x13e: {  	[tilespmem:v6+s12+$0x0] =	vst.idx.add.f32.msk $0xffff, v1;
	v2 =	vand.u32 $0xFFFF, v4  }
0x13f: {  	v4 =	vshrl.u32 v4, $0x10;
	v6 =	vld [tilespmem:s22+$0xFFFFFF30]  }
0x140: {  	[tilespmem:v5+s12+$0x0] =	vst.idx.add.f32.msk $0xffff, v1  }
0x141: {  	[tilespmem:v7+s12+$0x0] =	vst.idx.add.f32.msk $0xffff, v1;
	v5 =	vand.u32 $0xFFFF, v3  }
0x142: {  	v3 =	vshrl.u32 v3, $0x10;
	v7 =	vld [tilespmem:s20+$0xFFFFFF70]  }
0x143: {  	[tilespmem:v2+s12+$0x0] =	vst.idx.add.f32.msk $0xffff, v1  }
0x144: {  	v2 =	vand.u32 $0xFFFF, v6;
	v6 =	vshrl.u32 v6, $0x10;
	[tilespmem:v4+s12+$0x0] =	vst.idx.add.f32.msk $0xffff, v1  }
0x145: {  	v4 =	vld [tilespmem:s22+$0xFFFFFFC0]  }
0x146: {  	[tilespmem:v5+s12+$0x0] =	vst.idx.add.f32.msk $0xffff, v1  }
0x147: {  	v8 =	vand.u32 $0xFFFF, v7;
	v9 =	vshrl.u32 v7, $0x10;
	[tilespmem:v3+s12+$0x0] =	vst.idx.add.f32.msk $0xffff, v1  }
0x148: {  	v3 =	vld [tilespmem:s20+$0x0]  }
0x149: {  	[tilespmem:v2+s12+$0x0] =	vst.idx.add.f32.msk $0xffff, v1  }
.Ltmp6:
0x14a: {  	[tilespmem:v6+s12+$0x0] =	vst.idx.add.f32.msk $0xffff, v1;
	(pc) =	sbr.rel @p1 .LBB2_7-.Ltmp6, $4  }
0x14b: {  	v6 =	vand.u32 $0xFFFF, v4;
	v5 =	vld [tilespmem:s22+$0xFFFFFF40]  }
0x14c: {  	v7 =	vshrl.u32 v4, $0x10;
	[tilespmem:v8+s12+$0x0] =	vst.idx.add.f32.msk $0xffff, v1  }
0x14d: {  	[tilespmem:v9+s12+$0x0] =	vst.idx.add.f32.msk $0xffff, v1;
	v2 =	vand.u32 $0xFFFF, v3  }
0x14e: {  	v3 =	vshrl.u32 v3, $0x10;
	v4 =	vld [tilespmem:s20+$0xFFFFFF80];
	s20 =	smov.u32 s22;
	s22 =	sadd.s32 $0x100, s22  }
0x14f: {  	_ =	sdelay $0x1  }
0x150: {  	v8 =	vand.u32 $0xFFFF, v5  }
0x151: {  	v54 =	vshrl.u32 v5, $0x10  }
0x152: {  	[tilespmem:v6+s12+$0x0] =	vst.idx.add.f32.msk $0xffff, v1  }
0x153: {  	[tilespmem:v7+s12+$0x0] =	vst.idx.add.f32.msk $0xffff, v1  }
0x154: {  	v6 =	vld [tilespmem:s20+$0xFFFFFFD0]  }
0x155: {  	[tilespmem:v8+s12+$0x0] =	vst.idx.add.f32.msk $0xffff, v1  }
0x156: {  	[tilespmem:v54+s12+$0x0] =	vst.idx.add.f32.msk $0xffff, v1  }
0x157: {  	v5 =	vld [tilespmem:s20+$0xFFFFFF50];
	_ =	sdelay $0x1  }
0x158: {  	v55 =	vand.u32 $0xFFFF, v6  }
0x159: {  	v6 =	vshrl.u32 v6, $0x10;
	_ =	sdelay $0x1  }
0x15a: {  	v56 =	vand.u32 $0xFFFF, v5  }
0x15b: {  	v5 =	vshrl.u32 v5, $0x10  }
0x15c: {  	[tilespmem:v55+s12+$0x0] =	vst.idx.add.f32.msk $0xffff, v1  }
0x15d: {  	[tilespmem:v6+s12+$0x0] =	vst.idx.add.f32.msk $0xffff, v1  }
0x15e: {  	v6 =	vld [tilespmem:s20+$0xFFFFFFE0]  }
0x15f: {  	[tilespmem:v56+s12+$0x0] =	vst.idx.add.f32.msk $0xffff, v1  }
0x160: {  	[tilespmem:v5+s12+$0x0] =	vst.idx.add.f32.msk $0xffff, v1  }
0x161: {  	v5 =	vld [tilespmem:s20+$0xFFFFFF60];
	_ =	sdelay $0x1  }
0x162: {  	v57 =	vand.u32 $0xFFFF, v6  }
0x163: {  	v6 =	vshrl.u32 v6, $0x10;
	_ =	sdelay $0x1  }
0x164: {  	v58 =	vand.u32 $0xFFFF, v5  }
0x165: {  	v5 =	vshrl.u32 v5, $0x10  }
0x166: {  	[tilespmem:v57+s12+$0x0] =	vst.idx.add.f32.msk $0xffff, v1  }
0x167: {  	[tilespmem:v6+s12+$0x0] =	vst.idx.add.f32.msk $0xffff, v1  }
0x168: {  	v6 =	vld [tilespmem:s20+$0xFFFFFFF0]  }
0x169: {  	[tilespmem:v58+s12+$0x0] =	vst.idx.add.f32.msk $0xffff, v1  }
0x16a: {  	[tilespmem:v5+s12+$0x0] =	vst.idx.add.f32.msk $0xffff, v1  }
0x16b: {  	v5 =	vld [tilespmem:s20+$0xFFFFFF70];
	_ =	sdelay $0x1  }
0x16c: {  	v59 =	vand.u32 $0xFFFF, v6  }
0x16d: {  	v6 =	vshrl.u32 v6, $0x10;
	_ =	sdelay $0x1  }
0x16e: {  	v60 =	vand.u32 $0xFFFF, v5  }
0x16f: {  	v5 =	vshrl.u32 v5, $0x10  }
0x170: {  	[tilespmem:v59+s12+$0x0] =	vst.idx.add.f32.msk $0xffff, v1  }
0x171: {  	[tilespmem:v6+s12+$0x0] =	vst.idx.add.f32.msk $0xffff, v1  }
0x172: {  	v6 =	vld [tilespmem:s20+$0x0]  }
0x173: {  	[tilespmem:v60+s12+$0x0] =	vst.idx.add.f32.msk $0xffff, v1  }
0x174: {  	[tilespmem:v5+s12+$0x0] =	vst.idx.add.f32.msk $0xffff, v1  }
0x175: {  	v5 =	vld [tilespmem:s20+$0xFFFFFF80]  }
0x176: {  	v61 =	vand.u32 $0xFFFF, v4  }
0x177: {  	v62 =	vshrl.u32 v4, $0x10  }
0x178: {  	v63 =	vand.u32 $0xFFFF, v6  }
0x179: {  	[tilespmem:v2+s12+$0x0] =	vst.idx.add.f32.msk $0xffff, v1;
	v2 =	vshrl.u32 v6, $0x10  }
0x17a: {  	[tilespmem:v3+s12+$0x0] =	vst.idx.add.f32.msk $0xffff, v1;
	v3 =	vand.u32 $0xFFFF, v5  }
0x17b: {  	[tilespmem:v61+s12+$0x0] =	vst.idx.add.f32.msk $0xffff, v1;
	v5 =	vshrl.u32 v5, $0x10  }
0x17c: {  	[tilespmem:v62+s12+$0x0] =	vst.idx.add.f32.msk $0xffff, v1  }
0x17d: {  	[tilespmem:v63+s12+$0x0] =	vst.idx.add.f32.msk $0xffff, v1  }
0x17e: {  	[tilespmem:v2+s12+$0x0] =	vst.idx.add.f32.msk $0xffff, v1  }
0x17f: {  	s20 =	sshll.u32 @!p0 s18, $0xA;
	[tilespmem:v3+s12+$0x0] =	vst.idx.add.f32.msk $0xffff, v1  }
0x180: {  	s21 =	simm.s32 @!p0 $0x0;
	s22 =	simm.s32 @!p0 $0x1000;
	s20 =	sadd.s32 @!p0 s9, s20;
	[tilespmem:v5+s12+$0x0] =	vst.idx.add.f32.msk $0xffff, v1  }
0x181: {  	[tilespmem:s22], [sflag:$0x2] =	stream.linear.gather @!p0 [hbm4b:s20+s21], $0x1000, $0x38;
	[tilespmem:$0xA000] =	vst v63  }
0x182: {  	p0 =	sne.s32 s19, s3  }
.Ltmp7:
0x183: {  	_ = 	snop;
	(pc) =	sbr.rel @p0 .LBB2_12-.Ltmp7, $1  }
0x184: {  	_ =	sdelay $0x3  }
0x185: {  	[hbm4b:s6+s14] =	stream.strided.scatter [tilespmem:s12], [sflag:$0x3], $0x8000, s15, s14, $0x38;
	[tilespmem:$0xA000] =	vst v63  }
0x186: {  	_ =	swait.ge [sflag:s16], $0x8000  }
0x187: {  	[sflag:s16] =	ssyncset.done $0x0  }
0x188: {  	s19 =	simm.s32 $0x2040;
	[sflag:s16] =	ssyncadd.s32 $0xFFFF8000  }
0x189: {  	[tilespmem:s19+$0xFFFFFFC0] =	vst v0  }
0x18a: {  	[tilespmem:s19+$0x30] =	vst v0  }
0x18b: {  	[tilespmem:s19+$0x20] =	vst v0  }
0x18c: {  	[tilespmem:s19+$0x10] =	vst v0  }
0x18d: {  	[tilespmem:s19+$0x0] =	vst v0  }
0x18e: {  	[tilespmem:s19+$0xFFFFFFF0] =	vst v0  }
0x18f: {  	s20 =	simm.s32 $0x0;
	[tilespmem:s19+$0xFFFFFFE0] =	vst v0  }
.LBB2_10:
0x190: {  	s20 =	sadd.s32 $0x8, s20;
	[tilespmem:s19+$0xFFFFFFD0] =	vst v0;
	s19 =	sadd.s32 $0x80, s19  }
0x191: {  	[tilespmem:s19+$0xFFFFFFC0] =	vst v0;
	p0 =	slt.u32 s20, $0x7F8  }
0x192: {  	[tilespmem:s19+$0x30] =	vst v0  }
.Ltmp8:
0x193: {  	[tilespmem:s19+$0x20] =	vst v0;
	(pc) =	sbr.rel @p0 .LBB2_10-.Ltmp8, $4  }
0x194: {  	[tilespmem:s19+$0x10] =	vst v0  }
0x195: {  	[tilespmem:s19+$0x0] =	vst v0  }
0x196: {  	[tilespmem:s19+$0xFFFFFFF0] =	vst v0  }
0x197: {  	[tilespmem:s19+$0xFFFFFFE0] =	vst v0  }
.Ltmp9:
0x198: {  	(pc) =	sbr.rel .LBB2_12-.Ltmp9, $2  }
0x199: {  	_ =	sdelay $0x2  }
0x19a: {  	[tilespmem:s19+$0xFFFFFFD0] =	vst v0  }
.LBB2_14:
0x19b: {  	_ =	sfence.sel $0x180000  }
0x19c: {  	[bflag:$0x0] =	sbarrier.arrive $0xFFFF  }
0x19d: {  	p0 =	sne.s32 s0, $0x0;
	_ =	strace $0x90000047  }
0x19e: {  	s0 =	sadd.s32 @!p0 $0x100000, s1;
	[bflag:$0x2] =	sbarrier.arrive $0xFFFF  }
0x19f: {  	[sflag:s0] =	ssyncadd.tile.s32 @!p0 $0x1;
	_ =	shalt  }
.Lfunc_end2:
_tile_overlayer_lowered:
.L_overlay_start_2:
0x1a0: {  	(tag) =	ssettag $0x2  }
0x1a1: {  	s0 =	rddreg [dreg:$0x0];
	s2 =	stileid.u32  }
0x1a2: {  	s1 =	rddreg [dreg:$0x1];
	p0 =	sne.s32 s2, $0x0  }
0x1a3: {  	s3 =	rddreg [dreg:$0x2];
	[bflag:$0x3] =	sbarrier.arrive $0xFFFF;
	s2 =	simm.s32 @!p0 $0x1C03  }
0x1a4: {  	[timem:s3], [sflag:s2] =	dma.local @!p0 [hbm:s0], s1  }
0x1a5: {  	s0 =	simm.s32 @!p0 $0x3  }
0x1a6: {  	_ =	swait.ge @!p0 [sflag:s0], s1  }
0x1a7: {  	s1 =	ssub.s32 @!p0 $0x0, s1;
	[sflag:s0] =	ssyncset.done @!p0 $0x0  }
0x1a8: {  	[sflag:s0] =	ssyncadd.s32 @!p0 s1  }
0x1a9: {  	[bflag:$0x3] =	sbarrier.arrive $0xFFFF  }
0x1aa: {  	_ =	shalt  }

// kernel: kernel.7.cloned.1.call-start
scs
__scs_entry_jumppad:
0x0: {  	(pc) =	sbr.rel $0x88, $3  }
0x1: {  	(tag) =	ssettag $0x0;
	lr =	simm.s32 $0x1  }
0x2: {  	[smem:$0x3F9F] =	sst lr;
	_ =	strace $0xD0000000  }
0x3: {  	_ = 	snop  }
0x4: {  	_ = 	snop  }
0x5: {  	_ = 	snop  }
0x6: {  	_ = 	snop  }
0x7: {  	_ = 	snop  }
__scs_overlays_trampoline_lowered:
0x8: {  	[smem:$0x3FAE] =	sst s0  }
0x9: {  	[smem:$0x3FAF] =	sst s1  }
0xa: {  	[smem:$0x3FB0] =	sst s2  }
0xb: {  	[smem:$0x3FB1] =	sst s3  }
0xc: {  	[smem:$0x3FB2] =	sst s4  }
0xd: {  	[smem:$0x3FB3] =	sst s5  }
0xe: {  	[smem:$0x3FB4] =	sst s6  }
0xf: {  	[smem:$0x3FB5] =	sst s7  }
0x10: {  	[smem:$0x3FB6] =	sst s8  }
0x11: {  	[smem:$0x3FB7] =	sst s9;
	s0 =	simm.s32 @!p0 $0x0  }
0x12: {  	s1 =	sld [smem:$0x3F9D];
	s0 =	simm.s32 @p0 $0x1  }
0x13: {  	[smem:$0x3FB8] =	sst s0;
	s0 =	simm.s32 @!p1 $0x0  }
0x14: {  	s2 =	sld [smem:$0x3F9C];
	s0 =	simm.s32 @p1 $0x1  }
0x15: {  	[smem:$0x3FB9] =	sst s0;
	s0 =	simm.s32 @!p2 $0x0  }
0x16: {  	s3 =	sld [smem:$0x3FDB];
	s0 =	simm.s32 @p2 $0x1  }
0x17: {  	s4 =	simm.s32 $0x1BF5;
	[smem:$0x3FBB] =	sst s0  }
0x18: {  	s0 =	sld [smem:$0x3F9E];
	_ =	swait.ge [sflag:s4], $0x0  }
0x19: {  	s7 =	sld [smem:$0x3F9F]  }
0x1a: {  	s8 =	sadd.s32 $0xFFFFE003, lr  }
0x1b: {  	s9 =	sadd.s32 $0xFFFFFEF7, lr;
	s5 =	simm.s32 $0xFFFFFFFF;
	p2 =	slt.u32 s8, $0xFFFFF086  }
0x1c: {  	p1 =	slt.u32 s9, $0xF7A;
	s5 =	simm.s32 @!p2 $0x0  }
0x1d: {  	s5 =	simm.s32 @p1 $0x1;
	p0 =	seq.s32 s7, s2  }
0x1e: {  	s7 =	smul.u32 @!p0 $0xF7A, s2;
	p2 =	seq.s32 @!p0 s5, $0x0  }
0x1f: {  	s9 =	smul.u32 $0xF7A, s1;
	s8 =	simm.s32 @!p0 $0x1BF5;
	p2 =	por !p2, p0  }
0x20: {  	[sflag:s8] =	ssyncset.s32 @!p0 $0xFFFFF086;
	s6 =	sadd.s32 @!p0 s3, s7;
	s7 =	simm.s32 @!p0 $0x108  }
0x21: {  	s3 =	sadd.s32 s3, s9;
	s6 =	sadd.s32 @!p0 $0x88, s6;
	s7 =	simm.s32 @p2 $0x1082  }
0x22: {  	[simem:s7], [sflag:s8] =	dma.local @!p0 [hbm:s6], $0xF7A  }
0x23: {  	s9 =	sor.u32 $0xD0000000, s2;
	s6 =	simm.s32 $0x108;
	_ =	swait.ge @!p0 [sflag:s8], $0x0  }
0x24: {  	s3 =	sadd.s32 $0x88, s3;
	s6 =	simm.s32 @!p1 $0x1082;
	[sflag:s4] =	ssyncset.s32 $0xFFFFF086  }
0x25: {  	[simem:s6], [sflag:s4] =	dma.local [hbm:s3], $0xF7A  }
0x26: {  	[smem:$0x3F9F] =	sst s1;
	(tag) =	ssettag s2;
	_ =	strace s9  }
0x27: {  	s1 =	sld [smem:$0x3FAF]  }
0x28: {  	s2 =	sld [smem:$0x3FB0]  }
0x29: {  	s4 =	sld [smem:$0x3FB2]  }
0x2a: {  	p0 =	seq.s32 s5, $0x0;
	s5 =	sld [smem:$0x3FB3]  }
0x2b: {  	s6 =	sld [smem:$0x3FB4]  }
0x2c: {  	s7 =	sld [smem:$0x3FB5]  }
0x2d: {  	s3 =	simm.s32 $0x108;
	s8 =	sld [smem:$0x3FB6]  }
0x2e: {  	s3 =	simm.s32 @!p0 $0x1082;
	s9 =	sld [smem:$0x3FB7]  }
0x2f: {  	lr =	sadd.s32 s0, s3;
	s0 =	sld [smem:$0x3FAE]  }
0x30: {  	s3 =	sld [smem:$0x3FB1]  }
0x31: {  	[smem:$0x3FBA] =	sst s10  }
0x32: {  	s10 =	sld [smem:$0x3FB8];
	_ =	sdelay $0x3  }
0x33: {  	p0 =	seq.s32 s10, $0x1;
	s10 =	sld [smem:$0x3FBA];
	_ =	sdelay $0x3  }
0x34: {  	[smem:$0x3FBA] =	sst s10  }
0x35: {  	s10 =	sld [smem:$0x3FB9];
	_ =	sdelay $0x3  }
0x36: {  	p1 =	seq.s32 s10, $0x1;
	s10 =	sld [smem:$0x3FBA];
	_ =	sdelay $0x3  }
0x37: {  	[smem:$0x3FBA] =	sst s10  }
0x38: {  	s10 =	sld [smem:$0x3FBB]  }
0x39: {  	_ = 	snop;
	(pc) =	sbr.ind lr, $3  }
0x3a: {  	_ = 	snop  }
0x3b: {  	_ = 	snop  }
0x3c: {  	p2 =	seq.s32 s10, $0x1;
	s10 =	sld [smem:$0x3FBA]  }
0x3d: {  	_ =	shalt  }
0x3e: {  	_ =	shalt  }
0x3f: {  	_ =	shalt  }
0x40: {  	_ =	shalt  }
0x41: {  	_ =	shalt  }
0x42: {  	_ =	shalt  }
0x43: {  	_ =	shalt  }
0x44: {  	_ =	shalt  }
0x45: {  	_ =	shalt  }
0x46: {  	_ =	shalt  }
0x47: {  	_ =	shalt  }
0x48: {  	_ =	shalt  }
0x49: {  	_ =	shalt  }
0x4a: {  	_ =	shalt  }
0x4b: {  	_ =	shalt  }
0x4c: {  	_ =	shalt  }
0x4d: {  	_ =	shalt  }
0x4e: {  	_ =	shalt  }
0x4f: {  	_ =	shalt  }
0x50: {  	_ =	shalt  }
0x51: {  	_ =	shalt  }
0x52: {  	_ =	shalt  }
0x53: {  	_ =	shalt  }
0x54: {  	_ =	shalt  }
0x55: {  	_ =	shalt  }
0x56: {  	_ =	shalt  }
0x57: {  	_ =	shalt  }
0x58: {  	_ =	shalt  }
0x59: {  	_ =	shalt  }
0x5a: {  	_ =	shalt  }
0x5b: {  	_ =	shalt  }
0x5c: {  	_ =	shalt  }
0x5d: {  	_ =	shalt  }
0x5e: {  	_ =	shalt  }
0x5f: {  	_ =	shalt  }
0x60: {  	_ =	shalt  }
0x61: {  	_ =	shalt  }
0x62: {  	_ =	shalt  }
0x63: {  	_ =	shalt  }
0x64: {  	_ =	shalt  }
0x65: {  	_ =	shalt  }
0x66: {  	_ =	shalt  }
0x67: {  	_ =	shalt  }
0x68: {  	_ =	shalt  }
0x69: {  	_ =	shalt  }
0x6a: {  	_ =	shalt  }
0x6b: {  	_ =	shalt  }
0x6c: {  	_ =	shalt  }
0x6d: {  	_ =	shalt  }
0x6e: {  	_ =	shalt  }
0x6f: {  	_ =	shalt  }
0x70: {  	_ =	shalt  }
0x71: {  	_ =	shalt  }
0x72: {  	_ =	shalt  }
0x73: {  	_ =	shalt  }
0x74: {  	_ =	shalt  }
0x75: {  	_ =	shalt  }
0x76: {  	_ =	shalt  }
0x77: {  	_ =	shalt  }
0x78: {  	_ =	shalt  }
0x79: {  	_ =	shalt  }
0x7a: {  	_ =	shalt  }
0x7b: {  	_ =	shalt  }
0x7c: {  	_ =	shalt  }
0x7d: {  	_ =	shalt  }
0x7e: {  	_ =	shalt  }
0x7f: {  	_ =	shalt  }
0x80: {  	_ =	shalt  }
0x81: {  	_ =	shalt  }
0x82: {  	_ =	shalt  }
0x83: {  	_ =	shalt  }
0x84: {  	_ =	shalt  }
0x85: {  	_ =	shalt  }
0x86: {  	_ =	shalt  }
0x87: {  	_ =	shalt  }
.Lfunc_end0:
.L_simem_size_0:
called_computation_lowered:
.L_overlay_start_0:
0x88: {  	s2 =	sld [smem:$0x3FD9]  }
0x89: {  	s3 =	sld [smem:$0x3FFE];
	_ =	sdelay $0x1  }
0x8a: {  	s1 =	srdreg.scid  }
0x8b: {  	s0 =	sand.u32 $0x1, s1  }
0x8c: {  	s17 =	sshll.u32 s0, $0xA;
	s2 =	sadd.s32 s3, s2  }
0x8d: {  	s2 =	sadd.s32 s2, s17  }
0x8e: {  	[smem:$0x3FC6] =	sst s2  }
0x8f: {  	_ = 	snop  }
0x90: {  	(tm) =	ssettm $0x1  }
0x91: {  	s18 =	sld [smem:$0x3FFB];
	_ =	sdelay $0x3  }
0x92: {  	_ =	strace s18  }
0x93: {  	s2 =	sld [smem:$0x3FFC];
	_ =	sdelay $0x3  }
0x94: {  	_ =	strace s2  }
0x95: {  	s2 =	sld [smem:$0x3FFD];
	_ =	sdelay $0x3  }
0x96: {  	_ =	strace s2  }
0x97: {  	_ =	strace $0x8FFFFFFF  }
0x98: {  	s19 =	sld [smem:$0x3FDB];
	_ =	sdelay $0x1  }
0x99: {  	s20 =	simm.s32 $_scs_section_size  }
0x9a: {  	s4 =	simm.s32 $_size__tile_overlayer_lowered;
	s5 =	simm.s32 $_tile_overlayer_lowered  }
0x9b: {  	s6 =	simm.s32 $0x1BFF;
	s21 =	sshll.u32 s5, $0x1;
	s3 =	sadd.s32 s20, s19  }
0x9c: {  	s22 =	simm.s32 $0x0;
	s4 =	sshll.u32 s4, $0x1;
	s5 =	sadd.s32 s21, s3  }
0x9d: {  	[timem:s22], [sflag:s6] =	dma.local [hbm:s5], s4  }
0x9e: {  	_ =	swait.ge [sflag:s6], s4  }
0x9f: {  	s4 =	ssub.s32 $0x0, s4;
	[sflag:s6] =	ssyncset.done $0x0  }
0xa0: {  	[sflag:s6] =	ssyncadd.s32 s4;
	_ =	sdelay $0x1  }
0xa1: {  	s23 =	simm.s32 $0x1B8B  }
0xa2: {  	_ =	swait.ge [sflag:s23], $0x1  }
0xa3: {  	[sflag:s23] =	ssyncset.done $0x0  }
0xa4: {  	[sflag:s23] =	ssyncadd.s32 $0xFFFFFFFF  }
0xa5: {  	s4 =	sld [smem:$0x0]  }
0xa6: {  	s5 =	sand.u32 $0xFFFFFFFE, s1  }
0xa7: {  	p0 =	sne.s32 s1, s5  }
0xa8: {  	s5 =	sshll.u32 @p0 s5, $0xE  }
0xa9: {  	s5 =	sadd.s32 @p0 $0x11B8D, s5;
	s6 =	sshll.u32 @p0 s4, $0x11  }
0xaa: {  	s5 =	sor.u32 @p0 s6, s5  }
0xab: {  	[sflag:s5] =	ssyncadd.remote.s32 @p0 $0x1;
	_ =	sdelay $0x1  }
0xac: {  	s5 =	simm.s32 @p0 $0x1B8D  }
0xad: {  	_ =	swait.eq @p0 [sflag:s5], $0x1  }
0xae: {  	[sflag:s5] =	ssyncadd.s32 @p0 $0xFFFFFFFF  }
0xaf: {  	s6 =	sshll.u32 @!p0 s1, $0xE  }
0xb0: {  	s6 =	sor.u32 @!p0 $0x4000, s6;
	s5 =	simm.s32 @!p0 $0x1B8D  }
0xb1: {  	s4 =	sshll.u32 @!p0 s4, $0x11;
	s6 =	sadd.s32 @!p0 $0x11B8D, s6;
	_ =	swait.eq @!p0 [sflag:s5], $0x1  }
0xb2: {  	s4 =	sor.u32 @!p0 s4, s6;
	[sflag:s5] =	ssyncadd.s32 @!p0 $0xFFFFFFFF  }
0xb3: {  	s25 =	simm.s32 $0x1B8E;
	s24 =	sld [smem:$0x3FFE];
	[sflag:s4] =	ssyncadd.remote.s32 @!p0 $0x1  }
0xb4: {  	s26 =	simm.s32 $execute0_lowered;
	[smem:$0x3FD2] =	sst s25  }
0xb5: {  	s5 =	sshll.u32 s26, $0x1;
	_ =	strace $0x80000049;
	[dreg:$0x1] =	wrdreg $0xFFFFFFFF  }
0xb6: {  	s28 =	simm.s32 $_size_execute0_lowered;
	s3 =	sadd.s32 s3, s5;
	[dreg:$0x0] =	wrdreg $0x0  }
0xb7: {  	s5 =	sshll.u32 s28, $0x1;
	[dreg:$0x2] =	wrdreg s3  }
0xb8: {  	[dreg:$0x3] =	wrdreg s5  }
0xb9: {  	[dreg:$0x4] =	wrdreg $0xC0  }
0xba: {  	_ =	task [dreg:s22], $0x5FFFF  }
0xbb: {  	[dreg:$0x1] =	wrdreg $0xFFFFFFFF  }
0xbc: {  	[dreg:$0x0] =	wrdreg $0x60  }
0xbd: {  	[dreg:$0x2] =	wrdreg s24  }
0xbe: {  	[dreg:$0x3] =	wrdreg $0x9  }
0xbf: {  	_ =	task.clear_ibuf [dreg:s22], $0x4FFFF;
	_ =	strace $0x90000049  }
0xc0: {  	s29 =	simm.s32 $0x9;
	_ =	strace $0x8000004B  }
0xc1: {  	_ =	swait.ge [sflag:s29], $0x1  }
0xc2: {  	[sflag:s29] =	ssyncadd.s32 $0xFFFFFFFF  }
0xc3: {  	_ =	strace $0x9000004B  }
0xc4: {  	_ =	sfence  }
0xc5: {  	s30 =	sld [smem:$0x0];
	_ =	sdelay $0x2  }
0xc6: {  	s31 =	sshll.u32 s1, $0xD;
	s1 =	sshrl.u32 s1, $0x2  }
0xc7: {  	s4 =	sand.u32 $0x4000, s31;
	s1 =	sadd.s32 s1, s30  }
0xc8: {  	s0 =	sor.u32 s4, s0;
	s1 =	sshll.u32 s1, $0x11  }
0xc9: {  	s0 =	sor.u32 s1, s0  }
0xca: {  	s0 =	sadd.s32 $0x8F2B, s0  }
0xcb: {  	[sflag:s0] =	ssyncadd.remote.s32 $0x1  }
0xcc: {  	_ =	sfence.sel $0xFFFF  }
0xcd: {  	[dreg:$0x0] =	wrdreg $0xFFFFFFFF;
	(pc) =	sbr.abs _section_cstart, $3  }
0xce: {  	[dreg:$0x1] =	wrdreg $0xFFFFFFFF  }
0xcf: {  	_ =	task.clear_ibuf [dreg:s22], $0x2FFFF;
	_ =	strace $0x9FFFFFFF  }
0xd0: {  	(tm) =	ssettm $0x7FFFFFFF  }
0xd1: {  	_ =	shalt  }
tec
execute0_lowered:
.L_overlay_start_1:
0x0: {  	(tag) =	ssettag $0x1  }
0x1: {  	s1 =	srdreg.scid  }
0x2: {  	s0 =	stileid.u32;
	s4 =	rddreg [dreg:$0x0]  }
0x3: {  	s2 =	simm.s32 $0x0;
	s10 =	simm.s32 $0x1000;
	s11 =	simm.s32 $0x1  }
0x4: {  	s12 =	simm.s32 $0x2000;
	s13 =	simm.s32 $0x2;
	s14 =	simm.s32 $0x80  }
0x5: {  	s15 =	simm.s32 $0x400;
	s16 =	simm.s32 $0x3;
	s17 =	simm.s32 $0x0  }
0x6: {  	s23 =	simm.s32 $0x10F0;
	s3 =	sand.u32 $0x1, s1;
	s1 =	rddreg [dreg:$0x1]  }
0x7: {  	s25 =	sshll.u32 s0, $0x1;
	[smem:$0x7FF] =	sst s2;
	s8 =	sshll.u32 s0, $0xE  }
0x8: {  	s5 =	sor.u32 s3, s25;
	_ =	strace $0x8000004A;
	s3 =	ssub.s32 $0x2, s3  }
0x9: {  	s26 =	sand.u32 $0x38000, s8;
	s6 =	smul.u32 $0x4C00, s5;
	s29 =	sshrl.u32 s3, $0x1  }
0xa: {  	s7 =	smul.u32 $0x4C0, s5;
	s5 =	sshll.u32 s5, $0x5;
	s30 =	ssub.s32 s3, s29  }
.Ltmp0:
0xb: {  	s31 =	sand.u32 $0x60, s5;
	s9 =	sadd.s32 s6, s4;
	(pc) =	sbr.rel .LBB2_1-.Ltmp0, $4  }
0xc: {  	s7 =	sand.u32 $0x7C0, s7;
	s6 =	sadd.s32 s26, s4;
	s8 =	smax.u32 s30, $0x1  }
0xd: {  	s28 =	ssub.s32 $0x800, s7;
	s5 =	sadd.s32 $0xD9000, s9;
	s7 =	sadd.s32 s31, s6  }
0xe: {  	s4 =	sshrl.u32 s28, $0x5;
	s6 =	sadd.s32 $0x170E00, s7;
	s7 =	sadd.s32 $0x170E10, s7  }
0xf: {  	v0 =	vimm.f32 $0.0e+00;
	v1 =	vimm.f32 $1.000000000e+00;
	s3 =	smin.u32 s4, $0x26;
	s4 =	sadd.s32 $0xD8E00, s9;
	s9 =	sadd.s32 $0xD9400, s9  }
.LBB2_13:
0x10: {  	s17 =	sadd.s32 $0x1, s17  }
0x11: {  	p0 =	sne.s32 s17, s8  }
.Ltmp1:
0x12: {  	_ = 	snop;
	(pc) =	sbr.rel @!p0 .LBB2_14-.Ltmp1, $4  }
0x13: {  	[hbm4b:s7+s14] =	stream.strided.scatter [tilespmem:s12], [sflag:$0x3], $0x8000, s15, s14, $0x38;
	[tilespmem:$0xA000] =	vst v63  }
0x14: {  	_ =	swait.ge [sflag:s16], $0x8000  }
0x15: {  	[sflag:s16] =	ssyncset.done $0x0  }
0x16: {  	[sflag:s16] =	ssyncadd.s32 $0xFFFF8000  }
.LBB2_1:
0x17: {  	[tilespmem:s2], [sflag:$0x1] =	stream.linear.gather [hbm4b:s4+s2], $0x1000, $0x38;
	[tilespmem:$0xA000] =	vst v63  }
0x18: {  	s18 =	simm.s32 $0x2040  }
0x19: {  	[tilespmem:s10], [sflag:$0x2] =	stream.linear.gather [hbm4b:s5+s2], $0x1000, $0x38;
	[tilespmem:$0xA000] =	vst v63  }
0x1a: {  	[tilespmem:s18+$0xFFFFFFC0] =	vst v0  }
0x1b: {  	[tilespmem:s18+$0x30] =	vst v0  }
0x1c: {  	[tilespmem:s18+$0x20] =	vst v0  }
0x1d: {  	[tilespmem:s18+$0x10] =	vst v0  }
0x1e: {  	[tilespmem:s18+$0x0] =	vst v0  }
0x1f: {  	[tilespmem:s18+$0xFFFFFFF0] =	vst v0  }
0x20: {  	s19 =	simm.s32 $0x0;
	[tilespmem:s18+$0xFFFFFFE0] =	vst v0  }
.LBB2_2:
0x21: {  	s19 =	sadd.s32 $0x8, s19;
	[tilespmem:s18+$0xFFFFFFD0] =	vst v0;
	s18 =	sadd.s32 $0x80, s18  }
0x22: {  	[tilespmem:s18+$0xFFFFFFC0] =	vst v0;
	p0 =	slt.u32 s19, $0x7F8  }
0x23: {  	[tilespmem:s18+$0x30] =	vst v0  }
.Ltmp2:
0x24: {  	[tilespmem:s18+$0x20] =	vst v0;
	(pc) =	sbr.rel @p0 .LBB2_2-.Ltmp2, $4  }
0x25: {  	[tilespmem:s18+$0x10] =	vst v0  }
0x26: {  	[tilespmem:s18+$0x0] =	vst v0  }
0x27: {  	[tilespmem:s18+$0xFFFFFFF0] =	vst v0  }
0x28: {  	[tilespmem:s18+$0xFFFFFFE0] =	vst v0  }
.Ltmp3:
0x29: {  	(pc) =	sbr.rel .LBB2_4-.Ltmp3, $2  }
0x2a: {  	_ =	sdelay $0x2  }
0x2b: {  	[tilespmem:s18+$0xFFFFFFD0] =	vst v0;
	s18 =	simm.s32 $0x0  }
.LBB2_12:
0x2c: {  	s18 =	sadd.s32 $0x1, s18  }
0x2d: {  	p0 =	sne.s32 s18, $0x13  }
.Ltmp4:
0x2e: {  	_ = 	snop;
	(pc) =	sbr.rel @!p0 .LBB2_13-.Ltmp4, $1  }
0x2f: {  	_ =	sdelay $0x3  }
.LBB2_4:
0x30: {  	_ =	swait.ge [sflag:s11], $0x1000  }
0x31: {  	[sflag:s11] =	ssyncset.done $0x0  }
0x32: {  	s22 =	simm.s32 $0x80;
	[sflag:s11] =	ssyncadd.s32 $0xFFFFF000  }
0x33: {  	v2 =	vld [tilespmem:s22+$0x0];
	_ =	sdelay $0x4  }
0x34: {  	v3 =	vand.u32 $0xFFFF, v2  }
0x35: {  	v4 =	vld [tilespmem:s22+$0xFFFFFF80];
	v2 =	vshrl.u32 v2, $0x10;
	_ =	sdelay $0x3  }
0x36: {  	[tilespmem:v3+s12+$0x0] =	vst.idx.add.f32.msk $0xffff, v1  }
0x37: {  	v3 =	vand.u32 $0xFFFF, v4;
	[tilespmem:v2+s12+$0x0] =	vst.idx.add.f32.msk $0xffff, v1  }
0x38: {  	v2 =	vshrl.u32 v4, $0x10;
	v4 =	vld [tilespmem:s22+$0x10];
	_ =	sdelay $0x3  }
0x39: {  	[tilespmem:v3+s12+$0x0] =	vst.idx.add.f32.msk $0xffff, v1  }
0x3a: {  	[tilespmem:v2+s12+$0x0] =	vst.idx.add.f32.msk $0xffff, v1;
	v2 =	vand.u32 $0xFFFF, v4  }
0x3b: {  	v3 =	vld [tilespmem:s22+$0xFFFFFF90];
	v4 =	vshrl.u32 v4, $0x10;
	_ =	sdelay $0x3  }
0x3c: {  	[tilespmem:v2+s12+$0x0] =	vst.idx.add.f32.msk $0xffff, v1  }
0x3d: {  	v2 =	vand.u32 $0xFFFF, v3;
	[tilespmem:v4+s12+$0x0] =	vst.idx.add.f32.msk $0xffff, v1  }
0x3e: {  	v3 =	vshrl.u32 v3, $0x10;
	v4 =	vld [tilespmem:s22+$0x20];
	_ =	sdelay $0x3  }
0x3f: {  	[tilespmem:v2+s12+$0x0] =	vst.idx.add.f32.msk $0xffff, v1  }
0x40: {  	[tilespmem:v3+s12+$0x0] =	vst.idx.add.f32.msk $0xffff, v1;
	v2 =	vand.u32 $0xFFFF, v4  }
0x41: {  	v3 =	vld [tilespmem:s22+$0xFFFFFFA0];
	v4 =	vshrl.u32 v4, $0x10;
	_ =	sdelay $0x3  }
0x42: {  	[tilespmem:v2+s12+$0x0] =	vst.idx.add.f32.msk $0xffff, v1  }
0x43: {  	v2 =	vand.u32 $0xFFFF, v3;
	[tilespmem:v4+s12+$0x0] =	vst.idx.add.f32.msk $0xffff, v1  }
0x44: {  	v3 =	vshrl.u32 v3, $0x10;
	v4 =	vld [tilespmem:s22+$0x30];
	_ =	sdelay $0x3  }
0x45: {  	[tilespmem:v2+s12+$0x0] =	vst.idx.add.f32.msk $0xffff, v1  }
0x46: {  	[tilespmem:v3+s12+$0x0] =	vst.idx.add.f32.msk $0xffff, v1;
	v2 =	vand.u32 $0xFFFF, v4  }
0x47: {  	v3 =	vld [tilespmem:s22+$0xFFFFFFB0];
	v4 =	vshrl.u32 v4, $0x10;
	_ =	sdelay $0x1  }
0x48: {  	s19 =	simm.s32 $0x180  }
0x49: {  	v5 =	vld [tilespmem:s19+$0x0]  }
0x4a: {  	[tilespmem:v2+s12+$0x0] =	vst.idx.add.f32.msk $0xffff, v1  }
0x4b: {  	v2 =	vand.u32 $0xFFFF, v3;
	[tilespmem:v4+s12+$0x0] =	vst.idx.add.f32.msk $0xffff, v1  }
0x4c: {  	v3 =	vshrl.u32 v3, $0x10;
	v4 =	vld [tilespmem:s22+$0x40];
	_ =	sdelay $0x1  }
0x4d: {  	v6 =	vand.u32 $0xFFFF, v5  }
0x4e: {  	v7 =	vld [tilespmem:s19+$0xFFFFFF80];
	v5 =	vshrl.u32 v5, $0x10  }
0x4f: {  	[tilespmem:v2+s12+$0x0] =	vst.idx.add.f32.msk $0xffff, v1  }
0x50: {  	[tilespmem:v3+s12+$0x0] =	vst.idx.add.f32.msk $0xffff, v1;
	v2 =	vand.u32 $0xFFFF, v4  }
0x51: {  	v3 =	vld [tilespmem:s22+$0xFFFFFFC0];
	v4 =	vshrl.u32 v4, $0x10  }
0x52: {  	[tilespmem:v6+s12+$0x0] =	vst.idx.add.f32.msk $0xffff, v1  }
0x53: {  	v6 =	vand.u32 $0xFFFF, v7;
	[tilespmem:v5+s12+$0x0] =	vst.idx.add.f32.msk $0xffff, v1  }
0x54: {  	v5 =	vshrl.u32 v7, $0x10;
	v7 =	vld [tilespmem:s19+$0x10]  }
0x55: {  	[tilespmem:v2+s12+$0x0] =	vst.idx.add.f32.msk $0xffff, v1  }
0x56: {  	v2 =	vand.u32 $0xFFFF, v3;
	[tilespmem:v4+s12+$0x0] =	vst.idx.add.f32.msk $0xffff, v1  }
0x57: {  	v3 =	vshrl.u32 v3, $0x10;
	v4 =	vld [tilespmem:s22+$0x50]  }
0x58: {  	[tilespmem:v6+s12+$0x0] =	vst.idx.add.f32.msk $0xffff, v1  }
0x59: {  	[tilespmem:v5+s12+$0x0] =	vst.idx.add.f32.msk $0xffff, v1;
	v5 =	vand.u32 $0xFFFF, v7  }
0x5a: {  	v6 =	vld [tilespmem:s19+$0xFFFFFF90];
	v7 =	vshrl.u32 v7, $0x10  }
0x5b: {  	[tilespmem:v2+s12+$0x0] =	vst.idx.add.f32.msk $0xffff, v1  }
0x5c: {  	[tilespmem:v3+s12+$0x0] =	vst.idx.add.f32.msk $0xffff, v1;
	v2 =	vand.u32 $0xFFFF, v4  }
0x5d: {  	v3 =	vld [tilespmem:s22+$0xFFFFFFD0];
	v4 =	vshrl.u32 v4, $0x10  }
0x5e: {  	[tilespmem:v5+s12+$0x0] =	vst.idx.add.f32.msk $0xffff, v1  }
0x5f: {  	v5 =	vand.u32 $0xFFFF, v6;
	[tilespmem:v7+s12+$0x0] =	vst.idx.add.f32.msk $0xffff, v1  }
0x60: {  	v6 =	vshrl.u32 v6, $0x10;
	v7 =	vld [tilespmem:s19+$0x20]  }
0x61: {  	[tilespmem:v2+s12+$0x0] =	vst.idx.add.f32.msk $0xffff, v1  }
0x62: {  	v2 =	vand.u32 $0xFFFF, v3;
	[tilespmem:v4+s12+$0x0] =	vst.idx.add.f32.msk $0xffff, v1  }
0x63: {  	v3 =	vshrl.u32 v3, $0x10;
	v4 =	vld [tilespmem:s22+$0x60]  }
0x64: {  	[tilespmem:v5+s12+$0x0] =	vst.idx.add.f32.msk $0xffff, v1  }
0x65: {  	[tilespmem:v6+s12+$0x0] =	vst.idx.add.f32.msk $0xffff, v1;
	v5 =	vand.u32 $0xFFFF, v7  }
0x66: {  	v6 =	vld [tilespmem:s19+$0xFFFFFFA0];
	v7 =	vshrl.u32 v7, $0x10  }
0x67: {  	[tilespmem:v2+s12+$0x0] =	vst.idx.add.f32.msk $0xffff, v1  }
0x68: {  	[tilespmem:v3+s12+$0x0] =	vst.idx.add.f32.msk $0xffff, v1;
	v2 =	vand.u32 $0xFFFF, v4  }
0x69: {  	v3 =	vld [tilespmem:s22+$0xFFFFFFE0];
	v4 =	vshrl.u32 v4, $0x10  }
0x6a: {  	[tilespmem:v5+s12+$0x0] =	vst.idx.add.f32.msk $0xffff, v1  }
0x6b: {  	v5 =	vand.u32 $0xFFFF, v6;
	[tilespmem:v7+s12+$0x0] =	vst.idx.add.f32.msk $0xffff, v1  }
0x6c: {  	v6 =	vshrl.u32 v6, $0x10;
	v7 =	vld [tilespmem:s19+$0x30]  }
0x6d: {  	[tilespmem:v2+s12+$0x0] =	vst.idx.add.f32.msk $0xffff, v1  }
0x6e: {  	v2 =	vand.u32 $0xFFFF, v3;
	[tilespmem:v4+s12+$0x0] =	vst.idx.add.f32.msk $0xffff, v1  }
0x6f: {  	v3 =	vshrl.u32 v3, $0x10;
	v8 =	vld [tilespmem:s22+$0x70]  }
0x70: {  	[tilespmem:v5+s12+$0x0] =	vst.idx.add.f32.msk $0xffff, v1  }
0x71: {  	[tilespmem:v6+s12+$0x0] =	vst.idx.add.f32.msk $0xffff, v1  }
0x72: {  	v5 =	vld [tilespmem:s19+$0xFFFFFFB0];
	v6 =	vand.u32 $0xFFFF, v7  }
0x73: {  	v7 =	vshrl.u32 v7, $0x10;
	[tilespmem:v2+s12+$0x0] =	vst.idx.add.f32.msk $0xffff, v1  }
0x74: {  	[tilespmem:v3+s12+$0x0] =	vst.idx.add.f32.msk $0xffff, v1;
	v2 =	vand.u32 $0xFFFF, v8  }
0x75: {  	s20 =	simm.s32 $0x2;
	s21 =	simm.s32 $0x280;
	v4 =	vld [tilespmem:s22+$0xFFFFFFF0];
	v3 =	vshrl.u32 v8, $0x10  }
.LBB2_5:
0x76: {  	v8 =	vld [tilespmem:s21+$0x0]  }
0x77: {  	v9 =	vand.u32 $0xFFFF, v5;
	v5 =	vshrl.u32 v5, $0x10;
	[tilespmem:v6+s12+$0x0] =	vst.idx.add.f32.msk $0xffff, v1  }
0x78: {  	[tilespmem:v7+s12+$0x0] =	vst.idx.add.f32.msk $0xffff, v1  }
0x79: {  	[tilespmem:v2+s12+$0x0] =	vst.idx.add.f32.msk $0xffff, v1  }
0x7a: {  	v2 =	vand.u32 $0xFFFF, v4;
	v4 =	vshrl.u32 v4, $0x10;
	[tilespmem:v3+s12+$0x0] =	vst.idx.add.f32.msk $0xffff, v1  }
0x7b: {  	v3 =	vld [tilespmem:s19+$0x40]  }
0x7c: {  	v6 =	vld [tilespmem:s21+$0xFFFFFF80]  }
0x7d: {  	v7 =	vand.u32 $0xFFFF, v8;
	[tilespmem:v9+s12+$0x0] =	vst.idx.add.f32.msk $0xffff, v1  }
0x7e: {  	v8 =	vshrl.u32 v8, $0x10;
	[tilespmem:v5+s12+$0x0] =	vst.idx.add.f32.msk $0xffff, v1  }
0x7f: {  	v5 =	vld [tilespmem:s19+$0xFFFFFFC0]  }
0x80: {  	v9 =	vand.u32 $0xFFFF, v3;
	[tilespmem:v2+s12+$0x0] =	vst.idx.add.f32.msk $0xffff, v1  }
0x81: {  	v3 =	vshrl.u32 v3, $0x10;
	v2 =	vand.u32 $0xFFFF, v6;
	v6 =	vshrl.u32 v6, $0x10;
	[tilespmem:v4+s12+$0x0] =	vst.idx.add.f32.msk $0xffff, v1  }
0x82: {  	[tilespmem:v7+s12+$0x0] =	vst.idx.add.f32.msk $0xffff, v1  }
0x83: {  	s20 =	sadd.s32 $0x2, s20;
	[tilespmem:v8+s12+$0x0] =	vst.idx.add.f32.msk $0xffff, v1  }
0x84: {  	p0 =	slt.u32 s20, $0x1E;
	v4 =	vld [tilespmem:s21+$0x10];
	v7 =	vand.u32 $0xFFFF, v5;
	v5 =	vshrl.u32 v5, $0x10  }
0x85: {  	[tilespmem:v9+s12+$0x0] =	vst.idx.add.f32.msk $0xffff, v1  }
0x86: {  	[tilespmem:v3+s12+$0x0] =	vst.idx.add.f32.msk $0xffff, v1  }
0x87: {  	v3 =	vld [tilespmem:s19+$0x50]  }
0x88: {  	[tilespmem:v2+s12+$0x0] =	vst.idx.add.f32.msk $0xffff, v1  }
0x89: {  	[tilespmem:v6+s12+$0x0] =	vst.idx.add.f32.msk $0xffff, v1;
	v2 =	vand.u32 $0xFFFF, v4  }
0x8a: {  	v4 =	vshrl.u32 v4, $0x10;
	v6 =	vld [tilespmem:s21+$0xFFFFFF90]  }
0x8b: {  	[tilespmem:v7+s12+$0x0] =	vst.idx.add.f32.msk $0xffff, v1  }
0x8c: {  	[tilespmem:v5+s12+$0x0] =	vst.idx.add.f32.msk $0xffff, v1;
	v5 =	vand.u32 $0xFFFF, v3  }
0x8d: {  	v3 =	vshrl.u32 v3, $0x10;
	v7 =	vld [tilespmem:s19+$0xFFFFFFD0]  }
0x8e: {  	[tilespmem:v2+s12+$0x0] =	vst.idx.add.f32.msk $0xffff, v1  }
0x8f: {  	v2 =	vand.u32 $0xFFFF, v6;
	v6 =	vshrl.u32 v6, $0x10;
	[tilespmem:v4+s12+$0x0] =	vst.idx.add.f32.msk $0xffff, v1  }
0x90: {  	v4 =	vld [tilespmem:s21+$0x20]  }
0x91: {  	[tilespmem:v5+s12+$0x0] =	vst.idx.add.f32.msk $0xffff, v1  }
0x92: {  	v5 =	vand.u32 $0xFFFF, v7;
	v7 =	vshrl.u32 v7, $0x10;
	[tilespmem:v3+s12+$0x0] =	vst.idx.add.f32.msk $0xffff, v1  }
0x93: {  	v3 =	vld [tilespmem:s19+$0x60]  }
0x94: {  	[tilespmem:v2+s12+$0x0] =	vst.idx.add.f32.msk $0xffff, v1  }
0x95: {  	[tilespmem:v6+s12+$0x0] =	vst.idx.add.f32.msk $0xffff, v1;
	v2 =	vand.u32 $0xFFFF, v4  }
0x96: {  	v4 =	vshrl.u32 v4, $0x10;
	v6 =	vld [tilespmem:s21+$0xFFFFFFA0]  }
0x97: {  	[tilespmem:v5+s12+$0x0] =	vst.idx.add.f32.msk $0xffff, v1  }
0x98: {  	[tilespmem:v7+s12+$0x0] =	vst.idx.add.f32.msk $0xffff, v1;
	v5 =	vand.u32 $0xFFFF, v3  }
0x99: {  	v3 =	vshrl.u32 v3, $0x10;
	v7 =	vld [tilespmem:s19+$0xFFFFFFE0]  }
0x9a: {  	[tilespmem:v2+s12+$0x0] =	vst.idx.add.f32.msk $0xffff, v1  }
0x9b: {  	v2 =	vand.u32 $0xFFFF, v6;
	v6 =	vshrl.u32 v6, $0x10;
	[tilespmem:v4+s12+$0x0] =	vst.idx.add.f32.msk $0xffff, v1  }
0x9c: {  	v4 =	vld [tilespmem:s21+$0x30]  }
0x9d: {  	[tilespmem:v5+s12+$0x0] =	vst.idx.add.f32.msk $0xffff, v1  }
0x9e: {  	v8 =	vand.u32 $0xFFFF, v7;
	v9 =	vshrl.u32 v7, $0x10;
	[tilespmem:v3+s12+$0x0] =	vst.idx.add.f32.msk $0xffff, v1  }
0x9f: {  	v3 =	vld [tilespmem:s19+$0x70]  }
0xa0: {  	[tilespmem:v2+s12+$0x0] =	vst.idx.add.f32.msk $0xffff, v1  }
.Ltmp5:
0xa1: {  	[tilespmem:v6+s12+$0x0] =	vst.idx.add.f32.msk $0xffff, v1;
	(pc) =	sbr.rel @p0 .LBB2_5-.Ltmp5, $4  }
0xa2: {  	v6 =	vand.u32 $0xFFFF, v4;
	v5 =	vld [tilespmem:s21+$0xFFFFFFB0]  }
0xa3: {  	v7 =	vshrl.u32 v4, $0x10;
	[tilespmem:v8+s12+$0x0] =	vst.idx.add.f32.msk $0xffff, v1  }
0xa4: {  	[tilespmem:v9+s12+$0x0] =	vst.idx.add.f32.msk $0xffff, v1;
	v2 =	vand.u32 $0xFFFF, v3  }
0xa5: {  	v3 =	vshrl.u32 v3, $0x10;
	v4 =	vld [tilespmem:s19+$0xFFFFFFF0];
	s19 =	smov.u32 s21;
	s21 =	sadd.s32 $0x100, s21  }
0xa6: {  	_ =	sdelay $0x1  }
0xa7: {  	v8 =	vand.u32 $0xFFFF, v5  }
0xa8: {  	v5 =	vshrl.u32 v5, $0x10  }
0xa9: {  	[tilespmem:v6+s12+$0x0] =	vst.idx.add.f32.msk $0xffff, v1  }
0xaa: {  	[tilespmem:v7+s12+$0x0] =	vst.idx.add.f32.msk $0xffff, v1  }
0xab: {  	v6 =	vld [tilespmem:s19+$0x40]  }
0xac: {  	[tilespmem:v8+s12+$0x0] =	vst.idx.add.f32.msk $0xffff, v1  }
0xad: {  	[tilespmem:v5+s12+$0x0] =	vst.idx.add.f32.msk $0xffff, v1  }
0xae: {  	v5 =	vld [tilespmem:s19+$0xFFFFFFC0];
	_ =	sdelay $0x1  }
0xaf: {  	v7 =	vand.u32 $0xFFFF, v6  }
0xb0: {  	v6 =	vshrl.u32 v6, $0x10;
	_ =	sdelay $0x1  }
0xb1: {  	v8 =	vand.u32 $0xFFFF, v5  }
0xb2: {  	v5 =	vshrl.u32 v5, $0x10  }
0xb3: {  	[tilespmem:v7+s12+$0x0] =	vst.idx.add.f32.msk $0xffff, v1  }
0xb4: {  	[tilespmem:v6+s12+$0x0] =	vst.idx.add.f32.msk $0xffff, v1  }
0xb5: {  	v6 =	vld [tilespmem:s19+$0x50]  }
0xb6: {  	[tilespmem:v8+s12+$0x0] =	vst.idx.add.f32.msk $0xffff, v1  }
0xb7: {  	[tilespmem:v5+s12+$0x0] =	vst.idx.add.f32.msk $0xffff, v1  }
0xb8: {  	v5 =	vld [tilespmem:s19+$0xFFFFFFD0];
	_ =	sdelay $0x1  }
0xb9: {  	v7 =	vand.u32 $0xFFFF, v6  }
0xba: {  	v6 =	vshrl.u32 v6, $0x10;
	_ =	sdelay $0x1  }
0xbb: {  	v8 =	vand.u32 $0xFFFF, v5  }
0xbc: {  	v5 =	vshrl.u32 v5, $0x10  }
0xbd: {  	[tilespmem:v7+s12+$0x0] =	vst.idx.add.f32.msk $0xffff, v1  }
0xbe: {  	[tilespmem:v6+s12+$0x0] =	vst.idx.add.f32.msk $0xffff, v1  }
0xbf: {  	v6 =	vld [tilespmem:s19+$0x60]  }
0xc0: {  	[tilespmem:v8+s12+$0x0] =	vst.idx.add.f32.msk $0xffff, v1  }
0xc1: {  	[tilespmem:v5+s12+$0x0] =	vst.idx.add.f32.msk $0xffff, v1  }
0xc2: {  	v5 =	vld [tilespmem:s19+$0xFFFFFFE0];
	_ =	sdelay $0x1  }
0xc3: {  	v7 =	vand.u32 $0xFFFF, v6  }
0xc4: {  	v6 =	vshrl.u32 v6, $0x10;
	_ =	sdelay $0x1  }
0xc5: {  	v8 =	vand.u32 $0xFFFF, v5  }
0xc6: {  	v5 =	vshrl.u32 v5, $0x10  }
0xc7: {  	[tilespmem:v7+s12+$0x0] =	vst.idx.add.f32.msk $0xffff, v1  }
0xc8: {  	[tilespmem:v6+s12+$0x0] =	vst.idx.add.f32.msk $0xffff, v1  }
0xc9: {  	v6 =	vld [tilespmem:s19+$0x70]  }
0xca: {  	[tilespmem:v8+s12+$0x0] =	vst.idx.add.f32.msk $0xffff, v1  }
0xcb: {  	[tilespmem:v5+s12+$0x0] =	vst.idx.add.f32.msk $0xffff, v1  }
0xcc: {  	v5 =	vld [tilespmem:s19+$0xFFFFFFF0]  }
0xcd: {  	v7 =	vand.u32 $0xFFFF, v4  }
0xce: {  	v4 =	vshrl.u32 v4, $0x10  }
0xcf: {  	v8 =	vand.u32 $0xFFFF, v6  }
0xd0: {  	[tilespmem:v2+s12+$0x0] =	vst.idx.add.f32.msk $0xffff, v1;
	v2 =	vshrl.u32 v6, $0x10  }
0xd1: {  	[tilespmem:v3+s12+$0x0] =	vst.idx.add.f32.msk $0xffff, v1;
	v3 =	vand.u32 $0xFFFF, v5  }
0xd2: {  	[tilespmem:v7+s12+$0x0] =	vst.idx.add.f32.msk $0xffff, v1;
	v5 =	vshrl.u32 v5, $0x10  }
0xd3: {  	[tilespmem:v4+s12+$0x0] =	vst.idx.add.f32.msk $0xffff, v1  }
0xd4: {  	s31 =	sshll.u32 s18, $0x1;
	[tilespmem:v8+s12+$0x0] =	vst.idx.add.f32.msk $0xffff, v1  }
0xd5: {  	p0 =	seq.s32 s18, $0x12;
	s19 =	sadd.s32 $0x2, s31;
	[tilespmem:v2+s12+$0x0] =	vst.idx.add.f32.msk $0xffff, v1  }
0xd6: {  	s20 =	sshll.u32 @!p0 s19, $0x9;
	[tilespmem:v3+s12+$0x0] =	vst.idx.add.f32.msk $0xffff, v1  }
0xd7: {  	s21 =	simm.s32 @!p0 $0x0;
	s20 =	sadd.s32 @!p0 s20, s4;
	[tilespmem:v5+s12+$0x0] =	vst.idx.add.f32.msk $0xffff, v1  }
0xd8: {  	[tilespmem:s21], [sflag:$0x1] =	stream.linear.gather @!p0 [hbm4b:s20+s21], $0x1000, $0x38;
	[tilespmem:$0xA000] =	vst v63  }
0xd9: {  	_ =	swait.ge [sflag:s13], $0x1000  }
0xda: {  	[sflag:s13] =	ssyncset.done $0x0  }
0xdb: {  	[sflag:s13] =	ssyncadd.s32 $0xFFFFF000  }
0xdc: {  	v2 =	vld [tilespmem:s23+$0xFFFFFF90];
	_ =	sdelay $0x4  }
0xdd: {  	v3 =	vand.u32 $0xFFFF, v2  }
0xde: {  	v4 =	vld [tilespmem:s23+$0xFFFFFF10];
	v2 =	vshrl.u32 v2, $0x10;
	_ =	sdelay $0x3  }
0xdf: {  	[tilespmem:v3+s12+$0x0] =	vst.idx.add.f32.msk $0xffff, v1  }
0xe0: {  	v3 =	vand.u32 $0xFFFF, v4;
	[tilespmem:v2+s12+$0x0] =	vst.idx.add.f32.msk $0xffff, v1  }
0xe1: {  	v2 =	vshrl.u32 v4, $0x10;
	v4 =	vld [tilespmem:s23+$0xFFFFFFA0];
	_ =	sdelay $0x3  }
0xe2: {  	[tilespmem:v3+s12+$0x0] =	vst.idx.add.f32.msk $0xffff, v1  }
0xe3: {  	[tilespmem:v2+s12+$0x0] =	vst.idx.add.f32.msk $0xffff, v1;
	v2 =	vand.u32 $0xFFFF, v4  }
0xe4: {  	v3 =	vld [tilespmem:s23+$0xFFFFFF20];
	v4 =	vshrl.u32 v4, $0x10;
	_ =	sdelay $0x3  }
0xe5: {  	[tilespmem:v2+s12+$0x0] =	vst.idx.add.f32.msk $0xffff, v1  }
0xe6: {  	v2 =	vand.u32 $0xFFFF, v3;
	[tilespmem:v4+s12+$0x0] =	vst.idx.add.f32.msk $0xffff, v1  }
0xe7: {  	v3 =	vshrl.u32 v3, $0x10;
	v4 =	vld [tilespmem:s23+$0xFFFFFFB0];
	_ =	sdelay $0x3  }
0xe8: {  	[tilespmem:v2+s12+$0x0] =	vst.idx.add.f32.msk $0xffff, v1  }
0xe9: {  	[tilespmem:v3+s12+$0x0] =	vst.idx.add.f32.msk $0xffff, v1;
	v2 =	vand.u32 $0xFFFF, v4  }
0xea: {  	v3 =	vld [tilespmem:s23+$0xFFFFFF30];
	v4 =	vshrl.u32 v4, $0x10;
	_ =	sdelay $0x3  }
0xeb: {  	[tilespmem:v2+s12+$0x0] =	vst.idx.add.f32.msk $0xffff, v1  }
0xec: {  	v2 =	vand.u32 $0xFFFF, v3;
	[tilespmem:v4+s12+$0x0] =	vst.idx.add.f32.msk $0xffff, v1  }
0xed: {  	v3 =	vshrl.u32 v3, $0x10;
	v4 =	vld [tilespmem:s23+$0xFFFFFFC0];
	_ =	sdelay $0x3  }
0xee: {  	[tilespmem:v2+s12+$0x0] =	vst.idx.add.f32.msk $0xffff, v1  }
0xef: {  	[tilespmem:v3+s12+$0x0] =	vst.idx.add.f32.msk $0xffff, v1;
	v2 =	vand.u32 $0xFFFF, v4  }
0xf0: {  	v3 =	vld [tilespmem:s23+$0xFFFFFF40];
	v4 =	vshrl.u32 v4, $0x10;
	_ =	sdelay $0x1  }
0xf1: {  	s20 =	simm.s32 $0x11F0  }
0xf2: {  	v5 =	vld [tilespmem:s20+$0xFFFFFF90]  }
0xf3: {  	[tilespmem:v2+s12+$0x0] =	vst.idx.add.f32.msk $0xffff, v1  }
0xf4: {  	v2 =	vand.u32 $0xFFFF, v3;
	[tilespmem:v4+s12+$0x0] =	vst.idx.add.f32.msk $0xffff, v1  }
0xf5: {  	v3 =	vshrl.u32 v3, $0x10;
	v4 =	vld [tilespmem:s23+$0xFFFFFFD0];
	_ =	sdelay $0x1  }
0xf6: {  	v6 =	vand.u32 $0xFFFF, v5  }
0xf7: {  	v7 =	vld [tilespmem:s20+$0xFFFFFF10];
	v5 =	vshrl.u32 v5, $0x10  }
0xf8: {  	[tilespmem:v2+s12+$0x0] =	vst.idx.add.f32.msk $0xffff, v1  }
0xf9: {  	[tilespmem:v3+s12+$0x0] =	vst.idx.add.f32.msk $0xffff, v1;
	v2 =	vand.u32 $0xFFFF, v4  }
0xfa: {  	v3 =	vld [tilespmem:s23+$0xFFFFFF50];
	v4 =	vshrl.u32 v4, $0x10  }
0xfb: {  	[tilespmem:v6+s12+$0x0] =	vst.idx.add.f32.msk $0xffff, v1  }
0xfc: {  	v6 =	vand.u32 $0xFFFF, v7;
	[tilespmem:v5+s12+$0x0] =	vst.idx.add.f32.msk $0xffff, v1  }
0xfd: {  	v5 =	vshrl.u32 v7, $0x10;
	v7 =	vld [tilespmem:s20+$0xFFFFFFA0]  }
0xfe: {  	[tilespmem:v2+s12+$0x0] =	vst.idx.add.f32.msk $0xffff, v1  }
0xff: {  	v2 =	vand.u32 $0xFFFF, v3;
	[tilespmem:v4+s12+$0x0] =	vst.idx.add.f32.msk $0xffff, v1  }
0x100: {  	v3 =	vshrl.u32 v3, $0x10;
	v4 =	vld [tilespmem:s23+$0xFFFFFFE0]  }
0x101: {  	[tilespmem:v6+s12+$0x0] =	vst.idx.add.f32.msk $0xffff, v1  }
0x102: {  	[tilespmem:v5+s12+$0x0] =	vst.idx.add.f32.msk $0xffff, v1;
	v5 =	vand.u32 $0xFFFF, v7  }
0x103: {  	v6 =	vld [tilespmem:s20+$0xFFFFFF20];
	v7 =	vshrl.u32 v7, $0x10  }
0x104: {  	[tilespmem:v2+s12+$0x0] =	vst.idx.add.f32.msk $0xffff, v1  }
0x105: {  	[tilespmem:v3+s12+$0x0] =	vst.idx.add.f32.msk $0xffff, v1;
	v2 =	vand.u32 $0xFFFF, v4  }
0x106: {  	v3 =	vld [tilespmem:s23+$0xFFFFFF60];
	v4 =	vshrl.u32 v4, $0x10  }
0x107: {  	[tilespmem:v5+s12+$0x0] =	vst.idx.add.f32.msk $0xffff, v1  }
0x108: {  	v5 =	vand.u32 $0xFFFF, v6;
	[tilespmem:v7+s12+$0x0] =	vst.idx.add.f32.msk $0xffff, v1  }
0x109: {  	v6 =	vshrl.u32 v6, $0x10;
	v7 =	vld [tilespmem:s20+$0xFFFFFFB0]  }
0x10a: {  	[tilespmem:v2+s12+$0x0] =	vst.idx.add.f32.msk $0xffff, v1  }
0x10b: {  	v2 =	vand.u32 $0xFFFF, v3;
	[tilespmem:v4+s12+$0x0] =	vst.idx.add.f32.msk $0xffff, v1  }
0x10c: {  	v3 =	vshrl.u32 v3, $0x10;
	v4 =	vld [tilespmem:s23+$0xFFFFFFF0]  }
0x10d: {  	[tilespmem:v5+s12+$0x0] =	vst.idx.add.f32.msk $0xffff, v1  }
0x10e: {  	[tilespmem:v6+s12+$0x0] =	vst.idx.add.f32.msk $0xffff, v1;
	v5 =	vand.u32 $0xFFFF, v7  }
0x10f: {  	v6 =	vld [tilespmem:s20+$0xFFFFFF30];
	v7 =	vshrl.u32 v7, $0x10  }
0x110: {  	[tilespmem:v2+s12+$0x0] =	vst.idx.add.f32.msk $0xffff, v1  }
0x111: {  	[tilespmem:v3+s12+$0x0] =	vst.idx.add.f32.msk $0xffff, v1;
	v2 =	vand.u32 $0xFFFF, v4  }
0x112: {  	v3 =	vld [tilespmem:s23+$0xFFFFFF70];
	v4 =	vshrl.u32 v4, $0x10  }
0x113: {  	[tilespmem:v5+s12+$0x0] =	vst.idx.add.f32.msk $0xffff, v1  }
0x114: {  	v5 =	vand.u32 $0xFFFF, v6;
	[tilespmem:v7+s12+$0x0] =	vst.idx.add.f32.msk $0xffff, v1  }
0x115: {  	v6 =	vshrl.u32 v6, $0x10;
	v7 =	vld [tilespmem:s20+$0xFFFFFFC0]  }
0x116: {  	[tilespmem:v2+s12+$0x0] =	vst.idx.add.f32.msk $0xffff, v1  }
0x117: {  	v2 =	vand.u32 $0xFFFF, v3;
	[tilespmem:v4+s12+$0x0] =	vst.idx.add.f32.msk $0xffff, v1  }
0x118: {  	v3 =	vshrl.u32 v3, $0x10;
	v8 =	vld [tilespmem:s23+$0x0]  }
0x119: {  	[tilespmem:v5+s12+$0x0] =	vst.idx.add.f32.msk $0xffff, v1  }
0x11a: {  	[tilespmem:v6+s12+$0x0] =	vst.idx.add.f32.msk $0xffff, v1  }
0x11b: {  	v5 =	vld [tilespmem:s20+$0xFFFFFF40];
	v6 =	vand.u32 $0xFFFF, v7  }
0x11c: {  	v7 =	vshrl.u32 v7, $0x10;
	[tilespmem:v2+s12+$0x0] =	vst.idx.add.f32.msk $0xffff, v1  }
0x11d: {  	[tilespmem:v3+s12+$0x0] =	vst.idx.add.f32.msk $0xffff, v1;
	v2 =	vand.u32 $0xFFFF, v8  }
0x11e: {  	s22 =	simm.s32 $0x12F0;
	s21 =	simm.s32 $0x2;
	v4 =	vld [tilespmem:s23+$0xFFFFFF80];
	v3 =	vshrl.u32 v8, $0x10  }
.LBB2_7:
0x11f: {  	v8 =	vld [tilespmem:s22+$0xFFFFFF90]  }
0x120: {  	v9 =	vand.u32 $0xFFFF, v5;
	v5 =	vshrl.u32 v5, $0x10;
	[tilespmem:v6+s12+$0x0] =	vst.idx.add.f32.msk $0xffff, v1  }
0x121: {  	[tilespmem:v7+s12+$0x0] =	vst.idx.add.f32.msk $0xffff, v1  }
0x122: {  	[tilespmem:v2+s12+$0x0] =	vst.idx.add.f32.msk $0xffff, v1  }
0x123: {  	v2 =	vand.u32 $0xFFFF, v4;
	v4 =	vshrl.u32 v4, $0x10;
	[tilespmem:v3+s12+$0x0] =	vst.idx.add.f32.msk $0xffff, v1  }
0x124: {  	v3 =	vld [tilespmem:s20+$0xFFFFFFD0]  }
0x125: {  	v6 =	vld [tilespmem:s22+$0xFFFFFF10]  }
0x126: {  	v7 =	vand.u32 $0xFFFF, v8;
	[tilespmem:v9+s12+$0x0] =	vst.idx.add.f32.msk $0xffff, v1  }
0x127: {  	v8 =	vshrl.u32 v8, $0x10;
	[tilespmem:v5+s12+$0x0] =	vst.idx.add.f32.msk $0xffff, v1  }
0x128: {  	v5 =	vld [tilespmem:s20+$0xFFFFFF50]  }
0x129: {  	v9 =	vand.u32 $0xFFFF, v3;
	[tilespmem:v2+s12+$0x0] =	vst.idx.add.f32.msk $0xffff, v1  }
0x12a: {  	v3 =	vshrl.u32 v3, $0x10;
	v2 =	vand.u32 $0xFFFF, v6;
	v6 =	vshrl.u32 v6, $0x10;
	[tilespmem:v4+s12+$0x0] =	vst.idx.add.f32.msk $0xffff, v1  }
0x12b: {  	[tilespmem:v7+s12+$0x0] =	vst.idx.add.f32.msk $0xffff, v1  }
0x12c: {  	s21 =	sadd.s32 $0x2, s21;
	[tilespmem:v8+s12+$0x0] =	vst.idx.add.f32.msk $0xffff, v1  }
0x12d: {  	p1 =	slt.u32 s21, $0x1E;
	v4 =	vld [tilespmem:s22+$0xFFFFFFA0];
	v7 =	vand.u32 $0xFFFF, v5;
	v5 =	vshrl.u32 v5, $0x10  }
0x12e: {  	[tilespmem:v9+s12+$0x0] =	vst.idx.add.f32.msk $0xffff, v1  }
0x12f: {  	[tilespmem:v3+s12+$0x0] =	vst.idx.add.f32.msk $0xffff, v1  }
0x130: {  	v3 =	vld [tilespmem:s20+$0xFFFFFFE0]  }
0x131: {  	[tilespmem:v2+s12+$0x0] =	vst.idx.add.f32.msk $0xffff, v1  }
0x132: {  	[tilespmem:v6+s12+$0x0] =	vst.idx.add.f32.msk $0xffff, v1;
	v2 =	vand.u32 $0xFFFF, v4  }
0x133: {  	v4 =	vshrl.u32 v4, $0x10;
	v6 =	vld [tilespmem:s22+$0xFFFFFF20]  }
0x134: {  	[tilespmem:v7+s12+$0x0] =	vst.idx.add.f32.msk $0xffff, v1  }
0x135: {  	[tilespmem:v5+s12+$0x0] =	vst.idx.add.f32.msk $0xffff, v1;
	v5 =	vand.u32 $0xFFFF, v3  }
0x136: {  	v3 =	vshrl.u32 v3, $0x10;
	v7 =	vld [tilespmem:s20+$0xFFFFFF60]  }
0x137: {  	[tilespmem:v2+s12+$0x0] =	vst.idx.add.f32.msk $0xffff, v1  }
0x138: {  	v2 =	vand.u32 $0xFFFF, v6;
	v6 =	vshrl.u32 v6, $0x10;
	[tilespmem:v4+s12+$0x0] =	vst.idx.add.f32.msk $0xffff, v1  }
0x139: {  	v4 =	vld [tilespmem:s22+$0xFFFFFFB0]  }
0x13a: {  	[tilespmem:v5+s12+$0x0] =	vst.idx.add.f32.msk $0xffff, v1  }
0x13b: {  	v5 =	vand.u32 $0xFFFF, v7;
	v7 =	vshrl.u32 v7, $0x10;
	[tilespmem:v3+s12+$0x0] =	vst.idx.add.f32.msk $0xffff, v1  }
0x13c: {  	v3 =	vld [tilespmem:s20+$0xFFFFFFF0]  }
0x13d: {  	[tilespmem:v2+s12+$0x0] =	vst.idx.add.f32.msk $0xffff, v1  }
0x13e: {  	[tilespmem:v6+s12+$0x0] =	vst.idx.add.f32.msk $0xffff, v1;
	v2 =	vand.u32 $0xFFFF, v4  }
0x13f: {  	v4 =	vshrl.u32 v4, $0x10;
	v6 =	vld [tilespmem:s22+$0xFFFFFF30]  }
0x140: {  	[tilespmem:v5+s12+$0x0] =	vst.idx.add.f32.msk $0xffff, v1  }
0x141: {  	[tilespmem:v7+s12+$0x0] =	vst.idx.add.f32.msk $0xffff, v1;
	v5 =	vand.u32 $0xFFFF, v3  }
0x142: {  	v3 =	vshrl.u32 v3, $0x10;
	v7 =	vld [tilespmem:s20+$0xFFFFFF70]  }
0x143: {  	[tilespmem:v2+s12+$0x0] =	vst.idx.add.f32.msk $0xffff, v1  }
0x144: {  	v2 =	vand.u32 $0xFFFF, v6;
	v6 =	vshrl.u32 v6, $0x10;
	[tilespmem:v4+s12+$0x0] =	vst.idx.add.f32.msk $0xffff, v1  }
0x145: {  	v4 =	vld [tilespmem:s22+$0xFFFFFFC0]  }
0x146: {  	[tilespmem:v5+s12+$0x0] =	vst.idx.add.f32.msk $0xffff, v1  }
0x147: {  	v8 =	vand.u32 $0xFFFF, v7;
	v9 =	vshrl.u32 v7, $0x10;
	[tilespmem:v3+s12+$0x0] =	vst.idx.add.f32.msk $0xffff, v1  }
0x148: {  	v3 =	vld [tilespmem:s20+$0x0]  }
0x149: {  	[tilespmem:v2+s12+$0x0] =	vst.idx.add.f32.msk $0xffff, v1  }
.Ltmp6:
0x14a: {  	[tilespmem:v6+s12+$0x0] =	vst.idx.add.f32.msk $0xffff, v1;
	(pc) =	sbr.rel @p1 .LBB2_7-.Ltmp6, $4  }
0x14b: {  	v6 =	vand.u32 $0xFFFF, v4;
	v5 =	vld [tilespmem:s22+$0xFFFFFF40]  }
0x14c: {  	v7 =	vshrl.u32 v4, $0x10;
	[tilespmem:v8+s12+$0x0] =	vst.idx.add.f32.msk $0xffff, v1  }
0x14d: {  	[tilespmem:v9+s12+$0x0] =	vst.idx.add.f32.msk $0xffff, v1;
	v2 =	vand.u32 $0xFFFF, v3  }
0x14e: {  	v3 =	vshrl.u32 v3, $0x10;
	v4 =	vld [tilespmem:s20+$0xFFFFFF80];
	s20 =	smov.u32 s22;
	s22 =	sadd.s32 $0x100, s22  }
0x14f: {  	_ =	sdelay $0x1  }
0x150: {  	v8 =	vand.u32 $0xFFFF, v5  }
0x151: {  	v54 =	vshrl.u32 v5, $0x10  }
0x152: {  	[tilespmem:v6+s12+$0x0] =	vst.idx.add.f32.msk $0xffff, v1  }
0x153: {  	[tilespmem:v7+s12+$0x0] =	vst.idx.add.f32.msk $0xffff, v1  }
0x154: {  	v6 =	vld [tilespmem:s20+$0xFFFFFFD0]  }
0x155: {  	[tilespmem:v8+s12+$0x0] =	vst.idx.add.f32.msk $0xffff, v1  }
0x156: {  	[tilespmem:v54+s12+$0x0] =	vst.idx.add.f32.msk $0xffff, v1  }
0x157: {  	v5 =	vld [tilespmem:s20+$0xFFFFFF50];
	_ =	sdelay $0x1  }
0x158: {  	v55 =	vand.u32 $0xFFFF, v6  }
0x159: {  	v6 =	vshrl.u32 v6, $0x10;
	_ =	sdelay $0x1  }
0x15a: {  	v56 =	vand.u32 $0xFFFF, v5  }
0x15b: {  	v5 =	vshrl.u32 v5, $0x10  }
0x15c: {  	[tilespmem:v55+s12+$0x0] =	vst.idx.add.f32.msk $0xffff, v1  }
0x15d: {  	[tilespmem:v6+s12+$0x0] =	vst.idx.add.f32.msk $0xffff, v1  }
0x15e: {  	v6 =	vld [tilespmem:s20+$0xFFFFFFE0]  }
0x15f: {  	[tilespmem:v56+s12+$0x0] =	vst.idx.add.f32.msk $0xffff, v1  }
0x160: {  	[tilespmem:v5+s12+$0x0] =	vst.idx.add.f32.msk $0xffff, v1  }
0x161: {  	v5 =	vld [tilespmem:s20+$0xFFFFFF60];
	_ =	sdelay $0x1  }
0x162: {  	v57 =	vand.u32 $0xFFFF, v6  }
0x163: {  	v6 =	vshrl.u32 v6, $0x10;
	_ =	sdelay $0x1  }
0x164: {  	v58 =	vand.u32 $0xFFFF, v5  }
0x165: {  	v5 =	vshrl.u32 v5, $0x10  }
0x166: {  	[tilespmem:v57+s12+$0x0] =	vst.idx.add.f32.msk $0xffff, v1  }
0x167: {  	[tilespmem:v6+s12+$0x0] =	vst.idx.add.f32.msk $0xffff, v1  }
0x168: {  	v6 =	vld [tilespmem:s20+$0xFFFFFFF0]  }
0x169: {  	[tilespmem:v58+s12+$0x0] =	vst.idx.add.f32.msk $0xffff, v1  }
0x16a: {  	[tilespmem:v5+s12+$0x0] =	vst.idx.add.f32.msk $0xffff, v1  }
0x16b: {  	v5 =	vld [tilespmem:s20+$0xFFFFFF70];
	_ =	sdelay $0x1  }
0x16c: {  	v59 =	vand.u32 $0xFFFF, v6  }
0x16d: {  	v6 =	vshrl.u32 v6, $0x10;
	_ =	sdelay $0x1  }
0x16e: {  	v60 =	vand.u32 $0xFFFF, v5  }
0x16f: {  	v5 =	vshrl.u32 v5, $0x10  }
0x170: {  	[tilespmem:v59+s12+$0x0] =	vst.idx.add.f32.msk $0xffff, v1  }
0x171: {  	[tilespmem:v6+s12+$0x0] =	vst.idx.add.f32.msk $0xffff, v1  }
0x172: {  	v6 =	vld [tilespmem:s20+$0x0]  }
0x173: {  	[tilespmem:v60+s12+$0x0] =	vst.idx.add.f32.msk $0xffff, v1  }
0x174: {  	[tilespmem:v5+s12+$0x0] =	vst.idx.add.f32.msk $0xffff, v1  }
0x175: {  	v5 =	vld [tilespmem:s20+$0xFFFFFF80]  }
0x176: {  	v61 =	vand.u32 $0xFFFF, v4  }
0x177: {  	v62 =	vshrl.u32 v4, $0x10  }
0x178: {  	v63 =	vand.u32 $0xFFFF, v6  }
0x179: {  	[tilespmem:v2+s12+$0x0] =	vst.idx.add.f32.msk $0xffff, v1;
	v2 =	vshrl.u32 v6, $0x10  }
0x17a: {  	[tilespmem:v3+s12+$0x0] =	vst.idx.add.f32.msk $0xffff, v1;
	v3 =	vand.u32 $0xFFFF, v5  }
0x17b: {  	[tilespmem:v61+s12+$0x0] =	vst.idx.add.f32.msk $0xffff, v1;
	v5 =	vshrl.u32 v5, $0x10  }
0x17c: {  	[tilespmem:v62+s12+$0x0] =	vst.idx.add.f32.msk $0xffff, v1  }
0x17d: {  	[tilespmem:v63+s12+$0x0] =	vst.idx.add.f32.msk $0xffff, v1  }
0x17e: {  	[tilespmem:v2+s12+$0x0] =	vst.idx.add.f32.msk $0xffff, v1  }
0x17f: {  	s20 =	sshll.u32 @!p0 s18, $0xA;
	[tilespmem:v3+s12+$0x0] =	vst.idx.add.f32.msk $0xffff, v1  }
0x180: {  	s21 =	simm.s32 @!p0 $0x0;
	s22 =	simm.s32 @!p0 $0x1000;
	s20 =	sadd.s32 @!p0 s9, s20;
	[tilespmem:v5+s12+$0x0] =	vst.idx.add.f32.msk $0xffff, v1  }
0x181: {  	[tilespmem:s22], [sflag:$0x2] =	stream.linear.gather @!p0 [hbm4b:s20+s21], $0x1000, $0x38;
	[tilespmem:$0xA000] =	vst v63  }
0x182: {  	p0 =	sne.s32 s19, s3  }
.Ltmp7:
0x183: {  	_ = 	snop;
	(pc) =	sbr.rel @p0 .LBB2_12-.Ltmp7, $1  }
0x184: {  	_ =	sdelay $0x3  }
0x185: {  	[hbm4b:s6+s14] =	stream.strided.scatter [tilespmem:s12], [sflag:$0x3], $0x8000, s15, s14, $0x38;
	[tilespmem:$0xA000] =	vst v63  }
0x186: {  	_ =	swait.ge [sflag:s16], $0x8000  }
0x187: {  	[sflag:s16] =	ssyncset.done $0x0  }
0x188: {  	s19 =	simm.s32 $0x2040;
	[sflag:s16] =	ssyncadd.s32 $0xFFFF8000  }
0x189: {  	[tilespmem:s19+$0xFFFFFFC0] =	vst v0  }
0x18a: {  	[tilespmem:s19+$0x30] =	vst v0  }
0x18b: {  	[tilespmem:s19+$0x20] =	vst v0  }
0x18c: {  	[tilespmem:s19+$0x10] =	vst v0  }
0x18d: {  	[tilespmem:s19+$0x0] =	vst v0  }
0x18e: {  	[tilespmem:s19+$0xFFFFFFF0] =	vst v0  }
0x18f: {  	s20 =	simm.s32 $0x0;
	[tilespmem:s19+$0xFFFFFFE0] =	vst v0  }
.LBB2_10:
0x190: {  	s20 =	sadd.s32 $0x8, s20;
	[tilespmem:s19+$0xFFFFFFD0] =	vst v0;
	s19 =	sadd.s32 $0x80, s19  }
0x191: {  	[tilespmem:s19+$0xFFFFFFC0] =	vst v0;
	p0 =	slt.u32 s20, $0x7F8  }
0x192: {  	[tilespmem:s19+$0x30] =	vst v0  }
.Ltmp8:
0x193: {  	[tilespmem:s19+$0x20] =	vst v0;
	(pc) =	sbr.rel @p0 .LBB2_10-.Ltmp8, $4  }
0x194: {  	[tilespmem:s19+$0x10] =	vst v0  }
0x195: {  	[tilespmem:s19+$0x0] =	vst v0  }
0x196: {  	[tilespmem:s19+$0xFFFFFFF0] =	vst v0  }
0x197: {  	[tilespmem:s19+$0xFFFFFFE0] =	vst v0  }
.Ltmp9:
0x198: {  	(pc) =	sbr.rel .LBB2_12-.Ltmp9, $2  }
0x199: {  	_ =	sdelay $0x2  }
0x19a: {  	[tilespmem:s19+$0xFFFFFFD0] =	vst v0  }
.LBB2_14:
0x19b: {  	_ =	sfence.sel $0x180000  }
0x19c: {  	[bflag:$0x0] =	sbarrier.arrive $0xFFFF  }
0x19d: {  	p0 =	sne.s32 s0, $0x0;
	_ =	strace $0x9000004A  }
0x19e: {  	s0 =	sadd.s32 @!p0 $0x100000, s1;
	[bflag:$0x2] =	sbarrier.arrive $0xFFFF  }
0x19f: {  	[sflag:s0] =	ssyncadd.tile.s32 @!p0 $0x1;
	_ =	shalt  }
.Lfunc_end2:
_tile_overlayer_lowered:
.L_overlay_start_2:
0x1a0: {  	(tag) =	ssettag $0x2  }
0x1a1: {  	s0 =	rddreg [dreg:$0x0];
	s2 =	stileid.u32  }
0x1a2: {  	s1 =	rddreg [dreg:$0x1];
	p0 =	sne.s32 s2, $0x0  }
0x1a3: {  	s3 =	rddreg [dreg:$0x2];
	[bflag:$0x3] =	sbarrier.arrive $0xFFFF;
	s2 =	simm.s32 @!p0 $0x1C03  }
0x1a4: {  	[timem:s3], [sflag:s2] =	dma.local @!p0 [hbm:s0], s1  }
0x1a5: {  	s0 =	simm.s32 @!p0 $0x3  }
0x1a6: {  	_ =	swait.ge @!p0 [sflag:s0], s1  }
0x1a7: {  	s1 =	ssub.s32 @!p0 $0x0, s1;
	[sflag:s0] =	ssyncset.done @!p0 $0x0  }
0x1a8: {  	[sflag:s0] =	ssyncadd.s32 @!p0 s1  }
0x1a9: {  	[bflag:$0x3] =	sbarrier.arrive $0xFFFF  }
0x1aa: {  	_ =	shalt  }

</sc_bundles>
